<compile_context>
chip_gen: v7x
topology: tpu7x:2x2x1
jax: 0.10.2.dev20260603
libtpu: 0.0.44.dev20260713+nightly
codegen_flags: <defaults>
</compile_context>

<pallas_src>
import functools

import jax
import jax.numpy as jnp
from jax import lax
from jax.experimental import pallas as pl
from jax.experimental.pallas import tpu as pltpu
from jax.experimental.pallas import tpu_sc as plsc

B = 16384
D = 64
CH = 128
L = 16

_info = plsc.get_sparse_core_info()
NC, NS = _info.num_cores, _info.num_subcores
NW = NC * NS
BPW = B // NW
NCH = BPW // CH
NGRP = BPW // L

_mesh = plsc.VectorSubcoreMesh(core_axis_name="c", subcore_axis_name="s")


@functools.partial(
    pl.kernel,
    mesh=_mesh,
    out_type=jax.ShapeDtypeStruct((B,), jnp.float32),
    compiler_params=pltpu.CompilerParams(
        needs_layout_passes=False, use_tc_tiling_on_sc=False),
    scratch_types=[
        pltpu.VMEM((NCH, CH), jnp.int32),
        pltpu.VMEM((NCH, CH), jnp.int32),
        pltpu.VMEM((NCH, CH), jnp.int32),
        pltpu.VMEM((BPW, D), jnp.float32),
        pltpu.VMEM((BPW, D), jnp.float32),
        pltpu.VMEM((BPW, D), jnp.float32),
        pltpu.VMEM((BPW,), jnp.float32),
        pltpu.SemaphoreType.DMA,
    ],
)
def _transe_sc(head_hbm, rel_hbm, tail_hbm, ent_hbm, relt_hbm, out_hbm,
               hi_v, ri_v, ti_v, h_v, r_v, t_v, o_v, sem):
    wid = lax.axis_index("s") * NC + lax.axis_index("c")
    crow = wid * NCH

    pltpu.sync_copy(head_hbm.at[pl.ds(crow, NCH)], hi_v)
    pltpu.sync_copy(rel_hbm.at[pl.ds(crow, NCH)], ri_v)
    pltpu.sync_copy(tail_hbm.at[pl.ds(crow, NCH)], ti_v)

    copies = []
    for c in range(NCH):
        dst = pl.ds(c * CH, CH)
        copies.append(pltpu.async_copy(ent_hbm.at[hi_v.at[c]], h_v.at[dst], sem))
        copies.append(pltpu.async_copy(relt_hbm.at[ri_v.at[c]], r_v.at[dst], sem))
        copies.append(pltpu.async_copy(ent_hbm.at[ti_v.at[c]], t_v.at[dst], sem))
    for cp in copies:
        cp.wait()

    lane = lax.iota(jnp.int32, L)

    def group_body(g, carry):
        row0 = g * L
        out_vec = jnp.zeros((L,), jnp.float32)
        for i in range(L):
            row = row0 + i
            acc = jnp.zeros((L,), jnp.float32)
            for k in range(D // L):
                cs = pl.ds(k * L, L)
                h = h_v[row, cs]
                r = r_v[row, cs]
                t = t_v[row, cs]
                acc = acc + jnp.abs(h + r - t)
            out_vec = jnp.where(lane == i, jnp.sum(acc), out_vec)
        o_v[pl.ds(row0, L)] = out_vec
        return carry

    lax.fori_loop(0, NGRP, group_body, jnp.int32(0))

    pltpu.sync_copy(o_v, out_hbm.at[pl.ds(wid * BPW, BPW)])


def kernel(head, relation, tail, entity_table, relation_table):
    head2 = head.reshape(B // CH, CH)
    rel2 = relation.reshape(B // CH, CH)
    tail2 = tail.reshape(B // CH, CH)
    return _transe_sc(head2, rel2, tail2, entity_table, relation_table)

# --- scband reference (transcript-rebuilt; emitter-appended) ---
"""Pipeline reference for scband-trans-e-18889266168416 (READ-ONLY COPY).

The authoritative reference and input builder live on the scoring server;
editing this copy changes nothing except your own understanding.
"""

import jax, jax.numpy as jnp
import numpy as np

NUM_ENTITIES = 1000000
NUM_RELATIONS = 1000
EMBED_DIM = 64
BATCH = 16384


def setup_inputs(seed: int = 0) -> dict:
    key = jax.random.key(seed)
    k1, k2, k3, k4, k5 = jax.random.split(key, 5)
    head = jax.random.randint(k1, (BATCH,), 0, NUM_ENTITIES, dtype=jnp.int64 if jax.config.jax_enable_x64 else jnp.int32).astype(jnp.int32)
    relation = jax.random.randint(k2, (BATCH,), 0, NUM_RELATIONS).astype(jnp.int32)
    tail = jax.random.randint(k3, (BATCH,), 0, NUM_ENTITIES).astype(jnp.int32)
    entity_table = jax.random.normal(k4, (NUM_ENTITIES, EMBED_DIM), dtype=jnp.float32)
    relation_table = jax.random.normal(k5, (NUM_RELATIONS, EMBED_DIM), dtype=jnp.float32)
    return {
        "head": head,
        "relation": relation,
        "tail": tail,
        "entity_table": entity_table,
        "relation_table": relation_table,
    }


def reference(head, relation, tail, entity_table, relation_table):
    # TransE forward: L1 distance score
    head_embed = jnp.take(entity_table, head, axis=0)        # [B, D] gather
    relation_embed = jnp.take(relation_table, relation, axis=0)  # [B, D] gather
    tail_embed = jnp.take(entity_table, tail, axis=0)        # [B, D] gather
    score = jnp.sum(jnp.abs(head_embed + relation_embed - tail_embed), axis=1)  # L1 norm over dim=1
    return score

if __name__ == "__main__":
    import jax
    _d = setup_inputs()
    print(jax.jit(kernel)(*tuple(_d.values())))

</pallas_src>

<mosaic_0001>
#map = affine_map<(d0, d1) -> (0, 0)>
#map1 = affine_map<(d0, d1) -> (0)>
module attributes {stable_mosaic.version = 14 : i64} {
  func.func @_transe_sc(%arg0: i32, %arg1: i32, %arg2: memref<128x128xi32, #tpu.memory_space<hbm>>, %arg3: memref<128x128xi32, #tpu.memory_space<hbm>>, %arg4: memref<128x128xi32, #tpu.memory_space<hbm>>, %arg5: memref<1000000x64xf32, #tpu.memory_space<hbm>>, %arg6: memref<1000x64xf32, #tpu.memory_space<hbm>>, %arg7: memref<16384xf32, #tpu.memory_space<hbm>>, %arg8: memref<4x128xi32, #tpu.memory_space<vmem>>, %arg9: memref<4x128xi32, #tpu.memory_space<vmem>>, %arg10: memref<4x128xi32, #tpu.memory_space<vmem>>, %arg11: memref<512x64xf32, #tpu.memory_space<vmem>>, %arg12: memref<512x64xf32, #tpu.memory_space<vmem>>, %arg13: memref<512x64xf32, #tpu.memory_space<vmem>>, %arg14: memref<512xf32, #tpu.memory_space<vmem>>, %arg15: memref<!tpu.dma_semaphore, #tpu.memory_space<semaphore_mem>>) attributes {dimension_semantics = [#tpu.dimension_semantics<core_parallel>, #tpu.dimension_semantics<subcore_parallel>], iteration_bounds = array<i64: 2, 16>, scalar_prefetch = 0 : i64, scratch_operands = 8 : i64, tpu.core_type = #tpu.core_type<sc_vector_subcore>, window_params = [{transform_indices = #map}, {transform_indices = #map}, {transform_indices = #map}, {transform_indices = #map}, {transform_indices = #map}, {transform_indices = #map1}]} {
    %mul3A = arith.constant 2 : i32
    %mul3A_0 = arith.muli %arg1, %mul3A : i32
    %add3A = arith.addi %mul3A_0, %arg0 : i32
    %mul3A_1 = arith.constant 4 : i32
    %mul3A_2 = arith.muli %add3A, %mul3A_1 : i32
    "tpu.region"() ({
      %run_scoped3A = tpu.sem_alloc : memref<!tpu.dma_semaphore, #tpu.memory_space<semaphore_mem>>
      %dma_start3A_248 = arith.constant 0 : i32
      %dma_start3A_249 = tpu.memref_slice %arg2[%mul3A_2, %dma_start3A_248] : memref<128x128xi32, #tpu.memory_space<hbm>> -> memref<4x128xi32, #tpu.memory_space<hbm>>
      %dma_start3A_250 = arith.constant 0 : i32
      %dma_start3A_251 = tpu.memref_slice %arg2[%mul3A_2, %dma_start3A_250] : memref<128x128xi32, #tpu.memory_space<hbm>> -> memref<4x128xi32, #tpu.memory_space<hbm>>
      tpu.enqueue_dma source(%dma_start3A_251 : memref<4x128xi32, #tpu.memory_space<hbm>>) target(%arg8 : memref<4x128xi32, #tpu.memory_space<vmem>>) target_semaphore(%run_scoped3A : memref<!tpu.dma_semaphore, #tpu.memory_space<semaphore_mem>>)
      %dma_wait3A_252 = arith.constant 0 : i32
      %dma_wait3A_253 = tpu.memref_slice %arg2[%mul3A_2, %dma_wait3A_252] : memref<128x128xi32, #tpu.memory_space<hbm>> -> memref<4x128xi32, #tpu.memory_space<hbm>>
      %dma_wait3A_254 = arith.constant 0 : i32
      %dma_wait3A_255 = tpu.memref_slice %arg2[%mul3A_2, %dma_wait3A_254] : memref<128x128xi32, #tpu.memory_space<hbm>> -> memref<4x128xi32, #tpu.memory_space<hbm>>
      tpu.wait_dma2 semaphore(%run_scoped3A : memref<!tpu.dma_semaphore, #tpu.memory_space<semaphore_mem>>) src(%dma_wait3A_255 : memref<4x128xi32, #tpu.memory_space<hbm>>) dst(%arg8 : memref<4x128xi32, #tpu.memory_space<vmem>>)
      tpu.yield
    }) : () -> ()
    "tpu.region"() ({
      %run_scoped3A = tpu.sem_alloc : memref<!tpu.dma_semaphore, #tpu.memory_space<semaphore_mem>>
      %dma_start3A_248 = arith.constant 0 : i32
      %dma_start3A_249 = tpu.memref_slice %arg3[%mul3A_2, %dma_start3A_248] : memref<128x128xi32, #tpu.memory_space<hbm>> -> memref<4x128xi32, #tpu.memory_space<hbm>>
      %dma_start3A_250 = arith.constant 0 : i32
      %dma_start3A_251 = tpu.memref_slice %arg3[%mul3A_2, %dma_start3A_250] : memref<128x128xi32, #tpu.memory_space<hbm>> -> memref<4x128xi32, #tpu.memory_space<hbm>>
      tpu.enqueue_dma source(%dma_start3A_251 : memref<4x128xi32, #tpu.memory_space<hbm>>) target(%arg9 : memref<4x128xi32, #tpu.memory_space<vmem>>) target_semaphore(%run_scoped3A : memref<!tpu.dma_semaphore, #tpu.memory_space<semaphore_mem>>)
      %dma_wait3A_252 = arith.constant 0 : i32
      %dma_wait3A_253 = tpu.memref_slice %arg3[%mul3A_2, %dma_wait3A_252] : memref<128x128xi32, #tpu.memory_space<hbm>> -> memref<4x128xi32, #tpu.memory_space<hbm>>
      %dma_wait3A_254 = arith.constant 0 : i32
      %dma_wait3A_255 = tpu.memref_slice %arg3[%mul3A_2, %dma_wait3A_254] : memref<128x128xi32, #tpu.memory_space<hbm>> -> memref<4x128xi32, #tpu.memory_space<hbm>>
      tpu.wait_dma2 semaphore(%run_scoped3A : memref<!tpu.dma_semaphore, #tpu.memory_space<semaphore_mem>>) src(%dma_wait3A_255 : memref<4x128xi32, #tpu.memory_space<hbm>>) dst(%arg9 : memref<4x128xi32, #tpu.memory_space<vmem>>)
      tpu.yield
    }) : () -> ()
    "tpu.region"() ({
      %run_scoped3A = tpu.sem_alloc : memref<!tpu.dma_semaphore, #tpu.memory_space<semaphore_mem>>
      %dma_start3A_248 = arith.constant 0 : i32
      %dma_start3A_249 = tpu.memref_slice %arg4[%mul3A_2, %dma_start3A_248] : memref<128x128xi32, #tpu.memory_space<hbm>> -> memref<4x128xi32, #tpu.memory_space<hbm>>
      %dma_start3A_250 = arith.constant 0 : i32
      %dma_start3A_251 = tpu.memref_slice %arg4[%mul3A_2, %dma_start3A_250] : memref<128x128xi32, #tpu.memory_space<hbm>> -> memref<4x128xi32, #tpu.memory_space<hbm>>
      tpu.enqueue_dma source(%dma_start3A_251 : memref<4x128xi32, #tpu.memory_space<hbm>>) target(%arg10 : memref<4x128xi32, #tpu.memory_space<vmem>>) target_semaphore(%run_scoped3A : memref<!tpu.dma_semaphore, #tpu.memory_space<semaphore_mem>>)
      %dma_wait3A_252 = arith.constant 0 : i32
      %dma_wait3A_253 = tpu.memref_slice %arg4[%mul3A_2, %dma_wait3A_252] : memref<128x128xi32, #tpu.memory_space<hbm>> -> memref<4x128xi32, #tpu.memory_space<hbm>>
      %dma_wait3A_254 = arith.constant 0 : i32
      %dma_wait3A_255 = tpu.memref_slice %arg4[%mul3A_2, %dma_wait3A_254] : memref<128x128xi32, #tpu.memory_space<hbm>> -> memref<4x128xi32, #tpu.memory_space<hbm>>
      tpu.wait_dma2 semaphore(%run_scoped3A : memref<!tpu.dma_semaphore, #tpu.memory_space<semaphore_mem>>) src(%dma_wait3A_255 : memref<4x128xi32, #tpu.memory_space<hbm>>) dst(%arg10 : memref<4x128xi32, #tpu.memory_space<vmem>>)
      tpu.yield
    }) : () -> ()
    %dma_start3A = arith.constant 0 : i32
    %dma_start3A_3 = arith.constant 0 : i32
    %dma_start3A_4 = arith.constant 0 : i32
    %dma_start3A_5 = tpu.memref_slice %arg11[%dma_start3A_3, %dma_start3A_4] : memref<512x64xf32, #tpu.memory_space<vmem>> -> memref<128x64xf32, #tpu.memory_space<vmem>>
    %dma_start3A_6 = arith.constant 0 : i32
    %dma_start3A_7 = tpu.memref_slice %arg8[%dma_start3A, %dma_start3A_6] : memref<4x128xi32, #tpu.memory_space<vmem>> -> memref<1x128xi32, #tpu.memory_space<vmem>>
    %dma_start3A_8 = tpu.memref_squeeze %dma_start3A_7 : memref<1x128xi32, #tpu.memory_space<vmem>> -> memref<128xi32, #tpu.memory_space<vmem>>
    %dma_start3A_9 = arith.constant 0 : i32
    %dma_start3A_10 = arith.constant 0 : i32
    %dma_start3A_11 = tpu.memref_slice %arg5[%dma_start3A_9, %dma_start3A_10] : memref<1000000x64xf32, #tpu.memory_space<hbm>> -> memref<1000000x64xf32, #tpu.memory_space<hbm>>
    tpu.enqueue_indirect_dma source(%dma_start3A_11 : memref<1000000x64xf32, #tpu.memory_space<hbm>>) target(%dma_start3A_5 : memref<128x64xf32, #tpu.memory_space<vmem>>) offsets(%dma_start3A_8 : memref<128xi32, #tpu.memory_space<vmem>>) semaphore(%arg15 : memref<!tpu.dma_semaphore, #tpu.memory_space<semaphore_mem>>)
    %dma_start3A_12 = arith.constant 0 : i32
    %dma_start3A_13 = arith.constant 0 : i32
    %dma_start3A_14 = arith.constant 0 : i32
    %dma_start3A_15 = tpu.memref_slice %arg12[%dma_start3A_13, %dma_start3A_14] : memref<512x64xf32, #tpu.memory_space<vmem>> -> memref<128x64xf32, #tpu.memory_space<vmem>>
    %dma_start3A_16 = arith.constant 0 : i32
    %dma_start3A_17 = tpu.memref_slice %arg9[%dma_start3A_12, %dma_start3A_16] : memref<4x128xi32, #tpu.memory_space<vmem>> -> memref<1x128xi32, #tpu.memory_space<vmem>>
    %dma_start3A_18 = tpu.memref_squeeze %dma_start3A_17 : memref<1x128xi32, #tpu.memory_space<vmem>> -> memref<128xi32, #tpu.memory_space<vmem>>
    %dma_start3A_19 = arith.constant 0 : i32
    %dma_start3A_20 = arith.constant 0 : i32
    %dma_start3A_21 = tpu.memref_slice %arg6[%dma_start3A_19, %dma_start3A_20] : memref<1000x64xf32, #tpu.memory_space<hbm>> -> memref<1000x64xf32, #tpu.memory_space<hbm>>
    tpu.enqueue_indirect_dma source(%dma_start3A_21 : memref<1000x64xf32, #tpu.memory_space<hbm>>) target(%dma_start3A_15 : memref<128x64xf32, #tpu.memory_space<vmem>>) offsets(%dma_start3A_18 : memref<128xi32, #tpu.memory_space<vmem>>) semaphore(%arg15 : memref<!tpu.dma_semaphore, #tpu.memory_space<semaphore_mem>>)
    %dma_start3A_22 = arith.constant 0 : i32
    %dma_start3A_23 = arith.constant 0 : i32
    %dma_start3A_24 = arith.constant 0 : i32
    %dma_start3A_25 = tpu.memref_slice %arg13[%dma_start3A_23, %dma_start3A_24] : memref<512x64xf32, #tpu.memory_space<vmem>> -> memref<128x64xf32, #tpu.memory_space<vmem>>
    %dma_start3A_26 = arith.constant 0 : i32
    %dma_start3A_27 = tpu.memref_slice %arg10[%dma_start3A_22, %dma_start3A_26] : memref<4x128xi32, #tpu.memory_space<vmem>> -> memref<1x128xi32, #tpu.memory_space<vmem>>
    %dma_start3A_28 = tpu.memref_squeeze %dma_start3A_27 : memref<1x128xi32, #tpu.memory_space<vmem>> -> memref<128xi32, #tpu.memory_space<vmem>>
    %dma_start3A_29 = arith.constant 0 : i32
    %dma_start3A_30 = arith.constant 0 : i32
    %dma_start3A_31 = tpu.memref_slice %arg5[%dma_start3A_29, %dma_start3A_30] : memref<1000000x64xf32, #tpu.memory_space<hbm>> -> memref<1000000x64xf32, #tpu.memory_space<hbm>>
    tpu.enqueue_indirect_dma source(%dma_start3A_31 : memref<1000000x64xf32, #tpu.memory_space<hbm>>) target(%dma_start3A_25 : memref<128x64xf32, #tpu.memory_space<vmem>>) offsets(%dma_start3A_28 : memref<128xi32, #tpu.memory_space<vmem>>) semaphore(%arg15 : memref<!tpu.dma_semaphore, #tpu.memory_space<semaphore_mem>>)
    %dma_start3A_32 = arith.constant 1 : i32
    %dma_start3A_33 = arith.constant 128 : i32
    %dma_start3A_34 = arith.constant 0 : i32
    %dma_start3A_35 = tpu.memref_slice %arg11[%dma_start3A_33, %dma_start3A_34] : memref<512x64xf32, #tpu.memory_space<vmem>> -> memref<128x64xf32, #tpu.memory_space<vmem>>
    %dma_start3A_36 = arith.constant 0 : i32
    %dma_start3A_37 = tpu.memref_slice %arg8[%dma_start3A_32, %dma_start3A_36] : memref<4x128xi32, #tpu.memory_space<vmem>> -> memref<1x128xi32, #tpu.memory_space<vmem>>
    %dma_start3A_38 = tpu.memref_squeeze %dma_start3A_37 : memref<1x128xi32, #tpu.memory_space<vmem>> -> memref<128xi32, #tpu.memory_space<vmem>>
    %dma_start3A_39 = arith.constant 0 : i32
    %dma_start3A_40 = arith.constant 0 : i32
    %dma_start3A_41 = tpu.memref_slice %arg5[%dma_start3A_39, %dma_start3A_40] : memref<1000000x64xf32, #tpu.memory_space<hbm>> -> memref<1000000x64xf32, #tpu.memory_space<hbm>>
    tpu.enqueue_indirect_dma source(%dma_start3A_41 : memref<1000000x64xf32, #tpu.memory_space<hbm>>) target(%dma_start3A_35 : memref<128x64xf32, #tpu.memory_space<vmem>>) offsets(%dma_start3A_38 : memref<128xi32, #tpu.memory_space<vmem>>) semaphore(%arg15 : memref<!tpu.dma_semaphore, #tpu.memory_space<semaphore_mem>>)
    %dma_start3A_42 = arith.constant 1 : i32
    %dma_start3A_43 = arith.constant 128 : i32
    %dma_start3A_44 = arith.constant 0 : i32
    %dma_start3A_45 = tpu.memref_slice %arg12[%dma_start3A_43, %dma_start3A_44] : memref<512x64xf32, #tpu.memory_space<vmem>> -> memref<128x64xf32, #tpu.memory_space<vmem>>
    %dma_start3A_46 = arith.constant 0 : i32
    %dma_start3A_47 = tpu.memref_slice %arg9[%dma_start3A_42, %dma_start3A_46] : memref<4x128xi32, #tpu.memory_space<vmem>> -> memref<1x128xi32, #tpu.memory_space<vmem>>
    %dma_start3A_48 = tpu.memref_squeeze %dma_start3A_47 : memref<1x128xi32, #tpu.memory_space<vmem>> -> memref<128xi32, #tpu.memory_space<vmem>>
    %dma_start3A_49 = arith.constant 0 : i32
    %dma_start3A_50 = arith.constant 0 : i32
    %dma_start3A_51 = tpu.memref_slice %arg6[%dma_start3A_49, %dma_start3A_50] : memref<1000x64xf32, #tpu.memory_space<hbm>> -> memref<1000x64xf32, #tpu.memory_space<hbm>>
    tpu.enqueue_indirect_dma source(%dma_start3A_51 : memref<1000x64xf32, #tpu.memory_space<hbm>>) target(%dma_start3A_45 : memref<128x64xf32, #tpu.memory_space<vmem>>) offsets(%dma_start3A_48 : memref<128xi32, #tpu.memory_space<vmem>>) semaphore(%arg15 : memref<!tpu.dma_semaphore, #tpu.memory_space<semaphore_mem>>)
    %dma_start3A_52 = arith.constant 1 : i32
    %dma_start3A_53 = arith.constant 128 : i32
    %dma_start3A_54 = arith.constant 0 : i32
    %dma_start3A_55 = tpu.memref_slice %arg13[%dma_start3A_53, %dma_start3A_54] : memref<512x64xf32, #tpu.memory_space<vmem>> -> memref<128x64xf32, #tpu.memory_space<vmem>>
    %dma_start3A_56 = arith.constant 0 : i32
    %dma_start3A_57 = tpu.memref_slice %arg10[%dma_start3A_52, %dma_start3A_56] : memref<4x128xi32, #tpu.memory_space<vmem>> -> memref<1x128xi32, #tpu.memory_space<vmem>>
    %dma_start3A_58 = tpu.memref_squeeze %dma_start3A_57 : memref<1x128xi32, #tpu.memory_space<vmem>> -> memref<128xi32, #tpu.memory_space<vmem>>
    %dma_start3A_59 = arith.constant 0 : i32
    %dma_start3A_60 = arith.constant 0 : i32
    %dma_start3A_61 = tpu.memref_slice %arg5[%dma_start3A_59, %dma_start3A_60] : memref<1000000x64xf32, #tpu.memory_space<hbm>> -> memref<1000000x64xf32, #tpu.memory_space<hbm>>
    tpu.enqueue_indirect_dma source(%dma_start3A_61 : memref<1000000x64xf32, #tpu.memory_space<hbm>>) target(%dma_start3A_55 : memref<128x64xf32, #tpu.memory_space<vmem>>) offsets(%dma_start3A_58 : memref<128xi32, #tpu.memory_space<vmem>>) semaphore(%arg15 : memref<!tpu.dma_semaphore, #tpu.memory_space<semaphore_mem>>)
    %dma_start3A_62 = arith.constant 2 : i32
    %dma_start3A_63 = arith.constant 256 : i32
    %dma_start3A_64 = arith.constant 0 : i32
    %dma_start3A_65 = tpu.memref_slice %arg11[%dma_start3A_63, %dma_start3A_64] : memref<512x64xf32, #tpu.memory_space<vmem>> -> memref<128x64xf32, #tpu.memory_space<vmem>>
    %dma_start3A_66 = arith.constant 0 : i32
    %dma_start3A_67 = tpu.memref_slice %arg8[%dma_start3A_62, %dma_start3A_66] : memref<4x128xi32, #tpu.memory_space<vmem>> -> memref<1x128xi32, #tpu.memory_space<vmem>>
    %dma_start3A_68 = tpu.memref_squeeze %dma_start3A_67 : memref<1x128xi32, #tpu.memory_space<vmem>> -> memref<128xi32, #tpu.memory_space<vmem>>
    %dma_start3A_69 = arith.constant 0 : i32
    %dma_start3A_70 = arith.constant 0 : i32
    %dma_start3A_71 = tpu.memref_slice %arg5[%dma_start3A_69, %dma_start3A_70] : memref<1000000x64xf32, #tpu.memory_space<hbm>> -> memref<1000000x64xf32, #tpu.memory_space<hbm>>
    tpu.enqueue_indirect_dma source(%dma_start3A_71 : memref<1000000x64xf32, #tpu.memory_space<hbm>>) target(%dma_start3A_65 : memref<128x64xf32, #tpu.memory_space<vmem>>) offsets(%dma_start3A_68 : memref<128xi32, #tpu.memory_space<vmem>>) semaphore(%arg15 : memref<!tpu.dma_semaphore, #tpu.memory_space<semaphore_mem>>)
    %dma_start3A_72 = arith.constant 2 : i32
    %dma_start3A_73 = arith.constant 256 : i32
    %dma_start3A_74 = arith.constant 0 : i32
    %dma_start3A_75 = tpu.memref_slice %arg12[%dma_start3A_73, %dma_start3A_74] : memref<512x64xf32, #tpu.memory_space<vmem>> -> memref<128x64xf32, #tpu.memory_space<vmem>>
    %dma_start3A_76 = arith.constant 0 : i32
    %dma_start3A_77 = tpu.memref_slice %arg9[%dma_start3A_72, %dma_start3A_76] : memref<4x128xi32, #tpu.memory_space<vmem>> -> memref<1x128xi32, #tpu.memory_space<vmem>>
    %dma_start3A_78 = tpu.memref_squeeze %dma_start3A_77 : memref<1x128xi32, #tpu.memory_space<vmem>> -> memref<128xi32, #tpu.memory_space<vmem>>
    %dma_start3A_79 = arith.constant 0 : i32
    %dma_start3A_80 = arith.constant 0 : i32
    %dma_start3A_81 = tpu.memref_slice %arg6[%dma_start3A_79, %dma_start3A_80] : memref<1000x64xf32, #tpu.memory_space<hbm>> -> memref<1000x64xf32, #tpu.memory_space<hbm>>
    tpu.enqueue_indirect_dma source(%dma_start3A_81 : memref<1000x64xf32, #tpu.memory_space<hbm>>) target(%dma_start3A_75 : memref<128x64xf32, #tpu.memory_space<vmem>>) offsets(%dma_start3A_78 : memref<128xi32, #tpu.memory_space<vmem>>) semaphore(%arg15 : memref<!tpu.dma_semaphore, #tpu.memory_space<semaphore_mem>>)
    %dma_start3A_82 = arith.constant 2 : i32
    %dma_start3A_83 = arith.constant 256 : i32
    %dma_start3A_84 = arith.constant 0 : i32
    %dma_start3A_85 = tpu.memref_slice %arg13[%dma_start3A_83, %dma_start3A_84] : memref<512x64xf32, #tpu.memory_space<vmem>> -> memref<128x64xf32, #tpu.memory_space<vmem>>
    %dma_start3A_86 = arith.constant 0 : i32
    %dma_start3A_87 = tpu.memref_slice %arg10[%dma_start3A_82, %dma_start3A_86] : memref<4x128xi32, #tpu.memory_space<vmem>> -> memref<1x128xi32, #tpu.memory_space<vmem>>
    %dma_start3A_88 = tpu.memref_squeeze %dma_start3A_87 : memref<1x128xi32, #tpu.memory_space<vmem>> -> memref<128xi32, #tpu.memory_space<vmem>>
    %dma_start3A_89 = arith.constant 0 : i32
    %dma_start3A_90 = arith.constant 0 : i32
    %dma_start3A_91 = tpu.memref_slice %arg5[%dma_start3A_89, %dma_start3A_90] : memref<1000000x64xf32, #tpu.memory_space<hbm>> -> memref<1000000x64xf32, #tpu.memory_space<hbm>>
    tpu.enqueue_indirect_dma source(%dma_start3A_91 : memref<1000000x64xf32, #tpu.memory_space<hbm>>) target(%dma_start3A_85 : memref<128x64xf32, #tpu.memory_space<vmem>>) offsets(%dma_start3A_88 : memref<128xi32, #tpu.memory_space<vmem>>) semaphore(%arg15 : memref<!tpu.dma_semaphore, #tpu.memory_space<semaphore_mem>>)
    %dma_start3A_92 = arith.constant 3 : i32
    %dma_start3A_93 = arith.constant 384 : i32
    %dma_start3A_94 = arith.constant 0 : i32
    %dma_start3A_95 = tpu.memref_slice %arg11[%dma_start3A_93, %dma_start3A_94] : memref<512x64xf32, #tpu.memory_space<vmem>> -> memref<128x64xf32, #tpu.memory_space<vmem>>
    %dma_start3A_96 = arith.constant 0 : i32
    %dma_start3A_97 = tpu.memref_slice %arg8[%dma_start3A_92, %dma_start3A_96] : memref<4x128xi32, #tpu.memory_space<vmem>> -> memref<1x128xi32, #tpu.memory_space<vmem>>
    %dma_start3A_98 = tpu.memref_squeeze %dma_start3A_97 : memref<1x128xi32, #tpu.memory_space<vmem>> -> memref<128xi32, #tpu.memory_space<vmem>>
    %dma_start3A_99 = arith.constant 0 : i32
    %dma_start3A_100 = arith.constant 0 : i32
    %dma_start3A_101 = tpu.memref_slice %arg5[%dma_start3A_99, %dma_start3A_100] : memref<1000000x64xf32, #tpu.memory_space<hbm>> -> memref<1000000x64xf32, #tpu.memory_space<hbm>>
    tpu.enqueue_indirect_dma source(%dma_start3A_101 : memref<1000000x64xf32, #tpu.memory_space<hbm>>) target(%dma_start3A_95 : memref<128x64xf32, #tpu.memory_space<vmem>>) offsets(%dma_start3A_98 : memref<128xi32, #tpu.memory_space<vmem>>) semaphore(%arg15 : memref<!tpu.dma_semaphore, #tpu.memory_space<semaphore_mem>>)
    %dma_start3A_102 = arith.constant 3 : i32
    %dma_start3A_103 = arith.constant 384 : i32
    %dma_start3A_104 = arith.constant 0 : i32
    %dma_start3A_105 = tpu.memref_slice %arg12[%dma_start3A_103, %dma_start3A_104] : memref<512x64xf32, #tpu.memory_space<vmem>> -> memref<128x64xf32, #tpu.memory_space<vmem>>
    %dma_start3A_106 = arith.constant 0 : i32
    %dma_start3A_107 = tpu.memref_slice %arg9[%dma_start3A_102, %dma_start3A_106] : memref<4x128xi32, #tpu.memory_space<vmem>> -> memref<1x128xi32, #tpu.memory_space<vmem>>
    %dma_start3A_108 = tpu.memref_squeeze %dma_start3A_107 : memref<1x128xi32, #tpu.memory_space<vmem>> -> memref<128xi32, #tpu.memory_space<vmem>>
    %dma_start3A_109 = arith.constant 0 : i32
    %dma_start3A_110 = arith.constant 0 : i32
    %dma_start3A_111 = tpu.memref_slice %arg6[%dma_start3A_109, %dma_start3A_110] : memref<1000x64xf32, #tpu.memory_space<hbm>> -> memref<1000x64xf32, #tpu.memory_space<hbm>>
    tpu.enqueue_indirect_dma source(%dma_start3A_111 : memref<1000x64xf32, #tpu.memory_space<hbm>>) target(%dma_start3A_105 : memref<128x64xf32, #tpu.memory_space<vmem>>) offsets(%dma_start3A_108 : memref<128xi32, #tpu.memory_space<vmem>>) semaphore(%arg15 : memref<!tpu.dma_semaphore, #tpu.memory_space<semaphore_mem>>)
    %dma_start3A_112 = arith.constant 3 : i32
    %dma_start3A_113 = arith.constant 384 : i32
    %dma_start3A_114 = arith.constant 0 : i32
    %dma_start3A_115 = tpu.memref_slice %arg13[%dma_start3A_113, %dma_start3A_114] : memref<512x64xf32, #tpu.memory_space<vmem>> -> memref<128x64xf32, #tpu.memory_space<vmem>>
    %dma_start3A_116 = arith.constant 0 : i32
    %dma_start3A_117 = tpu.memref_slice %arg10[%dma_start3A_112, %dma_start3A_116] : memref<4x128xi32, #tpu.memory_space<vmem>> -> memref<1x128xi32, #tpu.memory_space<vmem>>
    %dma_start3A_118 = tpu.memref_squeeze %dma_start3A_117 : memref<1x128xi32, #tpu.memory_space<vmem>> -> memref<128xi32, #tpu.memory_space<vmem>>
    %dma_start3A_119 = arith.constant 0 : i32
    %dma_start3A_120 = arith.constant 0 : i32
    %dma_start3A_121 = tpu.memref_slice %arg5[%dma_start3A_119, %dma_start3A_120] : memref<1000000x64xf32, #tpu.memory_space<hbm>> -> memref<1000000x64xf32, #tpu.memory_space<hbm>>
    tpu.enqueue_indirect_dma source(%dma_start3A_121 : memref<1000000x64xf32, #tpu.memory_space<hbm>>) target(%dma_start3A_115 : memref<128x64xf32, #tpu.memory_space<vmem>>) offsets(%dma_start3A_118 : memref<128xi32, #tpu.memory_space<vmem>>) semaphore(%arg15 : memref<!tpu.dma_semaphore, #tpu.memory_space<semaphore_mem>>)
    %dma_wait3A = arith.constant 0 : i32
    %dma_wait3A_122 = arith.constant 0 : i32
    %dma_wait3A_123 = arith.constant 0 : i32
    %dma_wait3A_124 = tpu.memref_slice %arg11[%dma_wait3A_122, %dma_wait3A_123] : memref<512x64xf32, #tpu.memory_space<vmem>> -> memref<128x64xf32, #tpu.memory_space<vmem>>
    %dma_wait3A_125 = arith.constant 0 : i32
    %dma_wait3A_126 = tpu.memref_slice %arg8[%dma_wait3A, %dma_wait3A_125] : memref<4x128xi32, #tpu.memory_space<vmem>> -> memref<1x128xi32, #tpu.memory_space<vmem>>
    %dma_wait3A_127 = tpu.memref_squeeze %dma_wait3A_126 : memref<1x128xi32, #tpu.memory_space<vmem>> -> memref<128xi32, #tpu.memory_space<vmem>>
    %dma_wait3A_128 = arith.constant 0 : i32
    %dma_wait3A_129 = arith.constant 0 : i32
    %dma_wait3A_130 = tpu.memref_slice %arg5[%dma_wait3A_128, %dma_wait3A_129] : memref<1000000x64xf32, #tpu.memory_space<hbm>> -> memref<1000000x64xf32, #tpu.memory_space<hbm>>
    tpu.wait_indirect_dma semaphore(%arg15 : memref<!tpu.dma_semaphore, #tpu.memory_space<semaphore_mem>>) src(%dma_wait3A_130 : memref<1000000x64xf32, #tpu.memory_space<hbm>>) dst(%dma_wait3A_124 : memref<128x64xf32, #tpu.memory_space<vmem>>)
    %dma_wait3A_131 = arith.constant 0 : i32
    %dma_wait3A_132 = arith.constant 0 : i32
    %dma_wait3A_133 = arith.constant 0 : i32
    %dma_wait3A_134 = tpu.memref_slice %arg12[%dma_wait3A_132, %dma_wait3A_133] : memref<512x64xf32, #tpu.memory_space<vmem>> -> memref<128x64xf32, #tpu.memory_space<vmem>>
    %dma_wait3A_135 = arith.constant 0 : i32
    %dma_wait3A_136 = tpu.memref_slice %arg9[%dma_wait3A_131, %dma_wait3A_135] : memref<4x128xi32, #tpu.memory_space<vmem>> -> memref<1x128xi32, #tpu.memory_space<vmem>>
    %dma_wait3A_137 = tpu.memref_squeeze %dma_wait3A_136 : memref<1x128xi32, #tpu.memory_space<vmem>> -> memref<128xi32, #tpu.memory_space<vmem>>
    %dma_wait3A_138 = arith.constant 0 : i32
    %dma_wait3A_139 = arith.constant 0 : i32
    %dma_wait3A_140 = tpu.memref_slice %arg6[%dma_wait3A_138, %dma_wait3A_139] : memref<1000x64xf32, #tpu.memory_space<hbm>> -> memref<1000x64xf32, #tpu.memory_space<hbm>>
    tpu.wait_indirect_dma semaphore(%arg15 : memref<!tpu.dma_semaphore, #tpu.memory_space<semaphore_mem>>) src(%dma_wait3A_140 : memref<1000x64xf32, #tpu.memory_space<hbm>>) dst(%dma_wait3A_134 : memref<128x64xf32, #tpu.memory_space<vmem>>)
    %dma_wait3A_141 = arith.constant 0 : i32
    %dma_wait3A_142 = arith.constant 0 : i32
    %dma_wait3A_143 = arith.constant 0 : i32
    %dma_wait3A_144 = tpu.memref_slice %arg13[%dma_wait3A_142, %dma_wait3A_143] : memref<512x64xf32, #tpu.memory_space<vmem>> -> memref<128x64xf32, #tpu.memory_space<vmem>>
    %dma_wait3A_145 = arith.constant 0 : i32
    %dma_wait3A_146 = tpu.memref_slice %arg10[%dma_wait3A_141, %dma_wait3A_145] : memref<4x128xi32, #tpu.memory_space<vmem>> -> memref<1x128xi32, #tpu.memory_space<vmem>>
    %dma_wait3A_147 = tpu.memref_squeeze %dma_wait3A_146 : memref<1x128xi32, #tpu.memory_space<vmem>> -> memref<128xi32, #tpu.memory_space<vmem>>
    %dma_wait3A_148 = arith.constant 0 : i32
    %dma_wait3A_149 = arith.constant 0 : i32
    %dma_wait3A_150 = tpu.memref_slice %arg5[%dma_wait3A_148, %dma_wait3A_149] : memref<1000000x64xf32, #tpu.memory_space<hbm>> -> memref<1000000x64xf32, #tpu.memory_space<hbm>>
    tpu.wait_indirect_dma semaphore(%arg15 : memref<!tpu.dma_semaphore, #tpu.memory_space<semaphore_mem>>) src(%dma_wait3A_150 : memref<1000000x64xf32, #tpu.memory_space<hbm>>) dst(%dma_wait3A_144 : memref<128x64xf32, #tpu.memory_space<vmem>>)
    %dma_wait3A_151 = arith.constant 1 : i32
    %dma_wait3A_152 = arith.constant 128 : i32
    %dma_wait3A_153 = arith.constant 0 : i32
    %dma_wait3A_154 = tpu.memref_slice %arg11[%dma_wait3A_152, %dma_wait3A_153] : memref<512x64xf32, #tpu.memory_space<vmem>> -> memref<128x64xf32, #tpu.memory_space<vmem>>
    %dma_wait3A_155 = arith.constant 0 : i32
    %dma_wait3A_156 = tpu.memref_slice %arg8[%dma_wait3A_151, %dma_wait3A_155] : memref<4x128xi32, #tpu.memory_space<vmem>> -> memref<1x128xi32, #tpu.memory_space<vmem>>
    %dma_wait3A_157 = tpu.memref_squeeze %dma_wait3A_156 : memref<1x128xi32, #tpu.memory_space<vmem>> -> memref<128xi32, #tpu.memory_space<vmem>>
    %dma_wait3A_158 = arith.constant 0 : i32
    %dma_wait3A_159 = arith.constant 0 : i32
    %dma_wait3A_160 = tpu.memref_slice %arg5[%dma_wait3A_158, %dma_wait3A_159] : memref<1000000x64xf32, #tpu.memory_space<hbm>> -> memref<1000000x64xf32, #tpu.memory_space<hbm>>
    tpu.wait_indirect_dma semaphore(%arg15 : memref<!tpu.dma_semaphore, #tpu.memory_space<semaphore_mem>>) src(%dma_wait3A_160 : memref<1000000x64xf32, #tpu.memory_space<hbm>>) dst(%dma_wait3A_154 : memref<128x64xf32, #tpu.memory_space<vmem>>)
    %dma_wait3A_161 = arith.constant 1 : i32
    %dma_wait3A_162 = arith.constant 128 : i32
    %dma_wait3A_163 = arith.constant 0 : i32
    %dma_wait3A_164 = tpu.memref_slice %arg12[%dma_wait3A_162, %dma_wait3A_163] : memref<512x64xf32, #tpu.memory_space<vmem>> -> memref<128x64xf32, #tpu.memory_space<vmem>>
    %dma_wait3A_165 = arith.constant 0 : i32
    %dma_wait3A_166 = tpu.memref_slice %arg9[%dma_wait3A_161, %dma_wait3A_165] : memref<4x128xi32, #tpu.memory_space<vmem>> -> memref<1x128xi32, #tpu.memory_space<vmem>>
    %dma_wait3A_167 = tpu.memref_squeeze %dma_wait3A_166 : memref<1x128xi32, #tpu.memory_space<vmem>> -> memref<128xi32, #tpu.memory_space<vmem>>
    %dma_wait3A_168 = arith.constant 0 : i32
    %dma_wait3A_169 = arith.constant 0 : i32
    %dma_wait3A_170 = tpu.memref_slice %arg6[%dma_wait3A_168, %dma_wait3A_169] : memref<1000x64xf32, #tpu.memory_space<hbm>> -> memref<1000x64xf32, #tpu.memory_space<hbm>>
    tpu.wait_indirect_dma semaphore(%arg15 : memref<!tpu.dma_semaphore, #tpu.memory_space<semaphore_mem>>) src(%dma_wait3A_170 : memref<1000x64xf32, #tpu.memory_space<hbm>>) dst(%dma_wait3A_164 : memref<128x64xf32, #tpu.memory_space<vmem>>)
    %dma_wait3A_171 = arith.constant 1 : i32
    %dma_wait3A_172 = arith.constant 128 : i32
    %dma_wait3A_173 = arith.constant 0 : i32
    %dma_wait3A_174 = tpu.memref_slice %arg13[%dma_wait3A_172, %dma_wait3A_173] : memref<512x64xf32, #tpu.memory_space<vmem>> -> memref<128x64xf32, #tpu.memory_space<vmem>>
    %dma_wait3A_175 = arith.constant 0 : i32
    %dma_wait3A_176 = tpu.memref_slice %arg10[%dma_wait3A_171, %dma_wait3A_175] : memref<4x128xi32, #tpu.memory_space<vmem>> -> memref<1x128xi32, #tpu.memory_space<vmem>>
    %dma_wait3A_177 = tpu.memref_squeeze %dma_wait3A_176 : memref<1x128xi32, #tpu.memory_space<vmem>> -> memref<128xi32, #tpu.memory_space<vmem>>
    %dma_wait3A_178 = arith.constant 0 : i32
    %dma_wait3A_179 = arith.constant 0 : i32
    %dma_wait3A_180 = tpu.memref_slice %arg5[%dma_wait3A_178, %dma_wait3A_179] : memref<1000000x64xf32, #tpu.memory_space<hbm>> -> memref<1000000x64xf32, #tpu.memory_space<hbm>>
    tpu.wait_indirect_dma semaphore(%arg15 : memref<!tpu.dma_semaphore, #tpu.memory_space<semaphore_mem>>) src(%dma_wait3A_180 : memref<1000000x64xf32, #tpu.memory_space<hbm>>) dst(%dma_wait3A_174 : memref<128x64xf32, #tpu.memory_space<vmem>>)
    %dma_wait3A_181 = arith.constant 2 : i32
    %dma_wait3A_182 = arith.constant 256 : i32
    %dma_wait3A_183 = arith.constant 0 : i32
    %dma_wait3A_184 = tpu.memref_slice %arg11[%dma_wait3A_182, %dma_wait3A_183] : memref<512x64xf32, #tpu.memory_space<vmem>> -> memref<128x64xf32, #tpu.memory_space<vmem>>
    %dma_wait3A_185 = arith.constant 0 : i32
    %dma_wait3A_186 = tpu.memref_slice %arg8[%dma_wait3A_181, %dma_wait3A_185] : memref<4x128xi32, #tpu.memory_space<vmem>> -> memref<1x128xi32, #tpu.memory_space<vmem>>
    %dma_wait3A_187 = tpu.memref_squeeze %dma_wait3A_186 : memref<1x128xi32, #tpu.memory_space<vmem>> -> memref<128xi32, #tpu.memory_space<vmem>>
    %dma_wait3A_188 = arith.constant 0 : i32
    %dma_wait3A_189 = arith.constant 0 : i32
    %dma_wait3A_190 = tpu.memref_slice %arg5[%dma_wait3A_188, %dma_wait3A_189] : memref<1000000x64xf32, #tpu.memory_space<hbm>> -> memref<1000000x64xf32, #tpu.memory_space<hbm>>
    tpu.wait_indirect_dma semaphore(%arg15 : memref<!tpu.dma_semaphore, #tpu.memory_space<semaphore_mem>>) src(%dma_wait3A_190 : memref<1000000x64xf32, #tpu.memory_space<hbm>>) dst(%dma_wait3A_184 : memref<128x64xf32, #tpu.memory_space<vmem>>)
    %dma_wait3A_191 = arith.constant 2 : i32
    %dma_wait3A_192 = arith.constant 256 : i32
    %dma_wait3A_193 = arith.constant 0 : i32
    %dma_wait3A_194 = tpu.memref_slice %arg12[%dma_wait3A_192, %dma_wait3A_193] : memref<512x64xf32, #tpu.memory_space<vmem>> -> memref<128x64xf32, #tpu.memory_space<vmem>>
    %dma_wait3A_195 = arith.constant 0 : i32
    %dma_wait3A_196 = tpu.memref_slice %arg9[%dma_wait3A_191, %dma_wait3A_195] : memref<4x128xi32, #tpu.memory_space<vmem>> -> memref<1x128xi32, #tpu.memory_space<vmem>>
    %dma_wait3A_197 = tpu.memref_squeeze %dma_wait3A_196 : memref<1x128xi32, #tpu.memory_space<vmem>> -> memref<128xi32, #tpu.memory_space<vmem>>
    %dma_wait3A_198 = arith.constant 0 : i32
    %dma_wait3A_199 = arith.constant 0 : i32
    %dma_wait3A_200 = tpu.memref_slice %arg6[%dma_wait3A_198, %dma_wait3A_199] : memref<1000x64xf32, #tpu.memory_space<hbm>> -> memref<1000x64xf32, #tpu.memory_space<hbm>>
    tpu.wait_indirect_dma semaphore(%arg15 : memref<!tpu.dma_semaphore, #tpu.memory_space<semaphore_mem>>) src(%dma_wait3A_200 : memref<1000x64xf32, #tpu.memory_space<hbm>>) dst(%dma_wait3A_194 : memref<128x64xf32, #tpu.memory_space<vmem>>)
    %dma_wait3A_201 = arith.constant 2 : i32
    %dma_wait3A_202 = arith.constant 256 : i32
    %dma_wait3A_203 = arith.constant 0 : i32
    %dma_wait3A_204 = tpu.memref_slice %arg13[%dma_wait3A_202, %dma_wait3A_203] : memref<512x64xf32, #tpu.memory_space<vmem>> -> memref<128x64xf32, #tpu.memory_space<vmem>>
    %dma_wait3A_205 = arith.constant 0 : i32
    %dma_wait3A_206 = tpu.memref_slice %arg10[%dma_wait3A_201, %dma_wait3A_205] : memref<4x128xi32, #tpu.memory_space<vmem>> -> memref<1x128xi32, #tpu.memory_space<vmem>>
    %dma_wait3A_207 = tpu.memref_squeeze %dma_wait3A_206 : memref<1x128xi32, #tpu.memory_space<vmem>> -> memref<128xi32, #tpu.memory_space<vmem>>
    %dma_wait3A_208 = arith.constant 0 : i32
    %dma_wait3A_209 = arith.constant 0 : i32
    %dma_wait3A_210 = tpu.memref_slice %arg5[%dma_wait3A_208, %dma_wait3A_209] : memref<1000000x64xf32, #tpu.memory_space<hbm>> -> memref<1000000x64xf32, #tpu.memory_space<hbm>>
    tpu.wait_indirect_dma semaphore(%arg15 : memref<!tpu.dma_semaphore, #tpu.memory_space<semaphore_mem>>) src(%dma_wait3A_210 : memref<1000000x64xf32, #tpu.memory_space<hbm>>) dst(%dma_wait3A_204 : memref<128x64xf32, #tpu.memory_space<vmem>>)
    %dma_wait3A_211 = arith.constant 3 : i32
    %dma_wait3A_212 = arith.constant 384 : i32
    %dma_wait3A_213 = arith.constant 0 : i32
    %dma_wait3A_214 = tpu.memref_slice %arg11[%dma_wait3A_212, %dma_wait3A_213] : memref<512x64xf32, #tpu.memory_space<vmem>> -> memref<128x64xf32, #tpu.memory_space<vmem>>
    %dma_wait3A_215 = arith.constant 0 : i32
    %dma_wait3A_216 = tpu.memref_slice %arg8[%dma_wait3A_211, %dma_wait3A_215] : memref<4x128xi32, #tpu.memory_space<vmem>> -> memref<1x128xi32, #tpu.memory_space<vmem>>
    %dma_wait3A_217 = tpu.memref_squeeze %dma_wait3A_216 : memref<1x128xi32, #tpu.memory_space<vmem>> -> memref<128xi32, #tpu.memory_space<vmem>>
    %dma_wait3A_218 = arith.constant 0 : i32
    %dma_wait3A_219 = arith.constant 0 : i32
    %dma_wait3A_220 = tpu.memref_slice %arg5[%dma_wait3A_218, %dma_wait3A_219] : memref<1000000x64xf32, #tpu.memory_space<hbm>> -> memref<1000000x64xf32, #tpu.memory_space<hbm>>
    tpu.wait_indirect_dma semaphore(%arg15 : memref<!tpu.dma_semaphore, #tpu.memory_space<semaphore_mem>>) src(%dma_wait3A_220 : memref<1000000x64xf32, #tpu.memory_space<hbm>>) dst(%dma_wait3A_214 : memref<128x64xf32, #tpu.memory_space<vmem>>)
    %dma_wait3A_221 = arith.constant 3 : i32
    %dma_wait3A_222 = arith.constant 384 : i32
    %dma_wait3A_223 = arith.constant 0 : i32
    %dma_wait3A_224 = tpu.memref_slice %arg12[%dma_wait3A_222, %dma_wait3A_223] : memref<512x64xf32, #tpu.memory_space<vmem>> -> memref<128x64xf32, #tpu.memory_space<vmem>>
    %dma_wait3A_225 = arith.constant 0 : i32
    %dma_wait3A_226 = tpu.memref_slice %arg9[%dma_wait3A_221, %dma_wait3A_225] : memref<4x128xi32, #tpu.memory_space<vmem>> -> memref<1x128xi32, #tpu.memory_space<vmem>>
    %dma_wait3A_227 = tpu.memref_squeeze %dma_wait3A_226 : memref<1x128xi32, #tpu.memory_space<vmem>> -> memref<128xi32, #tpu.memory_space<vmem>>
    %dma_wait3A_228 = arith.constant 0 : i32
    %dma_wait3A_229 = arith.constant 0 : i32
    %dma_wait3A_230 = tpu.memref_slice %arg6[%dma_wait3A_228, %dma_wait3A_229] : memref<1000x64xf32, #tpu.memory_space<hbm>> -> memref<1000x64xf32, #tpu.memory_space<hbm>>
    tpu.wait_indirect_dma semaphore(%arg15 : memref<!tpu.dma_semaphore, #tpu.memory_space<semaphore_mem>>) src(%dma_wait3A_230 : memref<1000x64xf32, #tpu.memory_space<hbm>>) dst(%dma_wait3A_224 : memref<128x64xf32, #tpu.memory_space<vmem>>)
    %dma_wait3A_231 = arith.constant 3 : i32
    %dma_wait3A_232 = arith.constant 384 : i32
    %dma_wait3A_233 = arith.constant 0 : i32
    %dma_wait3A_234 = tpu.memref_slice %arg13[%dma_wait3A_232, %dma_wait3A_233] : memref<512x64xf32, #tpu.memory_space<vmem>> -> memref<128x64xf32, #tpu.memory_space<vmem>>
    %dma_wait3A_235 = arith.constant 0 : i32
    %dma_wait3A_236 = tpu.memref_slice %arg10[%dma_wait3A_231, %dma_wait3A_235] : memref<4x128xi32, #tpu.memory_space<vmem>> -> memref<1x128xi32, #tpu.memory_space<vmem>>
    %dma_wait3A_237 = tpu.memref_squeeze %dma_wait3A_236 : memref<1x128xi32, #tpu.memory_space<vmem>> -> memref<128xi32, #tpu.memory_space<vmem>>
    %dma_wait3A_238 = arith.constant 0 : i32
    %dma_wait3A_239 = arith.constant 0 : i32
    %dma_wait3A_240 = tpu.memref_slice %arg5[%dma_wait3A_238, %dma_wait3A_239] : memref<1000000x64xf32, #tpu.memory_space<hbm>> -> memref<1000000x64xf32, #tpu.memory_space<hbm>>
    tpu.wait_indirect_dma semaphore(%arg15 : memref<!tpu.dma_semaphore, #tpu.memory_space<semaphore_mem>>) src(%dma_wait3A_240 : memref<1000000x64xf32, #tpu.memory_space<hbm>>) dst(%dma_wait3A_234 : memref<128x64xf32, #tpu.memory_space<vmem>>)
    %iota3A = tpu.iota {dimensions = array<i32: 0>} : vector<16xi32>
    %scan3A = arith.constant 0 : i32
    %scan3A_241 = arith.constant 0 : i32
    %scan3A_242 = arith.constant 32 : i32
    %scan3A_243 = arith.addi %scan3A_241, %scan3A_242 : i32
    %scan3A_244 = arith.constant 1 : i32
    scf.for %scan3A_248 = %scan3A_241 to %scan3A_243 step %scan3A_244  : i32 {
      %mul3A_249 = arith.constant 16 : i32
      %mul3A_250 = arith.muli %scan3A_248, %mul3A_249 : i32
      %broadcast_in_dim3A = arith.constant 0.000000e+00 : f32
      %broadcast_in_dim3A_251 = vector.broadcast %broadcast_in_dim3A : f32 to vector<16xf32>
      %add3A_252 = arith.constant 0 : i32
      %add3A_253 = arith.addi %mul3A_250, %add3A_252 : i32
      %broadcast_in_dim3A_254 = arith.constant 0.000000e+00 : f32
      %broadcast_in_dim3A_255 = vector.broadcast %broadcast_in_dim3A_254 : f32 to vector<16xf32>
      %get3A = arith.index_cast %add3A_253 : i32 to index
      %get3A_256 = arith.constant 0 : index
      %get3A_257 = tpu.vector_load %arg11[%get3A, %get3A_256] {strides = array<i32>} : memref<512x64xf32, #tpu.memory_space<vmem>>, vector<16xf32>,
      %get3A_258 = arith.index_cast %add3A_253 : i32 to index
      %get3A_259 = arith.constant 0 : index
      %get3A_260 = tpu.vector_load %arg12[%get3A_258, %get3A_259] {strides = array<i32>} : memref<512x64xf32, #tpu.memory_space<vmem>>, vector<16xf32>,
      %get3A_261 = arith.index_cast %add3A_253 : i32 to index
      %get3A_262 = arith.constant 0 : index
      %get3A_263 = tpu.vector_load %arg13[%get3A_261, %get3A_262] {strides = array<i32>} : memref<512x64xf32, #tpu.memory_space<vmem>>, vector<16xf32>,
      %add3A_264 = arith.addf %get3A_257, %get3A_260 : vector<16xf32>
      %sub3A = arith.subf %add3A_264, %get3A_263 : vector<16xf32>
      %abs3A = math.absf %sub3A : vector<16xf32>
      %add3A_265 = arith.addf %broadcast_in_dim3A_255, %abs3A : vector<16xf32>
      %get3A_266 = arith.index_cast %add3A_253 : i32 to index
      %get3A_267 = arith.constant 16 : index
      %get3A_268 = tpu.vector_load %arg11[%get3A_266, %get3A_267] {strides = array<i32>} : memref<512x64xf32, #tpu.memory_space<vmem>>, vector<16xf32>,
      %get3A_269 = arith.index_cast %add3A_253 : i32 to index
      %get3A_270 = arith.constant 16 : index
      %get3A_271 = tpu.vector_load %arg12[%get3A_269, %get3A_270] {strides = array<i32>} : memref<512x64xf32, #tpu.memory_space<vmem>>, vector<16xf32>,
      %get3A_272 = arith.index_cast %add3A_253 : i32 to index
      %get3A_273 = arith.constant 16 : index
      %get3A_274 = tpu.vector_load %arg13[%get3A_272, %get3A_273] {strides = array<i32>} : memref<512x64xf32, #tpu.memory_space<vmem>>, vector<16xf32>,
      %add3A_275 = arith.addf %get3A_268, %get3A_271 : vector<16xf32>
      %sub3A_276 = arith.subf %add3A_275, %get3A_274 : vector<16xf32>
      %abs3A_277 = math.absf %sub3A_276 : vector<16xf32>
      %add3A_278 = arith.addf %add3A_265, %abs3A_277 : vector<16xf32>
      %get3A_279 = arith.index_cast %add3A_253 : i32 to index
      %get3A_280 = arith.constant 32 : index
      %get3A_281 = tpu.vector_load %arg11[%get3A_279, %get3A_280] {strides = array<i32>} : memref<512x64xf32, #tpu.memory_space<vmem>>, vector<16xf32>,
      %get3A_282 = arith.index_cast %add3A_253 : i32 to index
      %get3A_283 = arith.constant 32 : index
      %get3A_284 = tpu.vector_load %arg12[%get3A_282, %get3A_283] {strides = array<i32>} : memref<512x64xf32, #tpu.memory_space<vmem>>, vector<16xf32>,
      %get3A_285 = arith.index_cast %add3A_253 : i32 to index
      %get3A_286 = arith.constant 32 : index
      %get3A_287 = tpu.vector_load %arg13[%get3A_285, %get3A_286] {strides = array<i32>} : memref<512x64xf32, #tpu.memory_space<vmem>>, vector<16xf32>,
      %add3A_288 = arith.addf %get3A_281, %get3A_284 : vector<16xf32>
      %sub3A_289 = arith.subf %add3A_288, %get3A_287 : vector<16xf32>
      %abs3A_290 = math.absf %sub3A_289 : vector<16xf32>
      %add3A_291 = arith.addf %add3A_278, %abs3A_290 : vector<16xf32>
      %get3A_292 = arith.index_cast %add3A_253 : i32 to index
      %get3A_293 = arith.constant 48 : index
      %get3A_294 = tpu.vector_load %arg11[%get3A_292, %get3A_293] {strides = array<i32>} : memref<512x64xf32, #tpu.memory_space<vmem>>, vector<16xf32>,
      %get3A_295 = arith.index_cast %add3A_253 : i32 to index
      %get3A_296 = arith.constant 48 : index
      %get3A_297 = tpu.vector_load %arg12[%get3A_295, %get3A_296] {strides = array<i32>} : memref<512x64xf32, #tpu.memory_space<vmem>>, vector<16xf32>,
      %get3A_298 = arith.index_cast %add3A_253 : i32 to index
      %get3A_299 = arith.constant 48 : index
      %get3A_300 = tpu.vector_load %arg13[%get3A_298, %get3A_299] {strides = array<i32>} : memref<512x64xf32, #tpu.memory_space<vmem>>, vector<16xf32>,
      %add3A_301 = arith.addf %get3A_294, %get3A_297 : vector<16xf32>
      %sub3A_302 = arith.subf %add3A_301, %get3A_300 : vector<16xf32>
      %abs3A_303 = math.absf %sub3A_302 : vector<16xf32>
      %add3A_304 = arith.addf %add3A_291, %abs3A_303 : vector<16xf32>
      %eq3A = arith.constant 0 : i32
      %eq3A_305 = vector.broadcast %eq3A : i32 to vector<16xi32>
      %eq3A_306 = arith.cmpi eq, %iota3A, %eq3A_305 : vector<16xi32>
      %reduce_sum3A = arith.constant true
      %reduce_sum3A_307 = vector.broadcast %reduce_sum3A : i1 to vector<16xi1>
      %reduce_sum3A_308 = tpu.scan <sum>, %add3A_304 masked %reduce_sum3A_307 : vector<16xf32>, vector<16xi1> -> vector<16xf32>
      %reduce_sum3A_309 = vector.extract %reduce_sum3A_308[15] : f32 from vector<16xf32>
      %broadcast_in_dim3A_310 = vector.broadcast %reduce_sum3A_309 : f32 to vector<16xf32>
      %select_n3A = arith.select %eq3A_306, %broadcast_in_dim3A_310, %broadcast_in_dim3A_251 : vector<16xi1>, vector<16xf32>
      %add3A_311 = arith.constant 1 : i32
      %add3A_312 = arith.addi %mul3A_250, %add3A_311 : i32
      %broadcast_in_dim3A_313 = arith.constant 0.000000e+00 : f32
      %broadcast_in_dim3A_314 = vector.broadcast %broadcast_in_dim3A_313 : f32 to vector<16xf32>
      %get3A_315 = arith.index_cast %add3A_312 : i32 to index
      %get3A_316 = arith.constant 0 : index
      %get3A_317 = tpu.vector_load %arg11[%get3A_315, %get3A_316] {strides = array<i32>} : memref<512x64xf32, #tpu.memory_space<vmem>>, vector<16xf32>,
      %get3A_318 = arith.index_cast %add3A_312 : i32 to index
      %get3A_319 = arith.constant 0 : index
      %get3A_320 = tpu.vector_load %arg12[%get3A_318, %get3A_319] {strides = array<i32>} : memref<512x64xf32, #tpu.memory_space<vmem>>, vector<16xf32>,
      %get3A_321 = arith.index_cast %add3A_312 : i32 to index
      %get3A_322 = arith.constant 0 : index
      %get3A_323 = tpu.vector_load %arg13[%get3A_321, %get3A_322] {strides = array<i32>} : memref<512x64xf32, #tpu.memory_space<vmem>>, vector<16xf32>,
      %add3A_324 = arith.addf %get3A_317, %get3A_320 : vector<16xf32>
      %sub3A_325 = arith.subf %add3A_324, %get3A_323 : vector<16xf32>
      %abs3A_326 = math.absf %sub3A_325 : vector<16xf32>
      %add3A_327 = arith.addf %broadcast_in_dim3A_314, %abs3A_326 : vector<16xf32>
      %get3A_328 = arith.index_cast %add3A_312 : i32 to index
      %get3A_329 = arith.constant 16 : index
      %get3A_330 = tpu.vector_load %arg11[%get3A_328, %get3A_329] {strides = array<i32>} : memref<512x64xf32, #tpu.memory_space<vmem>>, vector<16xf32>,
      %get3A_331 = arith.index_cast %add3A_312 : i32 to index
      %get3A_332 = arith.constant 16 : index
      %get3A_333 = tpu.vector_load %arg12[%get3A_331, %get3A_332] {strides = array<i32>} : memref<512x64xf32, #tpu.memory_space<vmem>>, vector<16xf32>,
      %get3A_334 = arith.index_cast %add3A_312 : i32 to index
      %get3A_335 = arith.constant 16 : index
      %get3A_336 = tpu.vector_load %arg13[%get3A_334, %get3A_335] {strides = array<i32>} : memref<512x64xf32, #tpu.memory_space<vmem>>, vector<16xf32>,
      %add3A_337 = arith.addf %get3A_330, %get3A_333 : vector<16xf32>
      %sub3A_338 = arith.subf %add3A_337, %get3A_336 : vector<16xf32>
      %abs3A_339 = math.absf %sub3A_338 : vector<16xf32>
      %add3A_340 = arith.addf %add3A_327, %abs3A_339 : vector<16xf32>
      %get3A_341 = arith.index_cast %add3A_312 : i32 to index
      %get3A_342 = arith.constant 32 : index
      %get3A_343 = tpu.vector_load %arg11[%get3A_341, %get3A_342] {strides = array<i32>} : memref<512x64xf32, #tpu.memory_space<vmem>>, vector<16xf32>,
      %get3A_344 = arith.index_cast %add3A_312 : i32 to index
      %get3A_345 = arith.constant 32 : index
      %get3A_346 = tpu.vector_load %arg12[%get3A_344, %get3A_345] {strides = array<i32>} : memref<512x64xf32, #tpu.memory_space<vmem>>, vector<16xf32>,
      %get3A_347 = arith.index_cast %add3A_312 : i32 to index
      %get3A_348 = arith.constant 32 : index
      %get3A_349 = tpu.vector_load %arg13[%get3A_347, %get3A_348] {strides = array<i32>} : memref<512x64xf32, #tpu.memory_space<vmem>>, vector<16xf32>,
      %add3A_350 = arith.addf %get3A_343, %get3A_346 : vector<16xf32>
      %sub3A_351 = arith.subf %add3A_350, %get3A_349 : vector<16xf32>
      %abs3A_352 = math.absf %sub3A_351 : vector<16xf32>
      %add3A_353 = arith.addf %add3A_340, %abs3A_352 : vector<16xf32>
      %get3A_354 = arith.index_cast %add3A_312 : i32 to index
      %get3A_355 = arith.constant 48 : index
      %get3A_356 = tpu.vector_load %arg11[%get3A_354, %get3A_355] {strides = array<i32>} : memref<512x64xf32, #tpu.memory_space<vmem>>, vector<16xf32>,
      %get3A_357 = arith.index_cast %add3A_312 : i32 to index
      %get3A_358 = arith.constant 48 : index
      %get3A_359 = tpu.vector_load %arg12[%get3A_357, %get3A_358] {strides = array<i32>} : memref<512x64xf32, #tpu.memory_space<vmem>>, vector<16xf32>,
      %get3A_360 = arith.index_cast %add3A_312 : i32 to index
      %get3A_361 = arith.constant 48 : index
      %get3A_362 = tpu.vector_load %arg13[%get3A_360, %get3A_361] {strides = array<i32>} : memref<512x64xf32, #tpu.memory_space<vmem>>, vector<16xf32>,
      %add3A_363 = arith.addf %get3A_356, %get3A_359 : vector<16xf32>
      %sub3A_364 = arith.subf %add3A_363, %get3A_362 : vector<16xf32>
      %abs3A_365 = math.absf %sub3A_364 : vector<16xf32>
      %add3A_366 = arith.addf %add3A_353, %abs3A_365 : vector<16xf32>
      %eq3A_367 = arith.constant 1 : i32
      %eq3A_368 = vector.broadcast %eq3A_367 : i32 to vector<16xi32>
      %eq3A_369 = arith.cmpi eq, %iota3A, %eq3A_368 : vector<16xi32>
      %reduce_sum3A_370 = arith.constant true
      %reduce_sum3A_371 = vector.broadcast %reduce_sum3A_370 : i1 to vector<16xi1>
      %reduce_sum3A_372 = tpu.scan <sum>, %add3A_366 masked %reduce_sum3A_371 : vector<16xf32>, vector<16xi1> -> vector<16xf32>
      %reduce_sum3A_373 = vector.extract %reduce_sum3A_372[15] : f32 from vector<16xf32>
      %broadcast_in_dim3A_374 = vector.broadcast %reduce_sum3A_373 : f32 to vector<16xf32>
      %select_n3A_375 = arith.select %eq3A_369, %broadcast_in_dim3A_374, %select_n3A : vector<16xi1>, vector<16xf32>
      %add3A_376 = arith.constant 2 : i32
      %add3A_377 = arith.addi %mul3A_250, %add3A_376 : i32
      %broadcast_in_dim3A_378 = arith.constant 0.000000e+00 : f32
      %broadcast_in_dim3A_379 = vector.broadcast %broadcast_in_dim3A_378 : f32 to vector<16xf32>
      %get3A_380 = arith.index_cast %add3A_377 : i32 to index
      %get3A_381 = arith.constant 0 : index
      %get3A_382 = tpu.vector_load %arg11[%get3A_380, %get3A_381] {strides = array<i32>} : memref<512x64xf32, #tpu.memory_space<vmem>>, vector<16xf32>,
      %get3A_383 = arith.index_cast %add3A_377 : i32 to index
      %get3A_384 = arith.constant 0 : index
      %get3A_385 = tpu.vector_load %arg12[%get3A_383, %get3A_384] {strides = array<i32>} : memref<512x64xf32, #tpu.memory_space<vmem>>, vector<16xf32>,
      %get3A_386 = arith.index_cast %add3A_377 : i32 to index
      %get3A_387 = arith.constant 0 : index
      %get3A_388 = tpu.vector_load %arg13[%get3A_386, %get3A_387] {strides = array<i32>} : memref<512x64xf32, #tpu.memory_space<vmem>>, vector<16xf32>,
      %add3A_389 = arith.addf %get3A_382, %get3A_385 : vector<16xf32>
      %sub3A_390 = arith.subf %add3A_389, %get3A_388 : vector<16xf32>
      %abs3A_391 = math.absf %sub3A_390 : vector<16xf32>
      %add3A_392 = arith.addf %broadcast_in_dim3A_379, %abs3A_391 : vector<16xf32>
      %get3A_393 = arith.index_cast %add3A_377 : i32 to index
      %get3A_394 = arith.constant 16 : index
      %get3A_395 = tpu.vector_load %arg11[%get3A_393, %get3A_394] {strides = array<i32>} : memref<512x64xf32, #tpu.memory_space<vmem>>, vector<16xf32>,
      %get3A_396 = arith.index_cast %add3A_377 : i32 to index
      %get3A_397 = arith.constant 16 : index
      %get3A_398 = tpu.vector_load %arg12[%get3A_396, %get3A_397] {strides = array<i32>} : memref<512x64xf32, #tpu.memory_space<vmem>>, vector<16xf32>,
      %get3A_399 = arith.index_cast %add3A_377 : i32 to index
      %get3A_400 = arith.constant 16 : index
      %get3A_401 = tpu.vector_load %arg13[%get3A_399, %get3A_400] {strides = array<i32>} : memref<512x64xf32, #tpu.memory_space<vmem>>, vector<16xf32>,
      %add3A_402 = arith.addf %get3A_395, %get3A_398 : vector<16xf32>
      %sub3A_403 = arith.subf %add3A_402, %get3A_401 : vector<16xf32>
      %abs3A_404 = math.absf %sub3A_403 : vector<16xf32>
      %add3A_405 = arith.addf %add3A_392, %abs3A_404 : vector<16xf32>
      %get3A_406 = arith.index_cast %add3A_377 : i32 to index
      %get3A_407 = arith.constant 32 : index
      %get3A_408 = tpu.vector_load %arg11[%get3A_406, %get3A_407] {strides = array<i32>} : memref<512x64xf32, #tpu.memory_space<vmem>>, vector<16xf32>,
      %get3A_409 = arith.index_cast %add3A_377 : i32 to index
      %get3A_410 = arith.constant 32 : index
      %get3A_411 = tpu.vector_load %arg12[%get3A_409, %get3A_410] {strides = array<i32>} : memref<512x64xf32, #tpu.memory_space<vmem>>, vector<16xf32>,
      %get3A_412 = arith.index_cast %add3A_377 : i32 to index
      %get3A_413 = arith.constant 32 : index
      %get3A_414 = tpu.vector_load %arg13[%get3A_412, %get3A_413] {strides = array<i32>} : memref<512x64xf32, #tpu.memory_space<vmem>>, vector<16xf32>,
      %add3A_415 = arith.addf %get3A_408, %get3A_411 : vector<16xf32>
      %sub3A_416 = arith.subf %add3A_415, %get3A_414 : vector<16xf32>
      %abs3A_417 = math.absf %sub3A_416 : vector<16xf32>
      %add3A_418 = arith.addf %add3A_405, %abs3A_417 : vector<16xf32>
      %get3A_419 = arith.index_cast %add3A_377 : i32 to index
      %get3A_420 = arith.constant 48 : index
      %get3A_421 = tpu.vector_load %arg11[%get3A_419, %get3A_420] {strides = array<i32>} : memref<512x64xf32, #tpu.memory_space<vmem>>, vector<16xf32>,
      %get3A_422 = arith.index_cast %add3A_377 : i32 to index
      %get3A_423 = arith.constant 48 : index
      %get3A_424 = tpu.vector_load %arg12[%get3A_422, %get3A_423] {strides = array<i32>} : memref<512x64xf32, #tpu.memory_space<vmem>>, vector<16xf32>,
      %get3A_425 = arith.index_cast %add3A_377 : i32 to index
      %get3A_426 = arith.constant 48 : index
      %get3A_427 = tpu.vector_load %arg13[%get3A_425, %get3A_426] {strides = array<i32>} : memref<512x64xf32, #tpu.memory_space<vmem>>, vector<16xf32>,
      %add3A_428 = arith.addf %get3A_421, %get3A_424 : vector<16xf32>
      %sub3A_429 = arith.subf %add3A_428, %get3A_427 : vector<16xf32>
      %abs3A_430 = math.absf %sub3A_429 : vector<16xf32>
      %add3A_431 = arith.addf %add3A_418, %abs3A_430 : vector<16xf32>
      %eq3A_432 = arith.constant 2 : i32
      %eq3A_433 = vector.broadcast %eq3A_432 : i32 to vector<16xi32>
      %eq3A_434 = arith.cmpi eq, %iota3A, %eq3A_433 : vector<16xi32>
      %reduce_sum3A_435 = arith.constant true
      %reduce_sum3A_436 = vector.broadcast %reduce_sum3A_435 : i1 to vector<16xi1>
      %reduce_sum3A_437 = tpu.scan <sum>, %add3A_431 masked %reduce_sum3A_436 : vector<16xf32>, vector<16xi1> -> vector<16xf32>
      %reduce_sum3A_438 = vector.extract %reduce_sum3A_437[15] : f32 from vector<16xf32>
      %broadcast_in_dim3A_439 = vector.broadcast %reduce_sum3A_438 : f32 to vector<16xf32>
      %select_n3A_440 = arith.select %eq3A_434, %broadcast_in_dim3A_439, %select_n3A_375 : vector<16xi1>, vector<16xf32>
      %add3A_441 = arith.constant 3 : i32
      %add3A_442 = arith.addi %mul3A_250, %add3A_441 : i32
      %broadcast_in_dim3A_443 = arith.constant 0.000000e+00 : f32
      %broadcast_in_dim3A_444 = vector.broadcast %broadcast_in_dim3A_443 : f32 to vector<16xf32>
      %get3A_445 = arith.index_cast %add3A_442 : i32 to index
      %get3A_446 = arith.constant 0 : index
      %get3A_447 = tpu.vector_load %arg11[%get3A_445, %get3A_446] {strides = array<i32>} : memref<512x64xf32, #tpu.memory_space<vmem>>, vector<16xf32>,
      %get3A_448 = arith.index_cast %add3A_442 : i32 to index
      %get3A_449 = arith.constant 0 : index
      %get3A_450 = tpu.vector_load %arg12[%get3A_448, %get3A_449] {strides = array<i32>} : memref<512x64xf32, #tpu.memory_space<vmem>>, vector<16xf32>,
      %get3A_451 = arith.index_cast %add3A_442 : i32 to index
      %get3A_452 = arith.constant 0 : index
      %get3A_453 = tpu.vector_load %arg13[%get3A_451, %get3A_452] {strides = array<i32>} : memref<512x64xf32, #tpu.memory_space<vmem>>, vector<16xf32>,
      %add3A_454 = arith.addf %get3A_447, %get3A_450 : vector<16xf32>
      %sub3A_455 = arith.subf %add3A_454, %get3A_453 : vector<16xf32>
      %abs3A_456 = math.absf %sub3A_455 : vector<16xf32>
      %add3A_457 = arith.addf %broadcast_in_dim3A_444, %abs3A_456 : vector<16xf32>
      %get3A_458 = arith.index_cast %add3A_442 : i32 to index
      %get3A_459 = arith.constant 16 : index
      %get3A_460 = tpu.vector_load %arg11[%get3A_458, %get3A_459] {strides = array<i32>} : memref<512x64xf32, #tpu.memory_space<vmem>>, vector<16xf32>,
      %get3A_461 = arith.index_cast %add3A_442 : i32 to index
      %get3A_462 = arith.constant 16 : index
      %get3A_463 = tpu.vector_load %arg12[%get3A_461, %get3A_462] {strides = array<i32>} : memref<512x64xf32, #tpu.memory_space<vmem>>, vector<16xf32>,
      %get3A_464 = arith.index_cast %add3A_442 : i32 to index
      %get3A_465 = arith.constant 16 : index
      %get3A_466 = tpu.vector_load %arg13[%get3A_464, %get3A_465] {strides = array<i32>} : memref<512x64xf32, #tpu.memory_space<vmem>>, vector<16xf32>,
      %add3A_467 = arith.addf %get3A_460, %get3A_463 : vector<16xf32>
      %sub3A_468 = arith.subf %add3A_467, %get3A_466 : vector<16xf32>
      %abs3A_469 = math.absf %sub3A_468 : vector<16xf32>
      %add3A_470 = arith.addf %add3A_457, %abs3A_469 : vector<16xf32>
      %get3A_471 = arith.index_cast %add3A_442 : i32 to index
      %get3A_472 = arith.constant 32 : index
      %get3A_473 = tpu.vector_load %arg11[%get3A_471, %get3A_472] {strides = array<i32>} : memref<512x64xf32, #tpu.memory_space<vmem>>, vector<16xf32>,
      %get3A_474 = arith.index_cast %add3A_442 : i32 to index
      %get3A_475 = arith.constant 32 : index
      %get3A_476 = tpu.vector_load %arg12[%get3A_474, %get3A_475] {strides = array<i32>} : memref<512x64xf32, #tpu.memory_space<vmem>>, vector<16xf32>,
      %get3A_477 = arith.index_cast %add3A_442 : i32 to index
      %get3A_478 = arith.constant 32 : index
      %get3A_479 = tpu.vector_load %arg13[%get3A_477, %get3A_478] {strides = array<i32>} : memref<512x64xf32, #tpu.memory_space<vmem>>, vector<16xf32>,
      %add3A_480 = arith.addf %get3A_473, %get3A_476 : vector<16xf32>
      %sub3A_481 = arith.subf %add3A_480, %get3A_479 : vector<16xf32>
      %abs3A_482 = math.absf %sub3A_481 : vector<16xf32>
      %add3A_483 = arith.addf %add3A_470, %abs3A_482 : vector<16xf32>
      %get3A_484 = arith.index_cast %add3A_442 : i32 to index
      %get3A_485 = arith.constant 48 : index
      %get3A_486 = tpu.vector_load %arg11[%get3A_484, %get3A_485] {strides = array<i32>} : memref<512x64xf32, #tpu.memory_space<vmem>>, vector<16xf32>,
      %get3A_487 = arith.index_cast %add3A_442 : i32 to index
      %get3A_488 = arith.constant 48 : index
      %get3A_489 = tpu.vector_load %arg12[%get3A_487, %get3A_488] {strides = array<i32>} : memref<512x64xf32, #tpu.memory_space<vmem>>, vector<16xf32>,
      %get3A_490 = arith.index_cast %add3A_442 : i32 to index
      %get3A_491 = arith.constant 48 : index
      %get3A_492 = tpu.vector_load %arg13[%get3A_490, %get3A_491] {strides = array<i32>} : memref<512x64xf32, #tpu.memory_space<vmem>>, vector<16xf32>,
      %add3A_493 = arith.addf %get3A_486, %get3A_489 : vector<16xf32>
      %sub3A_494 = arith.subf %add3A_493, %get3A_492 : vector<16xf32>
      %abs3A_495 = math.absf %sub3A_494 : vector<16xf32>
      %add3A_496 = arith.addf %add3A_483, %abs3A_495 : vector<16xf32>
      %eq3A_497 = arith.constant 3 : i32
      %eq3A_498 = vector.broadcast %eq3A_497 : i32 to vector<16xi32>
      %eq3A_499 = arith.cmpi eq, %iota3A, %eq3A_498 : vector<16xi32>
      %reduce_sum3A_500 = arith.constant true
      %reduce_sum3A_501 = vector.broadcast %reduce_sum3A_500 : i1 to vector<16xi1>
      %reduce_sum3A_502 = tpu.scan <sum>, %add3A_496 masked %reduce_sum3A_501 : vector<16xf32>, vector<16xi1> -> vector<16xf32>
      %reduce_sum3A_503 = vector.extract %reduce_sum3A_502[15] : f32 from vector<16xf32>
      %broadcast_in_dim3A_504 = vector.broadcast %reduce_sum3A_503 : f32 to vector<16xf32>
      %select_n3A_505 = arith.select %eq3A_499, %broadcast_in_dim3A_504, %select_n3A_440 : vector<16xi1>, vector<16xf32>
      %add3A_506 = arith.constant 4 : i32
      %add3A_507 = arith.addi %mul3A_250, %add3A_506 : i32
      %broadcast_in_dim3A_508 = arith.constant 0.000000e+00 : f32
      %broadcast_in_dim3A_509 = vector.broadcast %broadcast_in_dim3A_508 : f32 to vector<16xf32>
      %get3A_510 = arith.index_cast %add3A_507 : i32 to index
      %get3A_511 = arith.constant 0 : index
      %get3A_512 = tpu.vector_load %arg11[%get3A_510, %get3A_511] {strides = array<i32>} : memref<512x64xf32, #tpu.memory_space<vmem>>, vector<16xf32>,
      %get3A_513 = arith.index_cast %add3A_507 : i32 to index
      %get3A_514 = arith.constant 0 : index
      %get3A_515 = tpu.vector_load %arg12[%get3A_513, %get3A_514] {strides = array<i32>} : memref<512x64xf32, #tpu.memory_space<vmem>>, vector<16xf32>,
      %get3A_516 = arith.index_cast %add3A_507 : i32 to index
      %get3A_517 = arith.constant 0 : index
      %get3A_518 = tpu.vector_load %arg13[%get3A_516, %get3A_517] {strides = array<i32>} : memref<512x64xf32, #tpu.memory_space<vmem>>, vector<16xf32>,
      %add3A_519 = arith.addf %get3A_512, %get3A_515 : vector<16xf32>
      %sub3A_520 = arith.subf %add3A_519, %get3A_518 : vector<16xf32>
      %abs3A_521 = math.absf %sub3A_520 : vector<16xf32>
      %add3A_522 = arith.addf %broadcast_in_dim3A_509, %abs3A_521 : vector<16xf32>
      %get3A_523 = arith.index_cast %add3A_507 : i32 to index
      %get3A_524 = arith.constant 16 : index
      %get3A_525 = tpu.vector_load %arg11[%get3A_523, %get3A_524] {strides = array<i32>} : memref<512x64xf32, #tpu.memory_space<vmem>>, vector<16xf32>,
      %get3A_526 = arith.index_cast %add3A_507 : i32 to index
      %get3A_527 = arith.constant 16 : index
      %get3A_528 = tpu.vector_load %arg12[%get3A_526, %get3A_527] {strides = array<i32>} : memref<512x64xf32, #tpu.memory_space<vmem>>, vector<16xf32>,
      %get3A_529 = arith.index_cast %add3A_507 : i32 to index
      %get3A_530 = arith.constant 16 : index
      %get3A_531 = tpu.vector_load %arg13[%get3A_529, %get3A_530] {strides = array<i32>} : memref<512x64xf32, #tpu.memory_space<vmem>>, vector<16xf32>,
      %add3A_532 = arith.addf %get3A_525, %get3A_528 : vector<16xf32>
      %sub3A_533 = arith.subf %add3A_532, %get3A_531 : vector<16xf32>
      %abs3A_534 = math.absf %sub3A_533 : vector<16xf32>
      %add3A_535 = arith.addf %add3A_522, %abs3A_534 : vector<16xf32>
      %get3A_536 = arith.index_cast %add3A_507 : i32 to index
      %get3A_537 = arith.constant 32 : index
      %get3A_538 = tpu.vector_load %arg11[%get3A_536, %get3A_537] {strides = array<i32>} : memref<512x64xf32, #tpu.memory_space<vmem>>, vector<16xf32>,
      %get3A_539 = arith.index_cast %add3A_507 : i32 to index
      %get3A_540 = arith.constant 32 : index
      %get3A_541 = tpu.vector_load %arg12[%get3A_539, %get3A_540] {strides = array<i32>} : memref<512x64xf32, #tpu.memory_space<vmem>>, vector<16xf32>,
      %get3A_542 = arith.index_cast %add3A_507 : i32 to index
      %get3A_543 = arith.constant 32 : index
      %get3A_544 = tpu.vector_load %arg13[%get3A_542, %get3A_543] {strides = array<i32>} : memref<512x64xf32, #tpu.memory_space<vmem>>, vector<16xf32>,
      %add3A_545 = arith.addf %get3A_538, %get3A_541 : vector<16xf32>
      %sub3A_546 = arith.subf %add3A_545, %get3A_544 : vector<16xf32>
      %abs3A_547 = math.absf %sub3A_546 : vector<16xf32>
      %add3A_548 = arith.addf %add3A_535, %abs3A_547 : vector<16xf32>
      %get3A_549 = arith.index_cast %add3A_507 : i32 to index
      %get3A_550 = arith.constant 48 : index
      %get3A_551 = tpu.vector_load %arg11[%get3A_549, %get3A_550] {strides = array<i32>} : memref<512x64xf32, #tpu.memory_space<vmem>>, vector<16xf32>,
      %get3A_552 = arith.index_cast %add3A_507 : i32 to index
      %get3A_553 = arith.constant 48 : index
      %get3A_554 = tpu.vector_load %arg12[%get3A_552, %get3A_553] {strides = array<i32>} : memref<512x64xf32, #tpu.memory_space<vmem>>, vector<16xf32>,
      %get3A_555 = arith.index_cast %add3A_507 : i32 to index
      %get3A_556 = arith.constant 48 : index
      %get3A_557 = tpu.vector_load %arg13[%get3A_555, %get3A_556] {strides = array<i32>} : memref<512x64xf32, #tpu.memory_space<vmem>>, vector<16xf32>,
      %add3A_558 = arith.addf %get3A_551, %get3A_554 : vector<16xf32>
      %sub3A_559 = arith.subf %add3A_558, %get3A_557 : vector<16xf32>
      %abs3A_560 = math.absf %sub3A_559 : vector<16xf32>
      %add3A_561 = arith.addf %add3A_548, %abs3A_560 : vector<16xf32>
      %eq3A_562 = arith.constant 4 : i32
      %eq3A_563 = vector.broadcast %eq3A_562 : i32 to vector<16xi32>
      %eq3A_564 = arith.cmpi eq, %iota3A, %eq3A_563 : vector<16xi32>
      %reduce_sum3A_565 = arith.constant true
      %reduce_sum3A_566 = vector.broadcast %reduce_sum3A_565 : i1 to vector<16xi1>
      %reduce_sum3A_567 = tpu.scan <sum>, %add3A_561 masked %reduce_sum3A_566 : vector<16xf32>, vector<16xi1> -> vector<16xf32>
      %reduce_sum3A_568 = vector.extract %reduce_sum3A_567[15] : f32 from vector<16xf32>
      %broadcast_in_dim3A_569 = vector.broadcast %reduce_sum3A_568 : f32 to vector<16xf32>
      %select_n3A_570 = arith.select %eq3A_564, %broadcast_in_dim3A_569, %select_n3A_505 : vector<16xi1>, vector<16xf32>
      %add3A_571 = arith.constant 5 : i32
      %add3A_572 = arith.addi %mul3A_250, %add3A_571 : i32
      %broadcast_in_dim3A_573 = arith.constant 0.000000e+00 : f32
      %broadcast_in_dim3A_574 = vector.broadcast %broadcast_in_dim3A_573 : f32 to vector<16xf32>
      %get3A_575 = arith.index_cast %add3A_572 : i32 to index
      %get3A_576 = arith.constant 0 : index
      %get3A_577 = tpu.vector_load %arg11[%get3A_575, %get3A_576] {strides = array<i32>} : memref<512x64xf32, #tpu.memory_space<vmem>>, vector<16xf32>,
      %get3A_578 = arith.index_cast %add3A_572 : i32 to index
      %get3A_579 = arith.constant 0 : index
      %get3A_580 = tpu.vector_load %arg12[%get3A_578, %get3A_579] {strides = array<i32>} : memref<512x64xf32, #tpu.memory_space<vmem>>, vector<16xf32>,
      %get3A_581 = arith.index_cast %add3A_572 : i32 to index
      %get3A_582 = arith.constant 0 : index
      %get3A_583 = tpu.vector_load %arg13[%get3A_581, %get3A_582] {strides = array<i32>} : memref<512x64xf32, #tpu.memory_space<vmem>>, vector<16xf32>,
      %add3A_584 = arith.addf %get3A_577, %get3A_580 : vector<16xf32>
      %sub3A_585 = arith.subf %add3A_584, %get3A_583 : vector<16xf32>
      %abs3A_586 = math.absf %sub3A_585 : vector<16xf32>
      %add3A_587 = arith.addf %broadcast_in_dim3A_574, %abs3A_586 : vector<16xf32>
      %get3A_588 = arith.index_cast %add3A_572 : i32 to index
      %get3A_589 = arith.constant 16 : index
      %get3A_590 = tpu.vector_load %arg11[%get3A_588, %get3A_589] {strides = array<i32>} : memref<512x64xf32, #tpu.memory_space<vmem>>, vector<16xf32>,
      %get3A_591 = arith.index_cast %add3A_572 : i32 to index
      %get3A_592 = arith.constant 16 : index
      %get3A_593 = tpu.vector_load %arg12[%get3A_591, %get3A_592] {strides = array<i32>} : memref<512x64xf32, #tpu.memory_space<vmem>>, vector<16xf32>,
      %get3A_594 = arith.index_cast %add3A_572 : i32 to index
      %get3A_595 = arith.constant 16 : index
      %get3A_596 = tpu.vector_load %arg13[%get3A_594, %get3A_595] {strides = array<i32>} : memref<512x64xf32, #tpu.memory_space<vmem>>, vector<16xf32>,
      %add3A_597 = arith.addf %get3A_590, %get3A_593 : vector<16xf32>
      %sub3A_598 = arith.subf %add3A_597, %get3A_596 : vector<16xf32>
      %abs3A_599 = math.absf %sub3A_598 : vector<16xf32>
      %add3A_600 = arith.addf %add3A_587, %abs3A_599 : vector<16xf32>
      %get3A_601 = arith.index_cast %add3A_572 : i32 to index
      %get3A_602 = arith.constant 32 : index
      %get3A_603 = tpu.vector_load %arg11[%get3A_601, %get3A_602] {strides = array<i32>} : memref<512x64xf32, #tpu.memory_space<vmem>>, vector<16xf32>,
      %get3A_604 = arith.index_cast %add3A_572 : i32 to index
      %get3A_605 = arith.constant 32 : index
      %get3A_606 = tpu.vector_load %arg12[%get3A_604, %get3A_605] {strides = array<i32>} : memref<512x64xf32, #tpu.memory_space<vmem>>, vector<16xf32>,
      %get3A_607 = arith.index_cast %add3A_572 : i32 to index
      %get3A_608 = arith.constant 32 : index
      %get3A_609 = tpu.vector_load %arg13[%get3A_607, %get3A_608] {strides = array<i32>} : memref<512x64xf32, #tpu.memory_space<vmem>>, vector<16xf32>,
      %add3A_610 = arith.addf %get3A_603, %get3A_606 : vector<16xf32>
      %sub3A_611 = arith.subf %add3A_610, %get3A_609 : vector<16xf32>
      %abs3A_612 = math.absf %sub3A_611 : vector<16xf32>
      %add3A_613 = arith.addf %add3A_600, %abs3A_612 : vector<16xf32>
      %get3A_614 = arith.index_cast %add3A_572 : i32 to index
      %get3A_615 = arith.constant 48 : index
      %get3A_616 = tpu.vector_load %arg11[%get3A_614, %get3A_615] {strides = array<i32>} : memref<512x64xf32, #tpu.memory_space<vmem>>, vector<16xf32>,
      %get3A_617 = arith.index_cast %add3A_572 : i32 to index
      %get3A_618 = arith.constant 48 : index
      %get3A_619 = tpu.vector_load %arg12[%get3A_617, %get3A_618] {strides = array<i32>} : memref<512x64xf32, #tpu.memory_space<vmem>>, vector<16xf32>,
      %get3A_620 = arith.index_cast %add3A_572 : i32 to index
      %get3A_621 = arith.constant 48 : index
      %get3A_622 = tpu.vector_load %arg13[%get3A_620, %get3A_621] {strides = array<i32>} : memref<512x64xf32, #tpu.memory_space<vmem>>, vector<16xf32>,
      %add3A_623 = arith.addf %get3A_616, %get3A_619 : vector<16xf32>
      %sub3A_624 = arith.subf %add3A_623, %get3A_622 : vector<16xf32>
      %abs3A_625 = math.absf %sub3A_624 : vector<16xf32>
      %add3A_626 = arith.addf %add3A_613, %abs3A_625 : vector<16xf32>
      %eq3A_627 = arith.constant 5 : i32
      %eq3A_628 = vector.broadcast %eq3A_627 : i32 to vector<16xi32>
      %eq3A_629 = arith.cmpi eq, %iota3A, %eq3A_628 : vector<16xi32>
      %reduce_sum3A_630 = arith.constant true
      %reduce_sum3A_631 = vector.broadcast %reduce_sum3A_630 : i1 to vector<16xi1>
      %reduce_sum3A_632 = tpu.scan <sum>, %add3A_626 masked %reduce_sum3A_631 : vector<16xf32>, vector<16xi1> -> vector<16xf32>
      %reduce_sum3A_633 = vector.extract %reduce_sum3A_632[15] : f32 from vector<16xf32>
      %broadcast_in_dim3A_634 = vector.broadcast %reduce_sum3A_633 : f32 to vector<16xf32>
      %select_n3A_635 = arith.select %eq3A_629, %broadcast_in_dim3A_634, %select_n3A_570 : vector<16xi1>, vector<16xf32>
      %add3A_636 = arith.constant 6 : i32
      %add3A_637 = arith.addi %mul3A_250, %add3A_636 : i32
      %broadcast_in_dim3A_638 = arith.constant 0.000000e+00 : f32
      %broadcast_in_dim3A_639 = vector.broadcast %broadcast_in_dim3A_638 : f32 to vector<16xf32>
      %get3A_640 = arith.index_cast %add3A_637 : i32 to index
      %get3A_641 = arith.constant 0 : index
      %get3A_642 = tpu.vector_load %arg11[%get3A_640, %get3A_641] {strides = array<i32>} : memref<512x64xf32, #tpu.memory_space<vmem>>, vector<16xf32>,
      %get3A_643 = arith.index_cast %add3A_637 : i32 to index
      %get3A_644 = arith.constant 0 : index
      %get3A_645 = tpu.vector_load %arg12[%get3A_643, %get3A_644] {strides = array<i32>} : memref<512x64xf32, #tpu.memory_space<vmem>>, vector<16xf32>,
      %get3A_646 = arith.index_cast %add3A_637 : i32 to index
      %get3A_647 = arith.constant 0 : index
      %get3A_648 = tpu.vector_load %arg13[%get3A_646, %get3A_647] {strides = array<i32>} : memref<512x64xf32, #tpu.memory_space<vmem>>, vector<16xf32>,
      %add3A_649 = arith.addf %get3A_642, %get3A_645 : vector<16xf32>
      %sub3A_650 = arith.subf %add3A_649, %get3A_648 : vector<16xf32>
      %abs3A_651 = math.absf %sub3A_650 : vector<16xf32>
      %add3A_652 = arith.addf %broadcast_in_dim3A_639, %abs3A_651 : vector<16xf32>
      %get3A_653 = arith.index_cast %add3A_637 : i32 to index
      %get3A_654 = arith.constant 16 : index
      %get3A_655 = tpu.vector_load %arg11[%get3A_653, %get3A_654] {strides = array<i32>} : memref<512x64xf32, #tpu.memory_space<vmem>>, vector<16xf32>,
      %get3A_656 = arith.index_cast %add3A_637 : i32 to index
      %get3A_657 = arith.constant 16 : index
      %get3A_658 = tpu.vector_load %arg12[%get3A_656, %get3A_657] {strides = array<i32>} : memref<512x64xf32, #tpu.memory_space<vmem>>, vector<16xf32>,
      %get3A_659 = arith.index_cast %add3A_637 : i32 to index
      %get3A_660 = arith.constant 16 : index
      %get3A_661 = tpu.vector_load %arg13[%get3A_659, %get3A_660] {strides = array<i32>} : memref<512x64xf32, #tpu.memory_space<vmem>>, vector<16xf32>,
      %add3A_662 = arith.addf %get3A_655, %get3A_658 : vector<16xf32>
      %sub3A_663 = arith.subf %add3A_662, %get3A_661 : vector<16xf32>
      %abs3A_664 = math.absf %sub3A_663 : vector<16xf32>
      %add3A_665 = arith.addf %add3A_652, %abs3A_664 : vector<16xf32>
      %get3A_666 = arith.index_cast %add3A_637 : i32 to index
      %get3A_667 = arith.constant 32 : index
      %get3A_668 = tpu.vector_load %arg11[%get3A_666, %get3A_667] {strides = array<i32>} : memref<512x64xf32, #tpu.memory_space<vmem>>, vector<16xf32>,
      %get3A_669 = arith.index_cast %add3A_637 : i32 to index
      %get3A_670 = arith.constant 32 : index
      %get3A_671 = tpu.vector_load %arg12[%get3A_669, %get3A_670] {strides = array<i32>} : memref<512x64xf32, #tpu.memory_space<vmem>>, vector<16xf32>,
      %get3A_672 = arith.index_cast %add3A_637 : i32 to index
      %get3A_673 = arith.constant 32 : index
      %get3A_674 = tpu.vector_load %arg13[%get3A_672, %get3A_673] {strides = array<i32>} : memref<512x64xf32, #tpu.memory_space<vmem>>, vector<16xf32>,
      %add3A_675 = arith.addf %get3A_668, %get3A_671 : vector<16xf32>
      %sub3A_676 = arith.subf %add3A_675, %get3A_674 : vector<16xf32>
      %abs3A_677 = math.absf %sub3A_676 : vector<16xf32>
      %add3A_678 = arith.addf %add3A_665, %abs3A_677 : vector<16xf32>
      %get3A_679 = arith.index_cast %add3A_637 : i32 to index
      %get3A_680 = arith.constant 48 : index
      %get3A_681 = tpu.vector_load %arg11[%get3A_679, %get3A_680] {strides = array<i32>} : memref<512x64xf32, #tpu.memory_space<vmem>>, vector<16xf32>,
      %get3A_682 = arith.index_cast %add3A_637 : i32 to index
      %get3A_683 = arith.constant 48 : index
      %get3A_684 = tpu.vector_load %arg12[%get3A_682, %get3A_683] {strides = array<i32>} : memref<512x64xf32, #tpu.memory_space<vmem>>, vector<16xf32>,
      %get3A_685 = arith.index_cast %add3A_637 : i32 to index
      %get3A_686 = arith.constant 48 : index
      %get3A_687 = tpu.vector_load %arg13[%get3A_685, %get3A_686] {strides = array<i32>} : memref<512x64xf32, #tpu.memory_space<vmem>>, vector<16xf32>,
      %add3A_688 = arith.addf %get3A_681, %get3A_684 : vector<16xf32>
      %sub3A_689 = arith.subf %add3A_688, %get3A_687 : vector<16xf32>
      %abs3A_690 = math.absf %sub3A_689 : vector<16xf32>
      %add3A_691 = arith.addf %add3A_678, %abs3A_690 : vector<16xf32>
      %eq3A_692 = arith.constant 6 : i32
      %eq3A_693 = vector.broadcast %eq3A_692 : i32 to vector<16xi32>
      %eq3A_694 = arith.cmpi eq, %iota3A, %eq3A_693 : vector<16xi32>
      %reduce_sum3A_695 = arith.constant true
      %reduce_sum3A_696 = vector.broadcast %reduce_sum3A_695 : i1 to vector<16xi1>
      %reduce_sum3A_697 = tpu.scan <sum>, %add3A_691 masked %reduce_sum3A_696 : vector<16xf32>, vector<16xi1> -> vector<16xf32>
      %reduce_sum3A_698 = vector.extract %reduce_sum3A_697[15] : f32 from vector<16xf32>
      %broadcast_in_dim3A_699 = vector.broadcast %reduce_sum3A_698 : f32 to vector<16xf32>
      %select_n3A_700 = arith.select %eq3A_694, %broadcast_in_dim3A_699, %select_n3A_635 : vector<16xi1>, vector<16xf32>
      %add3A_701 = arith.constant 7 : i32
      %add3A_702 = arith.addi %mul3A_250, %add3A_701 : i32
      %broadcast_in_dim3A_703 = arith.constant 0.000000e+00 : f32
      %broadcast_in_dim3A_704 = vector.broadcast %broadcast_in_dim3A_703 : f32 to vector<16xf32>
      %get3A_705 = arith.index_cast %add3A_702 : i32 to index
      %get3A_706 = arith.constant 0 : index
      %get3A_707 = tpu.vector_load %arg11[%get3A_705, %get3A_706] {strides = array<i32>} : memref<512x64xf32, #tpu.memory_space<vmem>>, vector<16xf32>,
      %get3A_708 = arith.index_cast %add3A_702 : i32 to index
      %get3A_709 = arith.constant 0 : index
      %get3A_710 = tpu.vector_load %arg12[%get3A_708, %get3A_709] {strides = array<i32>} : memref<512x64xf32, #tpu.memory_space<vmem>>, vector<16xf32>,
      %get3A_711 = arith.index_cast %add3A_702 : i32 to index
      %get3A_712 = arith.constant 0 : index
      %get3A_713 = tpu.vector_load %arg13[%get3A_711, %get3A_712] {strides = array<i32>} : memref<512x64xf32, #tpu.memory_space<vmem>>, vector<16xf32>,
      %add3A_714 = arith.addf %get3A_707, %get3A_710 : vector<16xf32>
      %sub3A_715 = arith.subf %add3A_714, %get3A_713 : vector<16xf32>
      %abs3A_716 = math.absf %sub3A_715 : vector<16xf32>
      %add3A_717 = arith.addf %broadcast_in_dim3A_704, %abs3A_716 : vector<16xf32>
      %get3A_718 = arith.index_cast %add3A_702 : i32 to index
      %get3A_719 = arith.constant 16 : index
      %get3A_720 = tpu.vector_load %arg11[%get3A_718, %get3A_719] {strides = array<i32>} : memref<512x64xf32, #tpu.memory_space<vmem>>, vector<16xf32>,
      %get3A_721 = arith.index_cast %add3A_702 : i32 to index
      %get3A_722 = arith.constant 16 : index
      %get3A_723 = tpu.vector_load %arg12[%get3A_721, %get3A_722] {strides = array<i32>} : memref<512x64xf32, #tpu.memory_space<vmem>>, vector<16xf32>,
      %get3A_724 = arith.index_cast %add3A_702 : i32 to index
      %get3A_725 = arith.constant 16 : index
      %get3A_726 = tpu.vector_load %arg13[%get3A_724, %get3A_725] {strides = array<i32>} : memref<512x64xf32, #tpu.memory_space<vmem>>, vector<16xf32>,
      %add3A_727 = arith.addf %get3A_720, %get3A_723 : vector<16xf32>
      %sub3A_728 = arith.subf %add3A_727, %get3A_726 : vector<16xf32>
      %abs3A_729 = math.absf %sub3A_728 : vector<16xf32>
      %add3A_730 = arith.addf %add3A_717, %abs3A_729 : vector<16xf32>
      %get3A_731 = arith.index_cast %add3A_702 : i32 to index
      %get3A_732 = arith.constant 32 : index
      %get3A_733 = tpu.vector_load %arg11[%get3A_731, %get3A_732] {strides = array<i32>} : memref<512x64xf32, #tpu.memory_space<vmem>>, vector<16xf32>,
      %get3A_734 = arith.index_cast %add3A_702 : i32 to index
      %get3A_735 = arith.constant 32 : index
      %get3A_736 = tpu.vector_load %arg12[%get3A_734, %get3A_735] {strides = array<i32>} : memref<512x64xf32, #tpu.memory_space<vmem>>, vector<16xf32>,
      %get3A_737 = arith.index_cast %add3A_702 : i32 to index
      %get3A_738 = arith.constant 32 : index
      %get3A_739 = tpu.vector_load %arg13[%get3A_737, %get3A_738] {strides = array<i32>} : memref<512x64xf32, #tpu.memory_space<vmem>>, vector<16xf32>,
      %add3A_740 = arith.addf %get3A_733, %get3A_736 : vector<16xf32>
      %sub3A_741 = arith.subf %add3A_740, %get3A_739 : vector<16xf32>
      %abs3A_742 = math.absf %sub3A_741 : vector<16xf32>
      %add3A_743 = arith.addf %add3A_730, %abs3A_742 : vector<16xf32>
      %get3A_744 = arith.index_cast %add3A_702 : i32 to index
      %get3A_745 = arith.constant 48 : index
      %get3A_746 = tpu.vector_load %arg11[%get3A_744, %get3A_745] {strides = array<i32>} : memref<512x64xf32, #tpu.memory_space<vmem>>, vector<16xf32>,
      %get3A_747 = arith.index_cast %add3A_702 : i32 to index
      %get3A_748 = arith.constant 48 : index
      %get3A_749 = tpu.vector_load %arg12[%get3A_747, %get3A_748] {strides = array<i32>} : memref<512x64xf32, #tpu.memory_space<vmem>>, vector<16xf32>,
      %get3A_750 = arith.index_cast %add3A_702 : i32 to index
      %get3A_751 = arith.constant 48 : index
      %get3A_752 = tpu.vector_load %arg13[%get3A_750, %get3A_751] {strides = array<i32>} : memref<512x64xf32, #tpu.memory_space<vmem>>, vector<16xf32>,
      %add3A_753 = arith.addf %get3A_746, %get3A_749 : vector<16xf32>
      %sub3A_754 = arith.subf %add3A_753, %get3A_752 : vector<16xf32>
      %abs3A_755 = math.absf %sub3A_754 : vector<16xf32>
      %add3A_756 = arith.addf %add3A_743, %abs3A_755 : vector<16xf32>
      %eq3A_757 = arith.constant 7 : i32
      %eq3A_758 = vector.broadcast %eq3A_757 : i32 to vector<16xi32>
      %eq3A_759 = arith.cmpi eq, %iota3A, %eq3A_758 : vector<16xi32>
      %reduce_sum3A_760 = arith.constant true
      %reduce_sum3A_761 = vector.broadcast %reduce_sum3A_760 : i1 to vector<16xi1>
      %reduce_sum3A_762 = tpu.scan <sum>, %add3A_756 masked %reduce_sum3A_761 : vector<16xf32>, vector<16xi1> -> vector<16xf32>
      %reduce_sum3A_763 = vector.extract %reduce_sum3A_762[15] : f32 from vector<16xf32>
      %broadcast_in_dim3A_764 = vector.broadcast %reduce_sum3A_763 : f32 to vector<16xf32>
      %select_n3A_765 = arith.select %eq3A_759, %broadcast_in_dim3A_764, %select_n3A_700 : vector<16xi1>, vector<16xf32>
      %add3A_766 = arith.constant 8 : i32
      %add3A_767 = arith.addi %mul3A_250, %add3A_766 : i32
      %broadcast_in_dim3A_768 = arith.constant 0.000000e+00 : f32
      %broadcast_in_dim3A_769 = vector.broadcast %broadcast_in_dim3A_768 : f32 to vector<16xf32>
      %get3A_770 = arith.index_cast %add3A_767 : i32 to index
      %get3A_771 = arith.constant 0 : index
      %get3A_772 = tpu.vector_load %arg11[%get3A_770, %get3A_771] {strides = array<i32>} : memref<512x64xf32, #tpu.memory_space<vmem>>, vector<16xf32>,
      %get3A_773 = arith.index_cast %add3A_767 : i32 to index
      %get3A_774 = arith.constant 0 : index
      %get3A_775 = tpu.vector_load %arg12[%get3A_773, %get3A_774] {strides = array<i32>} : memref<512x64xf32, #tpu.memory_space<vmem>>, vector<16xf32>,
      %get3A_776 = arith.index_cast %add3A_767 : i32 to index
      %get3A_777 = arith.constant 0 : index
      %get3A_778 = tpu.vector_load %arg13[%get3A_776, %get3A_777] {strides = array<i32>} : memref<512x64xf32, #tpu.memory_space<vmem>>, vector<16xf32>,
      %add3A_779 = arith.addf %get3A_772, %get3A_775 : vector<16xf32>
      %sub3A_780 = arith.subf %add3A_779, %get3A_778 : vector<16xf32>
      %abs3A_781 = math.absf %sub3A_780 : vector<16xf32>
      %add3A_782 = arith.addf %broadcast_in_dim3A_769, %abs3A_781 : vector<16xf32>
      %get3A_783 = arith.index_cast %add3A_767 : i32 to index
      %get3A_784 = arith.constant 16 : index
      %get3A_785 = tpu.vector_load %arg11[%get3A_783, %get3A_784] {strides = array<i32>} : memref<512x64xf32, #tpu.memory_space<vmem>>, vector<16xf32>,
      %get3A_786 = arith.index_cast %add3A_767 : i32 to index
      %get3A_787 = arith.constant 16 : index
      %get3A_788 = tpu.vector_load %arg12[%get3A_786, %get3A_787] {strides = array<i32>} : memref<512x64xf32, #tpu.memory_space<vmem>>, vector<16xf32>,
      %get3A_789 = arith.index_cast %add3A_767 : i32 to index
      %get3A_790 = arith.constant 16 : index
      %get3A_791 = tpu.vector_load %arg13[%get3A_789, %get3A_790] {strides = array<i32>} : memref<512x64xf32, #tpu.memory_space<vmem>>, vector<16xf32>,
      %add3A_792 = arith.addf %get3A_785, %get3A_788 : vector<16xf32>
      %sub3A_793 = arith.subf %add3A_792, %get3A_791 : vector<16xf32>
      %abs3A_794 = math.absf %sub3A_793 : vector<16xf32>
      %add3A_795 = arith.addf %add3A_782, %abs3A_794 : vector<16xf32>
      %get3A_796 = arith.index_cast %add3A_767 : i32 to index
      %get3A_797 = arith.constant 32 : index
      %get3A_798 = tpu.vector_load %arg11[%get3A_796, %get3A_797] {strides = array<i32>} : memref<512x64xf32, #tpu.memory_space<vmem>>, vector<16xf32>,
      %get3A_799 = arith.index_cast %add3A_767 : i32 to index
      %get3A_800 = arith.constant 32 : index
      %get3A_801 = tpu.vector_load %arg12[%get3A_799, %get3A_800] {strides = array<i32>} : memref<512x64xf32, #tpu.memory_space<vmem>>, vector<16xf32>,
      %get3A_802 = arith.index_cast %add3A_767 : i32 to index
      %get3A_803 = arith.constant 32 : index
      %get3A_804 = tpu.vector_load %arg13[%get3A_802, %get3A_803] {strides = array<i32>} : memref<512x64xf32, #tpu.memory_space<vmem>>, vector<16xf32>,
      %add3A_805 = arith.addf %get3A_798, %get3A_801 : vector<16xf32>
      %sub3A_806 = arith.subf %add3A_805, %get3A_804 : vector<16xf32>
      %abs3A_807 = math.absf %sub3A_806 : vector<16xf32>
      %add3A_808 = arith.addf %add3A_795, %abs3A_807 : vector<16xf32>
      %get3A_809 = arith.index_cast %add3A_767 : i32 to index
      %get3A_810 = arith.constant 48 : index
      %get3A_811 = tpu.vector_load %arg11[%get3A_809, %get3A_810] {strides = array<i32>} : memref<512x64xf32, #tpu.memory_space<vmem>>, vector<16xf32>,
      %get3A_812 = arith.index_cast %add3A_767 : i32 to index
      %get3A_813 = arith.constant 48 : index
      %get3A_814 = tpu.vector_load %arg12[%get3A_812, %get3A_813] {strides = array<i32>} : memref<512x64xf32, #tpu.memory_space<vmem>>, vector<16xf32>,
      %get3A_815 = arith.index_cast %add3A_767 : i32 to index
      %get3A_816 = arith.constant 48 : index
      %get3A_817 = tpu.vector_load %arg13[%get3A_815, %get3A_816] {strides = array<i32>} : memref<512x64xf32, #tpu.memory_space<vmem>>, vector<16xf32>,
      %add3A_818 = arith.addf %get3A_811, %get3A_814 : vector<16xf32>
      %sub3A_819 = arith.subf %add3A_818, %get3A_817 : vector<16xf32>
      %abs3A_820 = math.absf %sub3A_819 : vector<16xf32>
      %add3A_821 = arith.addf %add3A_808, %abs3A_820 : vector<16xf32>
      %eq3A_822 = arith.constant 8 : i32
      %eq3A_823 = vector.broadcast %eq3A_822 : i32 to vector<16xi32>
      %eq3A_824 = arith.cmpi eq, %iota3A, %eq3A_823 : vector<16xi32>
      %reduce_sum3A_825 = arith.constant true
      %reduce_sum3A_826 = vector.broadcast %reduce_sum3A_825 : i1 to vector<16xi1>
      %reduce_sum3A_827 = tpu.scan <sum>, %add3A_821 masked %reduce_sum3A_826 : vector<16xf32>, vector<16xi1> -> vector<16xf32>
      %reduce_sum3A_828 = vector.extract %reduce_sum3A_827[15] : f32 from vector<16xf32>
      %broadcast_in_dim3A_829 = vector.broadcast %reduce_sum3A_828 : f32 to vector<16xf32>
      %select_n3A_830 = arith.select %eq3A_824, %broadcast_in_dim3A_829, %select_n3A_765 : vector<16xi1>, vector<16xf32>
      %add3A_831 = arith.constant 9 : i32
      %add3A_832 = arith.addi %mul3A_250, %add3A_831 : i32
      %broadcast_in_dim3A_833 = arith.constant 0.000000e+00 : f32
      %broadcast_in_dim3A_834 = vector.broadcast %broadcast_in_dim3A_833 : f32 to vector<16xf32>
      %get3A_835 = arith.index_cast %add3A_832 : i32 to index
      %get3A_836 = arith.constant 0 : index
      %get3A_837 = tpu.vector_load %arg11[%get3A_835, %get3A_836] {strides = array<i32>} : memref<512x64xf32, #tpu.memory_space<vmem>>, vector<16xf32>,
      %get3A_838 = arith.index_cast %add3A_832 : i32 to index
      %get3A_839 = arith.constant 0 : index
      %get3A_840 = tpu.vector_load %arg12[%get3A_838, %get3A_839] {strides = array<i32>} : memref<512x64xf32, #tpu.memory_space<vmem>>, vector<16xf32>,
      %get3A_841 = arith.index_cast %add3A_832 : i32 to index
      %get3A_842 = arith.constant 0 : index
      %get3A_843 = tpu.vector_load %arg13[%get3A_841, %get3A_842] {strides = array<i32>} : memref<512x64xf32, #tpu.memory_space<vmem>>, vector<16xf32>,
      %add3A_844 = arith.addf %get3A_837, %get3A_840 : vector<16xf32>
      %sub3A_845 = arith.subf %add3A_844, %get3A_843 : vector<16xf32>
      %abs3A_846 = math.absf %sub3A_845 : vector<16xf32>
      %add3A_847 = arith.addf %broadcast_in_dim3A_834, %abs3A_846 : vector<16xf32>
      %get3A_848 = arith.index_cast %add3A_832 : i32 to index
      %get3A_849 = arith.constant 16 : index
      %get3A_850 = tpu.vector_load %arg11[%get3A_848, %get3A_849] {strides = array<i32>} : memref<512x64xf32, #tpu.memory_space<vmem>>, vector<16xf32>,
      %get3A_851 = arith.index_cast %add3A_832 : i32 to index
      %get3A_852 = arith.constant 16 : index
      %get3A_853 = tpu.vector_load %arg12[%get3A_851, %get3A_852] {strides = array<i32>} : memref<512x64xf32, #tpu.memory_space<vmem>>, vector<16xf32>,
      %get3A_854 = arith.index_cast %add3A_832 : i32 to index
      %get3A_855 = arith.constant 16 : index
      %get3A_856 = tpu.vector_load %arg13[%get3A_854, %get3A_855] {strides = array<i32>} : memref<512x64xf32, #tpu.memory_space<vmem>>, vector<16xf32>,
      %add3A_857 = arith.addf %get3A_850, %get3A_853 : vector<16xf32>
      %sub3A_858 = arith.subf %add3A_857, %get3A_856 : vector<16xf32>
      %abs3A_859 = math.absf %sub3A_858 : vector<16xf32>
      %add3A_860 = arith.addf %add3A_847, %abs3A_859 : vector<16xf32>
      %get3A_861 = arith.index_cast %add3A_832 : i32 to index
      %get3A_862 = arith.constant 32 : index
      %get3A_863 = tpu.vector_load %arg11[%get3A_861, %get3A_862] {strides = array<i32>} : memref<512x64xf32, #tpu.memory_space<vmem>>, vector<16xf32>,
      %get3A_864 = arith.index_cast %add3A_832 : i32 to index
      %get3A_865 = arith.constant 32 : index
      %get3A_866 = tpu.vector_load %arg12[%get3A_864, %get3A_865] {strides = array<i32>} : memref<512x64xf32, #tpu.memory_space<vmem>>, vector<16xf32>,
      %get3A_867 = arith.index_cast %add3A_832 : i32 to index
      %get3A_868 = arith.constant 32 : index
      %get3A_869 = tpu.vector_load %arg13[%get3A_867, %get3A_868] {strides = array<i32>} : memref<512x64xf32, #tpu.memory_space<vmem>>, vector<16xf32>,
      %add3A_870 = arith.addf %get3A_863, %get3A_866 : vector<16xf32>
      %sub3A_871 = arith.subf %add3A_870, %get3A_869 : vector<16xf32>
      %abs3A_872 = math.absf %sub3A_871 : vector<16xf32>
      %add3A_873 = arith.addf %add3A_860, %abs3A_872 : vector<16xf32>
      %get3A_874 = arith.index_cast %add3A_832 : i32 to index
      %get3A_875 = arith.constant 48 : index
      %get3A_876 = tpu.vector_load %arg11[%get3A_874, %get3A_875] {strides = array<i32>} : memref<512x64xf32, #tpu.memory_space<vmem>>, vector<16xf32>,
      %get3A_877 = arith.index_cast %add3A_832 : i32 to index
      %get3A_878 = arith.constant 48 : index
      %get3A_879 = tpu.vector_load %arg12[%get3A_877, %get3A_878] {strides = array<i32>} : memref<512x64xf32, #tpu.memory_space<vmem>>, vector<16xf32>,
      %get3A_880 = arith.index_cast %add3A_832 : i32 to index
      %get3A_881 = arith.constant 48 : index
      %get3A_882 = tpu.vector_load %arg13[%get3A_880, %get3A_881] {strides = array<i32>} : memref<512x64xf32, #tpu.memory_space<vmem>>, vector<16xf32>,
      %add3A_883 = arith.addf %get3A_876, %get3A_879 : vector<16xf32>
      %sub3A_884 = arith.subf %add3A_883, %get3A_882 : vector<16xf32>
      %abs3A_885 = math.absf %sub3A_884 : vector<16xf32>
      %add3A_886 = arith.addf %add3A_873, %abs3A_885 : vector<16xf32>
      %eq3A_887 = arith.constant 9 : i32
      %eq3A_888 = vector.broadcast %eq3A_887 : i32 to vector<16xi32>
      %eq3A_889 = arith.cmpi eq, %iota3A, %eq3A_888 : vector<16xi32>
      %reduce_sum3A_890 = arith.constant true
      %reduce_sum3A_891 = vector.broadcast %reduce_sum3A_890 : i1 to vector<16xi1>
      %reduce_sum3A_892 = tpu.scan <sum>, %add3A_886 masked %reduce_sum3A_891 : vector<16xf32>, vector<16xi1> -> vector<16xf32>
      %reduce_sum3A_893 = vector.extract %reduce_sum3A_892[15] : f32 from vector<16xf32>
      %broadcast_in_dim3A_894 = vector.broadcast %reduce_sum3A_893 : f32 to vector<16xf32>
      %select_n3A_895 = arith.select %eq3A_889, %broadcast_in_dim3A_894, %select_n3A_830 : vector<16xi1>, vector<16xf32>
      %add3A_896 = arith.constant 10 : i32
      %add3A_897 = arith.addi %mul3A_250, %add3A_896 : i32
      %broadcast_in_dim3A_898 = arith.constant 0.000000e+00 : f32
      %broadcast_in_dim3A_899 = vector.broadcast %broadcast_in_dim3A_898 : f32 to vector<16xf32>
      %get3A_900 = arith.index_cast %add3A_897 : i32 to index
      %get3A_901 = arith.constant 0 : index
      %get3A_902 = tpu.vector_load %arg11[%get3A_900, %get3A_901] {strides = array<i32>} : memref<512x64xf32, #tpu.memory_space<vmem>>, vector<16xf32>,
      %get3A_903 = arith.index_cast %add3A_897 : i32 to index
      %get3A_904 = arith.constant 0 : index
      %get3A_905 = tpu.vector_load %arg12[%get3A_903, %get3A_904] {strides = array<i32>} : memref<512x64xf32, #tpu.memory_space<vmem>>, vector<16xf32>,
      %get3A_906 = arith.index_cast %add3A_897 : i32 to index
      %get3A_907 = arith.constant 0 : index
      %get3A_908 = tpu.vector_load %arg13[%get3A_906, %get3A_907] {strides = array<i32>} : memref<512x64xf32, #tpu.memory_space<vmem>>, vector<16xf32>,
      %add3A_909 = arith.addf %get3A_902, %get3A_905 : vector<16xf32>
      %sub3A_910 = arith.subf %add3A_909, %get3A_908 : vector<16xf32>
      %abs3A_911 = math.absf %sub3A_910 : vector<16xf32>
      %add3A_912 = arith.addf %broadcast_in_dim3A_899, %abs3A_911 : vector<16xf32>
      %get3A_913 = arith.index_cast %add3A_897 : i32 to index
      %get3A_914 = arith.constant 16 : index
      %get3A_915 = tpu.vector_load %arg11[%get3A_913, %get3A_914] {strides = array<i32>} : memref<512x64xf32, #tpu.memory_space<vmem>>, vector<16xf32>,
      %get3A_916 = arith.index_cast %add3A_897 : i32 to index
      %get3A_917 = arith.constant 16 : index
      %get3A_918 = tpu.vector_load %arg12[%get3A_916, %get3A_917] {strides = array<i32>} : memref<512x64xf32, #tpu.memory_space<vmem>>, vector<16xf32>,
      %get3A_919 = arith.index_cast %add3A_897 : i32 to index
      %get3A_920 = arith.constant 16 : index
      %get3A_921 = tpu.vector_load %arg13[%get3A_919, %get3A_920] {strides = array<i32>} : memref<512x64xf32, #tpu.memory_space<vmem>>, vector<16xf32>,
      %add3A_922 = arith.addf %get3A_915, %get3A_918 : vector<16xf32>
      %sub3A_923 = arith.subf %add3A_922, %get3A_921 : vector<16xf32>
      %abs3A_924 = math.absf %sub3A_923 : vector<16xf32>
      %add3A_925 = arith.addf %add3A_912, %abs3A_924 : vector<16xf32>
      %get3A_926 = arith.index_cast %add3A_897 : i32 to index
      %get3A_927 = arith.constant 32 : index
      %get3A_928 = tpu.vector_load %arg11[%get3A_926, %get3A_927] {strides = array<i32>} : memref<512x64xf32, #tpu.memory_space<vmem>>, vector<16xf32>,
      %get3A_929 = arith.index_cast %add3A_897 : i32 to index
      %get3A_930 = arith.constant 32 : index
      %get3A_931 = tpu.vector_load %arg12[%get3A_929, %get3A_930] {strides = array<i32>} : memref<512x64xf32, #tpu.memory_space<vmem>>, vector<16xf32>,
      %get3A_932 = arith.index_cast %add3A_897 : i32 to index
      %get3A_933 = arith.constant 32 : index
      %get3A_934 = tpu.vector_load %arg13[%get3A_932, %get3A_933] {strides = array<i32>} : memref<512x64xf32, #tpu.memory_space<vmem>>, vector<16xf32>,
      %add3A_935 = arith.addf %get3A_928, %get3A_931 : vector<16xf32>
      %sub3A_936 = arith.subf %add3A_935, %get3A_934 : vector<16xf32>
      %abs3A_937 = math.absf %sub3A_936 : vector<16xf32>
      %add3A_938 = arith.addf %add3A_925, %abs3A_937 : vector<16xf32>
      %get3A_939 = arith.index_cast %add3A_897 : i32 to index
      %get3A_940 = arith.constant 48 : index
      %get3A_941 = tpu.vector_load %arg11[%get3A_939, %get3A_940] {strides = array<i32>} : memref<512x64xf32, #tpu.memory_space<vmem>>, vector<16xf32>,
      %get3A_942 = arith.index_cast %add3A_897 : i32 to index
      %get3A_943 = arith.constant 48 : index
      %get3A_944 = tpu.vector_load %arg12[%get3A_942, %get3A_943] {strides = array<i32>} : memref<512x64xf32, #tpu.memory_space<vmem>>, vector<16xf32>,
      %get3A_945 = arith.index_cast %add3A_897 : i32 to index
      %get3A_946 = arith.constant 48 : index
      %get3A_947 = tpu.vector_load %arg13[%get3A_945, %get3A_946] {strides = array<i32>} : memref<512x64xf32, #tpu.memory_space<vmem>>, vector<16xf32>,
      %add3A_948 = arith.addf %get3A_941, %get3A_944 : vector<16xf32>
      %sub3A_949 = arith.subf %add3A_948, %get3A_947 : vector<16xf32>
      %abs3A_950 = math.absf %sub3A_949 : vector<16xf32>
      %add3A_951 = arith.addf %add3A_938, %abs3A_950 : vector<16xf32>
      %eq3A_952 = arith.constant 10 : i32
      %eq3A_953 = vector.broadcast %eq3A_952 : i32 to vector<16xi32>
      %eq3A_954 = arith.cmpi eq, %iota3A, %eq3A_953 : vector<16xi32>
      %reduce_sum3A_955 = arith.constant true
      %reduce_sum3A_956 = vector.broadcast %reduce_sum3A_955 : i1 to vector<16xi1>
      %reduce_sum3A_957 = tpu.scan <sum>, %add3A_951 masked %reduce_sum3A_956 : vector<16xf32>, vector<16xi1> -> vector<16xf32>
      %reduce_sum3A_958 = vector.extract %reduce_sum3A_957[15] : f32 from vector<16xf32>
      %broadcast_in_dim3A_959 = vector.broadcast %reduce_sum3A_958 : f32 to vector<16xf32>
      %select_n3A_960 = arith.select %eq3A_954, %broadcast_in_dim3A_959, %select_n3A_895 : vector<16xi1>, vector<16xf32>
      %add3A_961 = arith.constant 11 : i32
      %add3A_962 = arith.addi %mul3A_250, %add3A_961 : i32
      %broadcast_in_dim3A_963 = arith.constant 0.000000e+00 : f32
      %broadcast_in_dim3A_964 = vector.broadcast %broadcast_in_dim3A_963 : f32 to vector<16xf32>
      %get3A_965 = arith.index_cast %add3A_962 : i32 to index
      %get3A_966 = arith.constant 0 : index
      %get3A_967 = tpu.vector_load %arg11[%get3A_965, %get3A_966] {strides = array<i32>} : memref<512x64xf32, #tpu.memory_space<vmem>>, vector<16xf32>,
      %get3A_968 = arith.index_cast %add3A_962 : i32 to index
      %get3A_969 = arith.constant 0 : index
      %get3A_970 = tpu.vector_load %arg12[%get3A_968, %get3A_969] {strides = array<i32>} : memref<512x64xf32, #tpu.memory_space<vmem>>, vector<16xf32>,
      %get3A_971 = arith.index_cast %add3A_962 : i32 to index
      %get3A_972 = arith.constant 0 : index
      %get3A_973 = tpu.vector_load %arg13[%get3A_971, %get3A_972] {strides = array<i32>} : memref<512x64xf32, #tpu.memory_space<vmem>>, vector<16xf32>,
      %add3A_974 = arith.addf %get3A_967, %get3A_970 : vector<16xf32>
      %sub3A_975 = arith.subf %add3A_974, %get3A_973 : vector<16xf32>
      %abs3A_976 = math.absf %sub3A_975 : vector<16xf32>
      %add3A_977 = arith.addf %broadcast_in_dim3A_964, %abs3A_976 : vector<16xf32>
      %get3A_978 = arith.index_cast %add3A_962 : i32 to index
      %get3A_979 = arith.constant 16 : index
      %get3A_980 = tpu.vector_load %arg11[%get3A_978, %get3A_979] {strides = array<i32>} : memref<512x64xf32, #tpu.memory_space<vmem>>, vector<16xf32>,
      %get3A_981 = arith.index_cast %add3A_962 : i32 to index
      %get3A_982 = arith.constant 16 : index
      %get3A_983 = tpu.vector_load %arg12[%get3A_981, %get3A_982] {strides = array<i32>} : memref<512x64xf32, #tpu.memory_space<vmem>>, vector<16xf32>,
      %get3A_984 = arith.index_cast %add3A_962 : i32 to index
      %get3A_985 = arith.constant 16 : index
      %get3A_986 = tpu.vector_load %arg13[%get3A_984, %get3A_985] {strides = array<i32>} : memref<512x64xf32, #tpu.memory_space<vmem>>, vector<16xf32>,
      %add3A_987 = arith.addf %get3A_980, %get3A_983 : vector<16xf32>
      %sub3A_988 = arith.subf %add3A_987, %get3A_986 : vector<16xf32>
      %abs3A_989 = math.absf %sub3A_988 : vector<16xf32>
      %add3A_990 = arith.addf %add3A_977, %abs3A_989 : vector<16xf32>
      %get3A_991 = arith.index_cast %add3A_962 : i32 to index
      %get3A_992 = arith.constant 32 : index
      %get3A_993 = tpu.vector_load %arg11[%get3A_991, %get3A_992] {strides = array<i32>} : memref<512x64xf32, #tpu.memory_space<vmem>>, vector<16xf32>,
      %get3A_994 = arith.index_cast %add3A_962 : i32 to index
      %get3A_995 = arith.constant 32 : index
      %get3A_996 = tpu.vector_load %arg12[%get3A_994, %get3A_995] {strides = array<i32>} : memref<512x64xf32, #tpu.memory_space<vmem>>, vector<16xf32>,
      %get3A_997 = arith.index_cast %add3A_962 : i32 to index
      %get3A_998 = arith.constant 32 : index
      %get3A_999 = tpu.vector_load %arg13[%get3A_997, %get3A_998] {strides = array<i32>} : memref<512x64xf32, #tpu.memory_space<vmem>>, vector<16xf32>,
      %add3A_1000 = arith.addf %get3A_993, %get3A_996 : vector<16xf32>
      %sub3A_1001 = arith.subf %add3A_1000, %get3A_999 : vector<16xf32>
      %abs3A_1002 = math.absf %sub3A_1001 : vector<16xf32>
      %add3A_1003 = arith.addf %add3A_990, %abs3A_1002 : vector<16xf32>
      %get3A_1004 = arith.index_cast %add3A_962 : i32 to index
      %get3A_1005 = arith.constant 48 : index
      %get3A_1006 = tpu.vector_load %arg11[%get3A_1004, %get3A_1005] {strides = array<i32>} : memref<512x64xf32, #tpu.memory_space<vmem>>, vector<16xf32>,
      %get3A_1007 = arith.index_cast %add3A_962 : i32 to index
      %get3A_1008 = arith.constant 48 : index
      %get3A_1009 = tpu.vector_load %arg12[%get3A_1007, %get3A_1008] {strides = array<i32>} : memref<512x64xf32, #tpu.memory_space<vmem>>, vector<16xf32>,
      %get3A_1010 = arith.index_cast %add3A_962 : i32 to index
      %get3A_1011 = arith.constant 48 : index
      %get3A_1012 = tpu.vector_load %arg13[%get3A_1010, %get3A_1011] {strides = array<i32>} : memref<512x64xf32, #tpu.memory_space<vmem>>, vector<16xf32>,
      %add3A_1013 = arith.addf %get3A_1006, %get3A_1009 : vector<16xf32>
      %sub3A_1014 = arith.subf %add3A_1013, %get3A_1012 : vector<16xf32>
      %abs3A_1015 = math.absf %sub3A_1014 : vector<16xf32>
      %add3A_1016 = arith.addf %add3A_1003, %abs3A_1015 : vector<16xf32>
      %eq3A_1017 = arith.constant 11 : i32
      %eq3A_1018 = vector.broadcast %eq3A_1017 : i32 to vector<16xi32>
      %eq3A_1019 = arith.cmpi eq, %iota3A, %eq3A_1018 : vector<16xi32>
      %reduce_sum3A_1020 = arith.constant true
      %reduce_sum3A_1021 = vector.broadcast %reduce_sum3A_1020 : i1 to vector<16xi1>
      %reduce_sum3A_1022 = tpu.scan <sum>, %add3A_1016 masked %reduce_sum3A_1021 : vector<16xf32>, vector<16xi1> -> vector<16xf32>
      %reduce_sum3A_1023 = vector.extract %reduce_sum3A_1022[15] : f32 from vector<16xf32>
      %broadcast_in_dim3A_1024 = vector.broadcast %reduce_sum3A_1023 : f32 to vector<16xf32>
      %select_n3A_1025 = arith.select %eq3A_1019, %broadcast_in_dim3A_1024, %select_n3A_960 : vector<16xi1>, vector<16xf32>
      %add3A_1026 = arith.constant 12 : i32
      %add3A_1027 = arith.addi %mul3A_250, %add3A_1026 : i32
      %broadcast_in_dim3A_1028 = arith.constant 0.000000e+00 : f32
      %broadcast_in_dim3A_1029 = vector.broadcast %broadcast_in_dim3A_1028 : f32 to vector<16xf32>
      %get3A_1030 = arith.index_cast %add3A_1027 : i32 to index
      %get3A_1031 = arith.constant 0 : index
      %get3A_1032 = tpu.vector_load %arg11[%get3A_1030, %get3A_1031] {strides = array<i32>} : memref<512x64xf32, #tpu.memory_space<vmem>>, vector<16xf32>,
      %get3A_1033 = arith.index_cast %add3A_1027 : i32 to index
      %get3A_1034 = arith.constant 0 : index
      %get3A_1035 = tpu.vector_load %arg12[%get3A_1033, %get3A_1034] {strides = array<i32>} : memref<512x64xf32, #tpu.memory_space<vmem>>, vector<16xf32>,
      %get3A_1036 = arith.index_cast %add3A_1027 : i32 to index
      %get3A_1037 = arith.constant 0 : index
      %get3A_1038 = tpu.vector_load %arg13[%get3A_1036, %get3A_1037] {strides = array<i32>} : memref<512x64xf32, #tpu.memory_space<vmem>>, vector<16xf32>,
      %add3A_1039 = arith.addf %get3A_1032, %get3A_1035 : vector<16xf32>
      %sub3A_1040 = arith.subf %add3A_1039, %get3A_1038 : vector<16xf32>
      %abs3A_1041 = math.absf %sub3A_1040 : vector<16xf32>
      %add3A_1042 = arith.addf %broadcast_in_dim3A_1029, %abs3A_1041 : vector<16xf32>
      %get3A_1043 = arith.index_cast %add3A_1027 : i32 to index
      %get3A_1044 = arith.constant 16 : index
      %get3A_1045 = tpu.vector_load %arg11[%get3A_1043, %get3A_1044] {strides = array<i32>} : memref<512x64xf32, #tpu.memory_space<vmem>>, vector<16xf32>,
      %get3A_1046 = arith.index_cast %add3A_1027 : i32 to index
      %get3A_1047 = arith.constant 16 : index
      %get3A_1048 = tpu.vector_load %arg12[%get3A_1046, %get3A_1047] {strides = array<i32>} : memref<512x64xf32, #tpu.memory_space<vmem>>, vector<16xf32>,
      %get3A_1049 = arith.index_cast %add3A_1027 : i32 to index
      %get3A_1050 = arith.constant 16 : index
      %get3A_1051 = tpu.vector_load %arg13[%get3A_1049, %get3A_1050] {strides = array<i32>} : memref<512x64xf32, #tpu.memory_space<vmem>>, vector<16xf32>,
      %add3A_1052 = arith.addf %get3A_1045, %get3A_1048 : vector<16xf32>
      %sub3A_1053 = arith.subf %add3A_1052, %get3A_1051 : vector<16xf32>
      %abs3A_1054 = math.absf %sub3A_1053 : vector<16xf32>
      %add3A_1055 = arith.addf %add3A_1042, %abs3A_1054 : vector<16xf32>
      %get3A_1056 = arith.index_cast %add3A_1027 : i32 to index
      %get3A_1057 = arith.constant 32 : index
      %get3A_1058 = tpu.vector_load %arg11[%get3A_1056, %get3A_1057] {strides = array<i32>} : memref<512x64xf32, #tpu.memory_space<vmem>>, vector<16xf32>,
      %get3A_1059 = arith.index_cast %add3A_1027 : i32 to index
      %get3A_1060 = arith.constant 32 : index
      %get3A_1061 = tpu.vector_load %arg12[%get3A_1059, %get3A_1060] {strides = array<i32>} : memref<512x64xf32, #tpu.memory_space<vmem>>, vector<16xf32>,
      %get3A_1062 = arith.index_cast %add3A_1027 : i32 to index
      %get3A_1063 = arith.constant 32 : index
      %get3A_1064 = tpu.vector_load %arg13[%get3A_1062, %get3A_1063] {strides = array<i32>} : memref<512x64xf32, #tpu.memory_space<vmem>>, vector<16xf32>,
      %add3A_1065 = arith.addf %get3A_1058, %get3A_1061 : vector<16xf32>
      %sub3A_1066 = arith.subf %add3A_1065, %get3A_1064 : vector<16xf32>
      %abs3A_1067 = math.absf %sub3A_1066 : vector<16xf32>
      %add3A_1068 = arith.addf %add3A_1055, %abs3A_1067 : vector<16xf32>
      %get3A_1069 = arith.index_cast %add3A_1027 : i32 to index
      %get3A_1070 = arith.constant 48 : index
      %get3A_1071 = tpu.vector_load %arg11[%get3A_1069, %get3A_1070] {strides = array<i32>} : memref<512x64xf32, #tpu.memory_space<vmem>>, vector<16xf32>,
      %get3A_1072 = arith.index_cast %add3A_1027 : i32 to index
      %get3A_1073 = arith.constant 48 : index
      %get3A_1074 = tpu.vector_load %arg12[%get3A_1072, %get3A_1073] {strides = array<i32>} : memref<512x64xf32, #tpu.memory_space<vmem>>, vector<16xf32>,
      %get3A_1075 = arith.index_cast %add3A_1027 : i32 to index
      %get3A_1076 = arith.constant 48 : index
      %get3A_1077 = tpu.vector_load %arg13[%get3A_1075, %get3A_1076] {strides = array<i32>} : memref<512x64xf32, #tpu.memory_space<vmem>>, vector<16xf32>,
      %add3A_1078 = arith.addf %get3A_1071, %get3A_1074 : vector<16xf32>
      %sub3A_1079 = arith.subf %add3A_1078, %get3A_1077 : vector<16xf32>
      %abs3A_1080 = math.absf %sub3A_1079 : vector<16xf32>
      %add3A_1081 = arith.addf %add3A_1068, %abs3A_1080 : vector<16xf32>
      %eq3A_1082 = arith.constant 12 : i32
      %eq3A_1083 = vector.broadcast %eq3A_1082 : i32 to vector<16xi32>
      %eq3A_1084 = arith.cmpi eq, %iota3A, %eq3A_1083 : vector<16xi32>
      %reduce_sum3A_1085 = arith.constant true
      %reduce_sum3A_1086 = vector.broadcast %reduce_sum3A_1085 : i1 to vector<16xi1>
      %reduce_sum3A_1087 = tpu.scan <sum>, %add3A_1081 masked %reduce_sum3A_1086 : vector<16xf32>, vector<16xi1> -> vector<16xf32>
      %reduce_sum3A_1088 = vector.extract %reduce_sum3A_1087[15] : f32 from vector<16xf32>
      %broadcast_in_dim3A_1089 = vector.broadcast %reduce_sum3A_1088 : f32 to vector<16xf32>
      %select_n3A_1090 = arith.select %eq3A_1084, %broadcast_in_dim3A_1089, %select_n3A_1025 : vector<16xi1>, vector<16xf32>
      %add3A_1091 = arith.constant 13 : i32
      %add3A_1092 = arith.addi %mul3A_250, %add3A_1091 : i32
      %broadcast_in_dim3A_1093 = arith.constant 0.000000e+00 : f32
      %broadcast_in_dim3A_1094 = vector.broadcast %broadcast_in_dim3A_1093 : f32 to vector<16xf32>
      %get3A_1095 = arith.index_cast %add3A_1092 : i32 to index
      %get3A_1096 = arith.constant 0 : index
      %get3A_1097 = tpu.vector_load %arg11[%get3A_1095, %get3A_1096] {strides = array<i32>} : memref<512x64xf32, #tpu.memory_space<vmem>>, vector<16xf32>,
      %get3A_1098 = arith.index_cast %add3A_1092 : i32 to index
      %get3A_1099 = arith.constant 0 : index
      %get3A_1100 = tpu.vector_load %arg12[%get3A_1098, %get3A_1099] {strides = array<i32>} : memref<512x64xf32, #tpu.memory_space<vmem>>, vector<16xf32>,
      %get3A_1101 = arith.index_cast %add3A_1092 : i32 to index
      %get3A_1102 = arith.constant 0 : index
      %get3A_1103 = tpu.vector_load %arg13[%get3A_1101, %get3A_1102] {strides = array<i32>} : memref<512x64xf32, #tpu.memory_space<vmem>>, vector<16xf32>,
      %add3A_1104 = arith.addf %get3A_1097, %get3A_1100 : vector<16xf32>
      %sub3A_1105 = arith.subf %add3A_1104, %get3A_1103 : vector<16xf32>
      %abs3A_1106 = math.absf %sub3A_1105 : vector<16xf32>
      %add3A_1107 = arith.addf %broadcast_in_dim3A_1094, %abs3A_1106 : vector<16xf32>
      %get3A_1108 = arith.index_cast %add3A_1092 : i32 to index
      %get3A_1109 = arith.constant 16 : index
      %get3A_1110 = tpu.vector_load %arg11[%get3A_1108, %get3A_1109] {strides = array<i32>} : memref<512x64xf32, #tpu.memory_space<vmem>>, vector<16xf32>,
      %get3A_1111 = arith.index_cast %add3A_1092 : i32 to index
      %get3A_1112 = arith.constant 16 : index
      %get3A_1113 = tpu.vector_load %arg12[%get3A_1111, %get3A_1112] {strides = array<i32>} : memref<512x64xf32, #tpu.memory_space<vmem>>, vector<16xf32>,
      %get3A_1114 = arith.index_cast %add3A_1092 : i32 to index
      %get3A_1115 = arith.constant 16 : index
      %get3A_1116 = tpu.vector_load %arg13[%get3A_1114, %get3A_1115] {strides = array<i32>} : memref<512x64xf32, #tpu.memory_space<vmem>>, vector<16xf32>,
      %add3A_1117 = arith.addf %get3A_1110, %get3A_1113 : vector<16xf32>
      %sub3A_1118 = arith.subf %add3A_1117, %get3A_1116 : vector<16xf32>
      %abs3A_1119 = math.absf %sub3A_1118 : vector<16xf32>
      %add3A_1120 = arith.addf %add3A_1107, %abs3A_1119 : vector<16xf32>
      %get3A_1121 = arith.index_cast %add3A_1092 : i32 to index
      %get3A_1122 = arith.constant 32 : index
      %get3A_1123 = tpu.vector_load %arg11[%get3A_1121, %get3A_1122] {strides = array<i32>} : memref<512x64xf32, #tpu.memory_space<vmem>>, vector<16xf32>,
      %get3A_1124 = arith.index_cast %add3A_1092 : i32 to index
      %get3A_1125 = arith.constant 32 : index
      %get3A_1126 = tpu.vector_load %arg12[%get3A_1124, %get3A_1125] {strides = array<i32>} : memref<512x64xf32, #tpu.memory_space<vmem>>, vector<16xf32>,
      %get3A_1127 = arith.index_cast %add3A_1092 : i32 to index
      %get3A_1128 = arith.constant 32 : index
      %get3A_1129 = tpu.vector_load %arg13[%get3A_1127, %get3A_1128] {strides = array<i32>} : memref<512x64xf32, #tpu.memory_space<vmem>>, vector<16xf32>,
      %add3A_1130 = arith.addf %get3A_1123, %get3A_1126 : vector<16xf32>
      %sub3A_1131 = arith.subf %add3A_1130, %get3A_1129 : vector<16xf32>
      %abs3A_1132 = math.absf %sub3A_1131 : vector<16xf32>
      %add3A_1133 = arith.addf %add3A_1120, %abs3A_1132 : vector<16xf32>
      %get3A_1134 = arith.index_cast %add3A_1092 : i32 to index
      %get3A_1135 = arith.constant 48 : index
      %get3A_1136 = tpu.vector_load %arg11[%get3A_1134, %get3A_1135] {strides = array<i32>} : memref<512x64xf32, #tpu.memory_space<vmem>>, vector<16xf32>,
      %get3A_1137 = arith.index_cast %add3A_1092 : i32 to index
      %get3A_1138 = arith.constant 48 : index
      %get3A_1139 = tpu.vector_load %arg12[%get3A_1137, %get3A_1138] {strides = array<i32>} : memref<512x64xf32, #tpu.memory_space<vmem>>, vector<16xf32>,
      %get3A_1140 = arith.index_cast %add3A_1092 : i32 to index
      %get3A_1141 = arith.constant 48 : index
      %get3A_1142 = tpu.vector_load %arg13[%get3A_1140, %get3A_1141] {strides = array<i32>} : memref<512x64xf32, #tpu.memory_space<vmem>>, vector<16xf32>,
      %add3A_1143 = arith.addf %get3A_1136, %get3A_1139 : vector<16xf32>
      %sub3A_1144 = arith.subf %add3A_1143, %get3A_1142 : vector<16xf32>
      %abs3A_1145 = math.absf %sub3A_1144 : vector<16xf32>
      %add3A_1146 = arith.addf %add3A_1133, %abs3A_1145 : vector<16xf32>
      %eq3A_1147 = arith.constant 13 : i32
      %eq3A_1148 = vector.broadcast %eq3A_1147 : i32 to vector<16xi32>
      %eq3A_1149 = arith.cmpi eq, %iota3A, %eq3A_1148 : vector<16xi32>
      %reduce_sum3A_1150 = arith.constant true
      %reduce_sum3A_1151 = vector.broadcast %reduce_sum3A_1150 : i1 to vector<16xi1>
      %reduce_sum3A_1152 = tpu.scan <sum>, %add3A_1146 masked %reduce_sum3A_1151 : vector<16xf32>, vector<16xi1> -> vector<16xf32>
      %reduce_sum3A_1153 = vector.extract %reduce_sum3A_1152[15] : f32 from vector<16xf32>
      %broadcast_in_dim3A_1154 = vector.broadcast %reduce_sum3A_1153 : f32 to vector<16xf32>
      %select_n3A_1155 = arith.select %eq3A_1149, %broadcast_in_dim3A_1154, %select_n3A_1090 : vector<16xi1>, vector<16xf32>
      %add3A_1156 = arith.constant 14 : i32
      %add3A_1157 = arith.addi %mul3A_250, %add3A_1156 : i32
      %broadcast_in_dim3A_1158 = arith.constant 0.000000e+00 : f32
      %broadcast_in_dim3A_1159 = vector.broadcast %broadcast_in_dim3A_1158 : f32 to vector<16xf32>
      %get3A_1160 = arith.index_cast %add3A_1157 : i32 to index
      %get3A_1161 = arith.constant 0 : index
      %get3A_1162 = tpu.vector_load %arg11[%get3A_1160, %get3A_1161] {strides = array<i32>} : memref<512x64xf32, #tpu.memory_space<vmem>>, vector<16xf32>,
      %get3A_1163 = arith.index_cast %add3A_1157 : i32 to index
      %get3A_1164 = arith.constant 0 : index
      %get3A_1165 = tpu.vector_load %arg12[%get3A_1163, %get3A_1164] {strides = array<i32>} : memref<512x64xf32, #tpu.memory_space<vmem>>, vector<16xf32>,
      %get3A_1166 = arith.index_cast %add3A_1157 : i32 to index
      %get3A_1167 = arith.constant 0 : index
      %get3A_1168 = tpu.vector_load %arg13[%get3A_1166, %get3A_1167] {strides = array<i32>} : memref<512x64xf32, #tpu.memory_space<vmem>>, vector<16xf32>,
      %add3A_1169 = arith.addf %get3A_1162, %get3A_1165 : vector<16xf32>
      %sub3A_1170 = arith.subf %add3A_1169, %get3A_1168 : vector<16xf32>
      %abs3A_1171 = math.absf %sub3A_1170 : vector<16xf32>
      %add3A_1172 = arith.addf %broadcast_in_dim3A_1159, %abs3A_1171 : vector<16xf32>
      %get3A_1173 = arith.index_cast %add3A_1157 : i32 to index
      %get3A_1174 = arith.constant 16 : index
      %get3A_1175 = tpu.vector_load %arg11[%get3A_1173, %get3A_1174] {strides = array<i32>} : memref<512x64xf32, #tpu.memory_space<vmem>>, vector<16xf32>,
      %get3A_1176 = arith.index_cast %add3A_1157 : i32 to index
      %get3A_1177 = arith.constant 16 : index
      %get3A_1178 = tpu.vector_load %arg12[%get3A_1176, %get3A_1177] {strides = array<i32>} : memref<512x64xf32, #tpu.memory_space<vmem>>, vector<16xf32>,
      %get3A_1179 = arith.index_cast %add3A_1157 : i32 to index
      %get3A_1180 = arith.constant 16 : index
      %get3A_1181 = tpu.vector_load %arg13[%get3A_1179, %get3A_1180] {strides = array<i32>} : memref<512x64xf32, #tpu.memory_space<vmem>>, vector<16xf32>,
      %add3A_1182 = arith.addf %get3A_1175, %get3A_1178 : vector<16xf32>
      %sub3A_1183 = arith.subf %add3A_1182, %get3A_1181 : vector<16xf32>
      %abs3A_1184 = math.absf %sub3A_1183 : vector<16xf32>
      %add3A_1185 = arith.addf %add3A_1172, %abs3A_1184 : vector<16xf32>
      %get3A_1186 = arith.index_cast %add3A_1157 : i32 to index
      %get3A_1187 = arith.constant 32 : index
      %get3A_1188 = tpu.vector_load %arg11[%get3A_1186, %get3A_1187] {strides = array<i32>} : memref<512x64xf32, #tpu.memory_space<vmem>>, vector<16xf32>,
      %get3A_1189 = arith.index_cast %add3A_1157 : i32 to index
      %get3A_1190 = arith.constant 32 : index
      %get3A_1191 = tpu.vector_load %arg12[%get3A_1189, %get3A_1190] {strides = array<i32>} : memref<512x64xf32, #tpu.memory_space<vmem>>, vector<16xf32>,
      %get3A_1192 = arith.index_cast %add3A_1157 : i32 to index
      %get3A_1193 = arith.constant 32 : index
      %get3A_1194 = tpu.vector_load %arg13[%get3A_1192, %get3A_1193] {strides = array<i32>} : memref<512x64xf32, #tpu.memory_space<vmem>>, vector<16xf32>,
      %add3A_1195 = arith.addf %get3A_1188, %get3A_1191 : vector<16xf32>
      %sub3A_1196 = arith.subf %add3A_1195, %get3A_1194 : vector<16xf32>
      %abs3A_1197 = math.absf %sub3A_1196 : vector<16xf32>
      %add3A_1198 = arith.addf %add3A_1185, %abs3A_1197 : vector<16xf32>
      %get3A_1199 = arith.index_cast %add3A_1157 : i32 to index
      %get3A_1200 = arith.constant 48 : index
      %get3A_1201 = tpu.vector_load %arg11[%get3A_1199, %get3A_1200] {strides = array<i32>} : memref<512x64xf32, #tpu.memory_space<vmem>>, vector<16xf32>,
      %get3A_1202 = arith.index_cast %add3A_1157 : i32 to index
      %get3A_1203 = arith.constant 48 : index
      %get3A_1204 = tpu.vector_load %arg12[%get3A_1202, %get3A_1203] {strides = array<i32>} : memref<512x64xf32, #tpu.memory_space<vmem>>, vector<16xf32>,
      %get3A_1205 = arith.index_cast %add3A_1157 : i32 to index
      %get3A_1206 = arith.constant 48 : index
      %get3A_1207 = tpu.vector_load %arg13[%get3A_1205, %get3A_1206] {strides = array<i32>} : memref<512x64xf32, #tpu.memory_space<vmem>>, vector<16xf32>,
      %add3A_1208 = arith.addf %get3A_1201, %get3A_1204 : vector<16xf32>
      %sub3A_1209 = arith.subf %add3A_1208, %get3A_1207 : vector<16xf32>
      %abs3A_1210 = math.absf %sub3A_1209 : vector<16xf32>
      %add3A_1211 = arith.addf %add3A_1198, %abs3A_1210 : vector<16xf32>
      %eq3A_1212 = arith.constant 14 : i32
      %eq3A_1213 = vector.broadcast %eq3A_1212 : i32 to vector<16xi32>
      %eq3A_1214 = arith.cmpi eq, %iota3A, %eq3A_1213 : vector<16xi32>
      %reduce_sum3A_1215 = arith.constant true
      %reduce_sum3A_1216 = vector.broadcast %reduce_sum3A_1215 : i1 to vector<16xi1>
      %reduce_sum3A_1217 = tpu.scan <sum>, %add3A_1211 masked %reduce_sum3A_1216 : vector<16xf32>, vector<16xi1> -> vector<16xf32>
      %reduce_sum3A_1218 = vector.extract %reduce_sum3A_1217[15] : f32 from vector<16xf32>
      %broadcast_in_dim3A_1219 = vector.broadcast %reduce_sum3A_1218 : f32 to vector<16xf32>
      %select_n3A_1220 = arith.select %eq3A_1214, %broadcast_in_dim3A_1219, %select_n3A_1155 : vector<16xi1>, vector<16xf32>
      %add3A_1221 = arith.constant 15 : i32
      %add3A_1222 = arith.addi %mul3A_250, %add3A_1221 : i32
      %broadcast_in_dim3A_1223 = arith.constant 0.000000e+00 : f32
      %broadcast_in_dim3A_1224 = vector.broadcast %broadcast_in_dim3A_1223 : f32 to vector<16xf32>
      %get3A_1225 = arith.index_cast %add3A_1222 : i32 to index
      %get3A_1226 = arith.constant 0 : index
      %get3A_1227 = tpu.vector_load %arg11[%get3A_1225, %get3A_1226] {strides = array<i32>} : memref<512x64xf32, #tpu.memory_space<vmem>>, vector<16xf32>,
      %get3A_1228 = arith.index_cast %add3A_1222 : i32 to index
      %get3A_1229 = arith.constant 0 : index
      %get3A_1230 = tpu.vector_load %arg12[%get3A_1228, %get3A_1229] {strides = array<i32>} : memref<512x64xf32, #tpu.memory_space<vmem>>, vector<16xf32>,
      %get3A_1231 = arith.index_cast %add3A_1222 : i32 to index
      %get3A_1232 = arith.constant 0 : index
      %get3A_1233 = tpu.vector_load %arg13[%get3A_1231, %get3A_1232] {strides = array<i32>} : memref<512x64xf32, #tpu.memory_space<vmem>>, vector<16xf32>,
      %add3A_1234 = arith.addf %get3A_1227, %get3A_1230 : vector<16xf32>
      %sub3A_1235 = arith.subf %add3A_1234, %get3A_1233 : vector<16xf32>
      %abs3A_1236 = math.absf %sub3A_1235 : vector<16xf32>
      %add3A_1237 = arith.addf %broadcast_in_dim3A_1224, %abs3A_1236 : vector<16xf32>
      %get3A_1238 = arith.index_cast %add3A_1222 : i32 to index
      %get3A_1239 = arith.constant 16 : index
      %get3A_1240 = tpu.vector_load %arg11[%get3A_1238, %get3A_1239] {strides = array<i32>} : memref<512x64xf32, #tpu.memory_space<vmem>>, vector<16xf32>,
      %get3A_1241 = arith.index_cast %add3A_1222 : i32 to index
      %get3A_1242 = arith.constant 16 : index
      %get3A_1243 = tpu.vector_load %arg12[%get3A_1241, %get3A_1242] {strides = array<i32>} : memref<512x64xf32, #tpu.memory_space<vmem>>, vector<16xf32>,
      %get3A_1244 = arith.index_cast %add3A_1222 : i32 to index
      %get3A_1245 = arith.constant 16 : index
      %get3A_1246 = tpu.vector_load %arg13[%get3A_1244, %get3A_1245] {strides = array<i32>} : memref<512x64xf32, #tpu.memory_space<vmem>>, vector<16xf32>,
      %add3A_1247 = arith.addf %get3A_1240, %get3A_1243 : vector<16xf32>
      %sub3A_1248 = arith.subf %add3A_1247, %get3A_1246 : vector<16xf32>
      %abs3A_1249 = math.absf %sub3A_1248 : vector<16xf32>
      %add3A_1250 = arith.addf %add3A_1237, %abs3A_1249 : vector<16xf32>
      %get3A_1251 = arith.index_cast %add3A_1222 : i32 to index
      %get3A_1252 = arith.constant 32 : index
      %get3A_1253 = tpu.vector_load %arg11[%get3A_1251, %get3A_1252] {strides = array<i32>} : memref<512x64xf32, #tpu.memory_space<vmem>>, vector<16xf32>,
      %get3A_1254 = arith.index_cast %add3A_1222 : i32 to index
      %get3A_1255 = arith.constant 32 : index
      %get3A_1256 = tpu.vector_load %arg12[%get3A_1254, %get3A_1255] {strides = array<i32>} : memref<512x64xf32, #tpu.memory_space<vmem>>, vector<16xf32>,
      %get3A_1257 = arith.index_cast %add3A_1222 : i32 to index
      %get3A_1258 = arith.constant 32 : index
      %get3A_1259 = tpu.vector_load %arg13[%get3A_1257, %get3A_1258] {strides = array<i32>} : memref<512x64xf32, #tpu.memory_space<vmem>>, vector<16xf32>,
      %add3A_1260 = arith.addf %get3A_1253, %get3A_1256 : vector<16xf32>
      %sub3A_1261 = arith.subf %add3A_1260, %get3A_1259 : vector<16xf32>
      %abs3A_1262 = math.absf %sub3A_1261 : vector<16xf32>
      %add3A_1263 = arith.addf %add3A_1250, %abs3A_1262 : vector<16xf32>
      %get3A_1264 = arith.index_cast %add3A_1222 : i32 to index
      %get3A_1265 = arith.constant 48 : index
      %get3A_1266 = tpu.vector_load %arg11[%get3A_1264, %get3A_1265] {strides = array<i32>} : memref<512x64xf32, #tpu.memory_space<vmem>>, vector<16xf32>,
      %get3A_1267 = arith.index_cast %add3A_1222 : i32 to index
      %get3A_1268 = arith.constant 48 : index
      %get3A_1269 = tpu.vector_load %arg12[%get3A_1267, %get3A_1268] {strides = array<i32>} : memref<512x64xf32, #tpu.memory_space<vmem>>, vector<16xf32>,
      %get3A_1270 = arith.index_cast %add3A_1222 : i32 to index
      %get3A_1271 = arith.constant 48 : index
      %get3A_1272 = tpu.vector_load %arg13[%get3A_1270, %get3A_1271] {strides = array<i32>} : memref<512x64xf32, #tpu.memory_space<vmem>>, vector<16xf32>,
      %add3A_1273 = arith.addf %get3A_1266, %get3A_1269 : vector<16xf32>
      %sub3A_1274 = arith.subf %add3A_1273, %get3A_1272 : vector<16xf32>
      %abs3A_1275 = math.absf %sub3A_1274 : vector<16xf32>
      %add3A_1276 = arith.addf %add3A_1263, %abs3A_1275 : vector<16xf32>
      %eq3A_1277 = arith.constant 15 : i32
      %eq3A_1278 = vector.broadcast %eq3A_1277 : i32 to vector<16xi32>
      %eq3A_1279 = arith.cmpi eq, %iota3A, %eq3A_1278 : vector<16xi32>
      %reduce_sum3A_1280 = arith.constant true
      %reduce_sum3A_1281 = vector.broadcast %reduce_sum3A_1280 : i1 to vector<16xi1>
      %reduce_sum3A_1282 = tpu.scan <sum>, %add3A_1276 masked %reduce_sum3A_1281 : vector<16xf32>, vector<16xi1> -> vector<16xf32>
      %reduce_sum3A_1283 = vector.extract %reduce_sum3A_1282[15] : f32 from vector<16xf32>
      %broadcast_in_dim3A_1284 = vector.broadcast %reduce_sum3A_1283 : f32 to vector<16xf32>
      %select_n3A_1285 = arith.select %eq3A_1279, %broadcast_in_dim3A_1284, %select_n3A_1220 : vector<16xi1>, vector<16xf32>
      %swap3A = arith.index_cast %mul3A_250 : i32 to index
      %swap3A_1286 = tpu.vector_load %arg14[%swap3A] {strides = array<i32>} : memref<512xf32, #tpu.memory_space<vmem>>, vector<16xf32>,
      tpu.vector_store %arg14[%swap3A], %select_n3A_1285 {strides = array<i32>} : memref<512xf32, #tpu.memory_space<vmem>>, vector<16xf32>,
    }
    %scan3A_245 = arith.constant 32 : i32
    %mul3A_246 = arith.constant 512 : i32
    %mul3A_247 = arith.muli %add3A, %mul3A_246 : i32
    "tpu.region"() ({
      %run_scoped3A = tpu.sem_alloc : memref<!tpu.dma_semaphore, #tpu.memory_space<semaphore_mem>>
      %dma_start3A_248 = tpu.memref_slice %arg7[%mul3A_247] : memref<16384xf32, #tpu.memory_space<hbm>> -> memref<512xf32, #tpu.memory_space<hbm>>
      %dma_start3A_249 = tpu.memref_slice %arg7[%mul3A_247] : memref<16384xf32, #tpu.memory_space<hbm>> -> memref<512xf32, #tpu.memory_space<hbm>>
      tpu.enqueue_dma source(%arg14 : memref<512xf32, #tpu.memory_space<vmem>>) target(%dma_start3A_249 : memref<512xf32, #tpu.memory_space<hbm>>) target_semaphore(%run_scoped3A : memref<!tpu.dma_semaphore, #tpu.memory_space<semaphore_mem>>)
      %dma_wait3A_250 = tpu.memref_slice %arg7[%mul3A_247] : memref<16384xf32, #tpu.memory_space<hbm>> -> memref<512xf32, #tpu.memory_space<hbm>>
      %dma_wait3A_251 = tpu.memref_slice %arg7[%mul3A_247] : memref<16384xf32, #tpu.memory_space<hbm>> -> memref<512xf32, #tpu.memory_space<hbm>>
      tpu.wait_dma2 semaphore(%run_scoped3A : memref<!tpu.dma_semaphore, #tpu.memory_space<semaphore_mem>>) src(%arg14 : memref<512xf32, #tpu.memory_space<vmem>>) dst(%dma_wait3A_251 : memref<512xf32, #tpu.memory_space<hbm>>)
      tpu.yield
    }) : () -> ()
    return
  }
}

</mosaic_0001>

<sc_bundles>
// kernel: kernel.3.cloned.1.call-start
scs
__scs_entry_jumppad:
0x0: {  	(pc) =	sbr.rel $0x88, $3  }
0x1: {  	(tag) =	ssettag $0x0;
	lr =	simm.s32 $0x1  }
0x2: {  	[smem:$0x3F9C] =	sst lr;
	_ =	strace $0xD0000000  }
0x3: {  	_ = 	snop  }
0x4: {  	_ = 	snop  }
0x5: {  	_ = 	snop  }
0x6: {  	_ = 	snop  }
0x7: {  	_ = 	snop  }
__scs_overlays_trampoline_lowered:
0x8: {  	[smem:$0x3FAB] =	sst s0  }
0x9: {  	[smem:$0x3FAC] =	sst s1  }
0xa: {  	[smem:$0x3FAD] =	sst s2  }
0xb: {  	[smem:$0x3FAE] =	sst s3  }
0xc: {  	[smem:$0x3FAF] =	sst s4  }
0xd: {  	[smem:$0x3FB0] =	sst s5  }
0xe: {  	[smem:$0x3FB1] =	sst s6  }
0xf: {  	[smem:$0x3FB2] =	sst s7  }
0x10: {  	[smem:$0x3FB3] =	sst s8  }
0x11: {  	[smem:$0x3FB4] =	sst s9;
	s0 =	simm.s32 @!p0 $0x0  }
0x12: {  	s1 =	sld [smem:$0x3F9A];
	s0 =	simm.s32 @p0 $0x1  }
0x13: {  	[smem:$0x3FB5] =	sst s0;
	s0 =	simm.s32 @!p1 $0x0  }
0x14: {  	s2 =	sld [smem:$0x3F99];
	s0 =	simm.s32 @p1 $0x1  }
0x15: {  	[smem:$0x3FB6] =	sst s0;
	s0 =	simm.s32 @!p2 $0x0  }
0x16: {  	s3 =	sld [smem:$0x3FDB];
	s0 =	simm.s32 @p2 $0x1  }
0x17: {  	s4 =	simm.s32 $0x1BF5;
	[smem:$0x3FB8] =	sst s0  }
0x18: {  	s0 =	sld [smem:$0x3F9B];
	_ =	swait.ge [sflag:s4], $0x0  }
0x19: {  	s7 =	sld [smem:$0x3F9C]  }
0x1a: {  	s8 =	sadd.s32 $0xFFFFE003, lr  }
0x1b: {  	s9 =	sadd.s32 $0xFFFFFEF7, lr;
	s5 =	simm.s32 $0xFFFFFFFF;
	p2 =	slt.u32 s8, $0xFFFFF086  }
0x1c: {  	p1 =	slt.u32 s9, $0xF7A;
	s5 =	simm.s32 @!p2 $0x0  }
0x1d: {  	s5 =	simm.s32 @p1 $0x1;
	p0 =	seq.s32 s7, s2  }
0x1e: {  	s7 =	smul.u32 @!p0 $0xF7A, s2;
	p2 =	seq.s32 @!p0 s5, $0x0  }
0x1f: {  	s9 =	smul.u32 $0xF7A, s1;
	s8 =	simm.s32 @!p0 $0x1BF5;
	p2 =	por !p2, p0  }
0x20: {  	[sflag:s8] =	ssyncset.s32 @!p0 $0xFFFFF086;
	s6 =	sadd.s32 @!p0 s3, s7;
	s7 =	simm.s32 @!p0 $0x108  }
0x21: {  	s3 =	sadd.s32 s3, s9;
	s6 =	sadd.s32 @!p0 $0x88, s6;
	s7 =	simm.s32 @p2 $0x1082  }
0x22: {  	[simem:s7], [sflag:s8] =	dma.local @!p0 [hbm:s6], $0xF7A  }
0x23: {  	s9 =	sor.u32 $0xD0000000, s2;
	s6 =	simm.s32 $0x108;
	_ =	swait.ge @!p0 [sflag:s8], $0x0  }
0x24: {  	s3 =	sadd.s32 $0x88, s3;
	s6 =	simm.s32 @!p1 $0x1082;
	[sflag:s4] =	ssyncset.s32 $0xFFFFF086  }
0x25: {  	[simem:s6], [sflag:s4] =	dma.local [hbm:s3], $0xF7A  }
0x26: {  	[smem:$0x3F9C] =	sst s1;
	(tag) =	ssettag s2;
	_ =	strace s9  }
0x27: {  	s1 =	sld [smem:$0x3FAC]  }
0x28: {  	s2 =	sld [smem:$0x3FAD]  }
0x29: {  	s4 =	sld [smem:$0x3FAF]  }
0x2a: {  	p0 =	seq.s32 s5, $0x0;
	s5 =	sld [smem:$0x3FB0]  }
0x2b: {  	s6 =	sld [smem:$0x3FB1]  }
0x2c: {  	s7 =	sld [smem:$0x3FB2]  }
0x2d: {  	s3 =	simm.s32 $0x108;
	s8 =	sld [smem:$0x3FB3]  }
0x2e: {  	s3 =	simm.s32 @!p0 $0x1082;
	s9 =	sld [smem:$0x3FB4]  }
0x2f: {  	lr =	sadd.s32 s0, s3;
	s0 =	sld [smem:$0x3FAB]  }
0x30: {  	s3 =	sld [smem:$0x3FAE]  }
0x31: {  	[smem:$0x3FB7] =	sst s10  }
0x32: {  	s10 =	sld [smem:$0x3FB5];
	_ =	sdelay $0x3  }
0x33: {  	p0 =	seq.s32 s10, $0x1;
	s10 =	sld [smem:$0x3FB7];
	_ =	sdelay $0x3  }
0x34: {  	[smem:$0x3FB7] =	sst s10  }
0x35: {  	s10 =	sld [smem:$0x3FB6];
	_ =	sdelay $0x3  }
0x36: {  	p1 =	seq.s32 s10, $0x1;
	s10 =	sld [smem:$0x3FB7];
	_ =	sdelay $0x3  }
0x37: {  	[smem:$0x3FB7] =	sst s10  }
0x38: {  	s10 =	sld [smem:$0x3FB8]  }
0x39: {  	_ = 	snop;
	(pc) =	sbr.ind lr, $3  }
0x3a: {  	_ = 	snop  }
0x3b: {  	_ = 	snop  }
0x3c: {  	p2 =	seq.s32 s10, $0x1;
	s10 =	sld [smem:$0x3FB7]  }
0x3d: {  	_ =	shalt  }
0x3e: {  	_ =	shalt  }
0x3f: {  	_ =	shalt  }
0x40: {  	_ =	shalt  }
0x41: {  	_ =	shalt  }
0x42: {  	_ =	shalt  }
0x43: {  	_ =	shalt  }
0x44: {  	_ =	shalt  }
0x45: {  	_ =	shalt  }
0x46: {  	_ =	shalt  }
0x47: {  	_ =	shalt  }
0x48: {  	_ =	shalt  }
0x49: {  	_ =	shalt  }
0x4a: {  	_ =	shalt  }
0x4b: {  	_ =	shalt  }
0x4c: {  	_ =	shalt  }
0x4d: {  	_ =	shalt  }
0x4e: {  	_ =	shalt  }
0x4f: {  	_ =	shalt  }
0x50: {  	_ =	shalt  }
0x51: {  	_ =	shalt  }
0x52: {  	_ =	shalt  }
0x53: {  	_ =	shalt  }
0x54: {  	_ =	shalt  }
0x55: {  	_ =	shalt  }
0x56: {  	_ =	shalt  }
0x57: {  	_ =	shalt  }
0x58: {  	_ =	shalt  }
0x59: {  	_ =	shalt  }
0x5a: {  	_ =	shalt  }
0x5b: {  	_ =	shalt  }
0x5c: {  	_ =	shalt  }
0x5d: {  	_ =	shalt  }
0x5e: {  	_ =	shalt  }
0x5f: {  	_ =	shalt  }
0x60: {  	_ =	shalt  }
0x61: {  	_ =	shalt  }
0x62: {  	_ =	shalt  }
0x63: {  	_ =	shalt  }
0x64: {  	_ =	shalt  }
0x65: {  	_ =	shalt  }
0x66: {  	_ =	shalt  }
0x67: {  	_ =	shalt  }
0x68: {  	_ =	shalt  }
0x69: {  	_ =	shalt  }
0x6a: {  	_ =	shalt  }
0x6b: {  	_ =	shalt  }
0x6c: {  	_ =	shalt  }
0x6d: {  	_ =	shalt  }
0x6e: {  	_ =	shalt  }
0x6f: {  	_ =	shalt  }
0x70: {  	_ =	shalt  }
0x71: {  	_ =	shalt  }
0x72: {  	_ =	shalt  }
0x73: {  	_ =	shalt  }
0x74: {  	_ =	shalt  }
0x75: {  	_ =	shalt  }
0x76: {  	_ =	shalt  }
0x77: {  	_ =	shalt  }
0x78: {  	_ =	shalt  }
0x79: {  	_ =	shalt  }
0x7a: {  	_ =	shalt  }
0x7b: {  	_ =	shalt  }
0x7c: {  	_ =	shalt  }
0x7d: {  	_ =	shalt  }
0x7e: {  	_ =	shalt  }
0x7f: {  	_ =	shalt  }
0x80: {  	_ =	shalt  }
0x81: {  	_ =	shalt  }
0x82: {  	_ =	shalt  }
0x83: {  	_ =	shalt  }
0x84: {  	_ =	shalt  }
0x85: {  	_ =	shalt  }
0x86: {  	_ =	shalt  }
0x87: {  	_ =	shalt  }
.Lfunc_end0:
.L_simem_size_0:
called_computation_lowered:
.L_overlay_start_0:
0x88: {  	s2 =	sld [smem:$0x3FD9]  }
0x89: {  	s3 =	sld [smem:$0x3FFE];
	_ =	sdelay $0x1  }
0x8a: {  	s1 =	srdreg.scid  }
0x8b: {  	s0 =	sand.u32 $0x1, s1  }
0x8c: {  	s17 =	sshll.u32 s0, $0xA;
	s2 =	sadd.s32 s3, s2  }
0x8d: {  	s2 =	sadd.s32 s2, s17  }
0x8e: {  	[smem:$0x3FC3] =	sst s2  }
0x8f: {  	_ = 	snop  }
0x90: {  	s2 =	sld [smem:$0x3FC9]  }
0x91: {  	s18 =	sld [smem:$0x3FC8]  }
0x92: {  	s4 =	sld [smem:$0x3FC7]  }
0x93: {  	s5 =	sld [smem:$0x3FD0];
	(tm) =	ssettm $0x1  }
0x94: {  	s6 =	sld [smem:$0x3FFB];
	_ =	sdelay $0x3  }
0x95: {  	_ =	strace s6  }
0x96: {  	s6 =	sld [smem:$0x3FFC];
	_ =	sdelay $0x3  }
0x97: {  	_ =	strace s6  }
0x98: {  	s6 =	sld [smem:$0x3FFD];
	_ =	sdelay $0x3  }
0x99: {  	_ =	strace s6  }
0x9a: {  	_ =	strace $0x8FFFFFFF  }
0x9b: {  	s19 =	sld [smem:$0x3FDB];
	_ =	sdelay $0x1  }
0x9c: {  	s7 =	simm.s32 $_scs_section_size  }
0x9d: {  	s8 =	simm.s32 $_size__tile_overlayer_lowered;
	s9 =	simm.s32 $_tile_overlayer_lowered  }
0x9e: {  	s22 =	simm.s32 $0x1BFF;
	s21 =	sshll.u32 s9, $0x1;
	s6 =	sadd.s32 s7, s19  }
0x9f: {  	s10 =	simm.s32 $0x0;
	s20 =	sshll.u32 s8, $0x1;
	s8 =	sadd.s32 s21, s6  }
0xa0: {  	[timem:s10], [sflag:s22] =	dma.local [hbm:s8], s20  }
0xa1: {  	_ =	swait.ge [sflag:s22], s20  }
0xa2: {  	s7 =	ssub.s32 $0x0, s20;
	[sflag:s22] =	ssyncset.done $0x0  }
0xa3: {  	[sflag:s22] =	ssyncadd.s32 s7;
	_ =	sdelay $0x1  }
0xa4: {  	s23 =	simm.s32 $0x1B8B  }
0xa5: {  	_ =	swait.ge [sflag:s23], $0x1  }
0xa6: {  	[sflag:s23] =	ssyncset.done $0x0  }
0xa7: {  	s25 =	simm.s32 $0x1B8E;
	s24 =	sld [smem:$0x3FFE];
	[sflag:s23] =	ssyncadd.s32 $0xFFFFFFFF  }
0xa8: {  	s26 =	simm.s32 $execute0_lowered;
	[smem:$0x3FD2] =	sst s25  }
0xa9: {  	s8 =	sshll.u32 s26, $0x1;
	_ =	strace $0x80000046;
	[dreg:$0x1] =	wrdreg $0xFFFFFFFF  }
0xaa: {  	s28 =	simm.s32 $_size_execute0_lowered;
	s6 =	sadd.s32 s6, s8;
	[dreg:$0x0] =	wrdreg $0x0  }
0xab: {  	s8 =	sshll.u32 s28, $0x1;
	[dreg:$0x2] =	wrdreg s6  }
0xac: {  	[dreg:$0x3] =	wrdreg s8  }
0xad: {  	[dreg:$0x4] =	wrdreg $0xC0  }
0xae: {  	_ =	task [dreg:s10], $0x5FFFF  }
0xaf: {  	[dreg:$0x1] =	wrdreg $0xFFFFFFFF  }
0xb0: {  	[dreg:$0x0] =	wrdreg $0x60  }
0xb1: {  	[dreg:$0x2] =	wrdreg s2  }
0xb2: {  	[dreg:$0x3] =	wrdreg s18  }
0xb3: {  	[dreg:$0x4] =	wrdreg s4  }
0xb4: {  	[dreg:$0x5] =	wrdreg s24  }
0xb5: {  	[dreg:$0x6] =	wrdreg s5  }
0xb6: {  	[dreg:$0x7] =	wrdreg $0x9  }
0xb7: {  	_ =	task.clear_ibuf [dreg:s10], $0x8FFFF;
	_ =	strace $0x90000046  }
0xb8: {  	s29 =	simm.s32 $0x9;
	_ =	strace $0x80000048  }
0xb9: {  	_ =	swait.ge [sflag:s29], $0x1  }
0xba: {  	[sflag:s29] =	ssyncadd.s32 $0xFFFFFFFF  }
0xbb: {  	_ =	strace $0x90000048  }
0xbc: {  	_ =	sfence  }
0xbd: {  	s30 =	sld [smem:$0x0];
	_ =	sdelay $0x2  }
0xbe: {  	s31 =	sshll.u32 s1, $0xD;
	s1 =	sshrl.u32 s1, $0x2  }
0xbf: {  	s3 =	sand.u32 $0x4000, s31;
	s1 =	sadd.s32 s1, s30  }
0xc0: {  	s0 =	sor.u32 s3, s0;
	s1 =	sshll.u32 s1, $0x11  }
0xc1: {  	s0 =	sor.u32 s1, s0  }
0xc2: {  	s0 =	sadd.s32 $0x8F2B, s0  }
0xc3: {  	[sflag:s0] =	ssyncadd.remote.s32 $0x1  }
0xc4: {  	_ =	sfence.sel $0xFFFF  }
0xc5: {  	[dreg:$0x0] =	wrdreg $0xFFFFFFFF;
	(pc) =	sbr.abs _section_cstart, $3  }
0xc6: {  	[dreg:$0x1] =	wrdreg $0xFFFFFFFF  }
0xc7: {  	_ =	task.clear_ibuf [dreg:s10], $0x2FFFF;
	_ =	strace $0x9FFFFFFF  }
0xc8: {  	(tm) =	ssettm $0x7FFFFFFF  }
0xc9: {  	_ =	shalt  }
tec
execute0_lowered:
.L_overlay_start_1:
0x0: {  	(tag) =	ssettag $0x1  }
0x1: {  	s0 =	rddreg [dreg:$0x0]  }
0x2: {  	s2 =	rddreg [dreg:$0x1]  }
0x3: {  	s7 =	rddreg [dreg:$0x2]  }
0x4: {  	s4 =	rddreg [dreg:$0x3]  }
0x5: {  	s8 =	rddreg [dreg:$0x4]  }
0x6: {  	s1 =	simm.s32 $0x0;
	s5 =	srdreg.scid;
	s9 =	stileid.u32  }
0x7: {  	s11 =	simm.s32 $0x200;
	s12 =	simm.s32 $0x400;
	s13 =	simm.s32 $0x80  }
0x8: {  	s21 =	simm.s32 $0x12600;
	s22 =	simm.s32 $0x100;
	s23 =	simm.s32 $0x4600  }
0x9: {  	s24 =	simm.s32 $0x300;
	s25 =	simm.s32 $0xC600;
	s26 =	simm.s32 $0x500  }
0xa: {  	s28 =	simm.s32 $0x14600;
	s29 =	simm.s32 $0x180;
	s30 =	simm.s32 $0x6600  }
0xb: {  	s31 =	simm.s32 $0x380;
	s14 =	simm.s32 $0x16600;
	s15 =	simm.s32 $0x1  }
0xc: {  	s16 =	simm.s32 $0x18600;
	s17 =	simm.s32 $0x0;
	[smem:$0x7FF] =	sst s1  }
0xd: {  	s3 =	sadd.s32 $0xF42A00, s4;
	s5 =	sand.u32 $0x1, s5;
	s9 =	sshll.u32 s9, $0x7  }
0xe: {  	vm0 =	vmmov $0x1;
	vm1 =	vmmov $0x3;
	vm2 =	vmmov $0x7;
	s4 =	sadd.s32 $0x600, s4;
	s6 =	ssub.s32 $0x2, s5;
	s5 =	sshll.u32 s5, $0x6  }
0xf: {  	vm3 =	vmmov $0xf;
	vm4 =	vmmov $0x1f;
	vm5 =	vmmov $0x3f;
	_ =	strace $0x80000047;
	s10 =	sshrl.u32 s6, $0x1;
	s9 =	sor.u32 s5, s9  }
0x10: {  	vm6 =	vmmov $0x7f;
	vm7 =	vmmov $0xff;
	vm8 =	vmmov $0x1ff;
	s10 =	ssub.s32 s6, s10;
	s5 =	sadd.s32 s0, s9;
	s6 =	sadd.s32 s2, s9  }
0x11: {  	vm9 =	vmmov $0x3ff;
	vm10 =	vmmov $0x7ff;
	vm11 =	vmmov $0xfff;
	s7 =	sadd.s32 s7, s9;
	s8 =	sadd.s32 s8, s9;
	s0 =	simm.s32 $0xE600  }
0x12: {  	vm12 =	vmmov $0x1fff;
	vm13 =	vmmov $0x3fff;
	vm14 =	vmmov $0x7fff;
	s2 =	simm.s32 $0x580;
	s9 =	smax.u32 s10, $0x1;
	s10 =	simm.s32 $0x2  }
.LBB2_1:
0x13: {  	[tilespmem:s1], [sflag:$0x2] =	stream.linear.gather [hbm4b:s5+s1], $0x200, $0x38;
	[tilespmem:$0x18800] =	vst v63  }
0x14: {  	_ =	swait.ge [sflag:s10], $0x200  }
0x15: {  	[sflag:s10] =	ssyncset.done $0x0  }
0x16: {  	[sflag:s10] =	ssyncadd.s32 $0xFFFFFE00  }
0x17: {  	[tilespmem:s11], [sflag:$0x2] =	stream.linear.gather [hbm4b:s6+s1], $0x200, $0x38;
	[tilespmem:$0x18800] =	vst v63  }
0x18: {  	_ =	swait.ge [sflag:s10], $0x200  }
0x19: {  	[sflag:s10] =	ssyncset.done $0x0  }
0x1a: {  	[sflag:s10] =	ssyncadd.s32 $0xFFFFFE00  }
0x1b: {  	[tilespmem:s12], [sflag:$0x2] =	stream.linear.gather [hbm4b:s7+s1], $0x200, $0x38;
	[tilespmem:$0x18800] =	vst v63  }
0x1c: {  	_ =	swait.ge [sflag:s10], $0x200  }
0x1d: {  	[sflag:s10] =	ssyncset.done $0x0  }
0x1e: {  	s18 =	simm.s32 $0x600;
	[sflag:s10] =	ssyncadd.s32 $0xFFFFFE00  }
0x1f: {  	[tilespmem:s18], [sflag:$0x1] =	stream.indirect.gather [hbm4b:s3+s13], $0x40, s1, s13, $0xb8;
	[tilespmem:$0x18800] =	vst v63  }
0x20: {  	s19 =	simm.s32 $0x8600  }
0x21: {  	[tilespmem:s19], [sflag:$0x1] =	stream.indirect.gather [hbm4b:s4+s13], $0x40, s11, s13, $0xb8;
	[tilespmem:$0x18800] =	vst v63  }
0x22: {  	s20 =	simm.s32 $0x10600  }
0x23: {  	[tilespmem:s20], [sflag:$0x1] =	stream.indirect.gather [hbm4b:s3+s13], $0x40, s12, s13, $0xb8;
	[tilespmem:$0x18800] =	vst v63  }
0x24: {  	s19 =	simm.s32 $0x2600  }
0x25: {  	[tilespmem:s19], [sflag:$0x1] =	stream.indirect.gather [hbm4b:s3+s13], $0x40, s13, s13, $0xb8;
	[tilespmem:$0x18800] =	vst v63  }
0x26: {  	s20 =	simm.s32 $0x280;
	s19 =	simm.s32 $0xA600  }
0x27: {  	[tilespmem:s19], [sflag:$0x1] =	stream.indirect.gather [hbm4b:s4+s13], $0x40, s20, s13, $0xb8;
	[tilespmem:$0x18800] =	vst v63  }
0x28: {  	s19 =	simm.s32 $0x480  }
0x29: {  	[tilespmem:s21], [sflag:$0x1] =	stream.indirect.gather [hbm4b:s3+s13], $0x40, s19, s13, $0xb8;
	[tilespmem:$0x18800] =	vst v63  }
0x2a: {  	_ = 	snop  }
0x2b: {  	[tilespmem:s23], [sflag:$0x1] =	stream.indirect.gather [hbm4b:s3+s13], $0x40, s22, s13, $0xb8;
	[tilespmem:$0x18800] =	vst v63  }
0x2c: {  	_ = 	snop  }
0x2d: {  	[tilespmem:s25], [sflag:$0x1] =	stream.indirect.gather [hbm4b:s4+s13], $0x40, s24, s13, $0xb8;
	[tilespmem:$0x18800] =	vst v63  }
0x2e: {  	_ = 	snop  }
0x2f: {  	[tilespmem:s28], [sflag:$0x1] =	stream.indirect.gather [hbm4b:s3+s13], $0x40, s26, s13, $0xb8;
	[tilespmem:$0x18800] =	vst v63  }
0x30: {  	_ = 	snop  }
0x31: {  	[tilespmem:s30], [sflag:$0x1] =	stream.indirect.gather [hbm4b:s3+s13], $0x40, s29, s13, $0xb8;
	[tilespmem:$0x18800] =	vst v63  }
0x32: {  	_ = 	snop  }
0x33: {  	[tilespmem:s0], [sflag:$0x1] =	stream.indirect.gather [hbm4b:s4+s13], $0x40, s31, s13, $0xb8;
	[tilespmem:$0x18800] =	vst v63  }
0x34: {  	_ = 	snop  }
0x35: {  	[tilespmem:s14], [sflag:$0x1] =	stream.indirect.gather [hbm4b:s3+s13], $0x40, s2, s13, $0xb8;
	[tilespmem:$0x18800] =	vst v63  }
0x36: {  	_ =	swait.ge [sflag:s15], $0x2000  }
0x37: {  	[sflag:s15] =	ssyncset.done $0x0  }
0x38: {  	[sflag:s15] =	ssyncadd.s32 $0xFFFFE000  }
0x39: {  	_ =	swait.ge [sflag:s15], $0x2000  }
0x3a: {  	[sflag:s15] =	ssyncset.done $0x0  }
0x3b: {  	[sflag:s15] =	ssyncadd.s32 $0xFFFFE000  }
0x3c: {  	_ =	swait.ge [sflag:s15], $0x2000  }
0x3d: {  	[sflag:s15] =	ssyncset.done $0x0  }
0x3e: {  	[sflag:s15] =	ssyncadd.s32 $0xFFFFE000  }
0x3f: {  	_ =	swait.ge [sflag:s15], $0x2000  }
0x40: {  	[sflag:s15] =	ssyncset.done $0x0  }
0x41: {  	[sflag:s15] =	ssyncadd.s32 $0xFFFFE000  }
0x42: {  	_ =	swait.ge [sflag:s15], $0x2000  }
0x43: {  	[sflag:s15] =	ssyncset.done $0x0  }
0x44: {  	[sflag:s15] =	ssyncadd.s32 $0xFFFFE000  }
0x45: {  	_ =	swait.ge [sflag:s15], $0x2000  }
0x46: {  	[sflag:s15] =	ssyncset.done $0x0  }
0x47: {  	[sflag:s15] =	ssyncadd.s32 $0xFFFFE000  }
0x48: {  	_ =	swait.ge [sflag:s15], $0x2000  }
0x49: {  	[sflag:s15] =	ssyncset.done $0x0  }
0x4a: {  	[sflag:s15] =	ssyncadd.s32 $0xFFFFE000  }
0x4b: {  	_ =	swait.ge [sflag:s15], $0x2000  }
0x4c: {  	[sflag:s15] =	ssyncset.done $0x0  }
0x4d: {  	[sflag:s15] =	ssyncadd.s32 $0xFFFFE000  }
0x4e: {  	_ =	swait.ge [sflag:s15], $0x2000  }
0x4f: {  	[sflag:s15] =	ssyncset.done $0x0  }
0x50: {  	[sflag:s15] =	ssyncadd.s32 $0xFFFFE000  }
0x51: {  	_ =	swait.ge [sflag:s15], $0x2000  }
0x52: {  	[sflag:s15] =	ssyncset.done $0x0  }
0x53: {  	[sflag:s15] =	ssyncadd.s32 $0xFFFFE000  }
0x54: {  	_ =	swait.ge [sflag:s15], $0x2000  }
0x55: {  	[sflag:s15] =	ssyncset.done $0x0  }
0x56: {  	[sflag:s15] =	ssyncadd.s32 $0xFFFFE000  }
0x57: {  	_ =	swait.ge [sflag:s15], $0x2000  }
0x58: {  	[sflag:s15] =	ssyncset.done $0x0  }
0x59: {  	s20 =	simm.s32 $0x0;
	[sflag:s15] =	ssyncadd.s32 $0xFFFFE000  }
0x5a: {  	v39 =	vld [tilespmem:s20+$0x109F0]  }
0x5b: {  	v0 =	vld [tilespmem:s20+$0x9F0]  }
0x5c: {  	v45 =	vld [tilespmem:s20+$0x89F0]  }
0x5d: {  	v46 =	vld [tilespmem:s20+$0x109B0]  }
0x5e: {  	v59 =	vld [tilespmem:s20+$0x109C0]  }
0x5f: {  	v17 =	vld [tilespmem:s20+$0x9E0]  }
0x60: {  	v16 =	vld [tilespmem:s20+$0x89E0]  }
0x61: {  	v48 =	vld [tilespmem:s20+$0x109A0]  }
0x62: {  	v23 =	vld [tilespmem:s20+$0x9B0]  }
0x63: {  	v20 =	vld [tilespmem:s20+$0x89B0]  }
0x64: {  	v31 =	vld [tilespmem:s20+$0x9C0]  }
0x65: {  	v36 =	vld [tilespmem:s20+$0x89C0]  }
0x66: {  	v51 =	vld [tilespmem:s20+$0x9D0]  }
0x67: {  	v56 =	vld [tilespmem:s20+$0x89D0]  }
0x68: {  	v63 =	vld [tilespmem:s20+$0x10930]  }
0x69: {  	v58 =	vld [tilespmem:s20+$0x10960]  }
0x6a: {  	v55 =	vld [tilespmem:s20+$0x970]  }
0x6b: {  	v54 =	vld [tilespmem:s20+$0x8970]  }
0x6c: {  	v12 =	vld [tilespmem:s20+$0x10980]  }
0x6d: {  	v13 =	vld [tilespmem:s20+$0x10990]  }
0x6e: {  	v15 =	vld [tilespmem:s20+$0x9A0]  }
0x6f: {  	v14 =	vld [tilespmem:s20+$0x89A0]  }
0x70: {  	v1 =	vld [tilespmem:s20+$0x108F0]  }
0x71: {  	v22 =	vld [tilespmem:s20+$0x930]  }
0x72: {  	v19 =	vld [tilespmem:s20+$0x8930]  }
0x73: {  	v21 =	vld [tilespmem:s20+$0x960]  }
0x74: {  	v18 =	vld [tilespmem:s20+$0x8960]  }
0x75: {  	v3 =	vld [tilespmem:s20+$0x980]  }
0x76: {  	v29 =	vld [tilespmem:s20+$0x10820]  }
0x77: {  	v2 =	vld [tilespmem:s20+$0x8980]  }
0x78: {  	v27 =	vld [tilespmem:s20+$0x8990]  }
0x79: {  	v4 =	vld [tilespmem:s20+$0x108E0]  }
0x7a: {  	v35 =	vld [tilespmem:s20+$0x8F0]  }
0x7b: {  	[tilespmem:$0x1FB90] =	vst v29;
	v29 =	vld [tilespmem:s20+$0x10840]  }
0x7c: {  	v28 =	vld [tilespmem:s20+$0x88F0]  }
0x7d: {  	v42 =	vld [tilespmem:s20+$0x10900]  }
0x7e: {  	v47 =	vld [tilespmem:s20+$0x10910]  }
0x7f: {  	v26 =	vld [tilespmem:s20+$0x920]  }
0x80: {  	[tilespmem:$0x1FAB0] =	vst v29;
	v29 =	vld [tilespmem:s20+$0x10850]  }
0x81: {  	v24 =	vld [tilespmem:s20+$0x8920]  }
0x82: {  	v33 =	vld [tilespmem:s20+$0x940]  }
0x83: {  	v25 =	vld [tilespmem:s20+$0x8940]  }
0x84: {  	v50 =	vld [tilespmem:s20+$0x108C0]  }
0x85: {  	[tilespmem:$0x1FAE0] =	vst v29;
	v29 =	vld [tilespmem:s20+$0x860]  }
0x86: {  	v49 =	vld [tilespmem:s20+$0x108D0]  }
0x87: {  	v44 =	vld [tilespmem:s20+$0x8E0]  }
0x88: {  	v43 =	vld [tilespmem:s20+$0x88E0]  }
0x89: {  	[tilespmem:$0x1FA00] =	vst v4;
	v4 =	vld [tilespmem:s20+$0x950]  }
0x8a: {  	[tilespmem:$0x1FA90] =	vst v29;
	v29 =	vld [tilespmem:s20+$0x8860]  }
0x8b: {  	v5 =	vld [tilespmem:s20+$0x900]  }
0x8c: {  	v7 =	vld [tilespmem:s20+$0x910]  }
0x8d: {  	v6 =	vld [tilespmem:s20+$0x8910]  }
0x8e: {  	[tilespmem:$0x1FA10] =	vst v4;
	v4 =	vld [tilespmem:s20+$0x8950]  }
0x8f: {  	[tilespmem:$0x1FAA0] =	vst v29;
	v29 =	vld [tilespmem:s20+$0x880]  }
0x90: {  	v8 =	vld [tilespmem:s20+$0x10830]  }
0x91: {  	v61 =	vld [tilespmem:s20+$0x870]  }
0x92: {  	v57 =	vld [tilespmem:s20+$0x8870]  }
0x93: {  	[tilespmem:$0x1FA20] =	vst v4;
	v4 =	vld [tilespmem:s20+$0x10870]  }
0x94: {  	[tilespmem:$0x1FAC0] =	vst v29;
	v29 =	vld [tilespmem:s20+$0x8880]  }
0x95: {  	v60 =	vld [tilespmem:s20+$0x88A0]  }
0x96: {  	v11 =	vld [tilespmem:s20+$0x8C0]  }
0x97: {  	[tilespmem:$0x1FA80] =	vst v8;
	v8 =	vld [tilespmem:s20+$0x10860]  }
0x98: {  	[tilespmem:$0x1FA60] =	vst v4;
	v4 =	vld [tilespmem:s20+$0x108A0]  }
0x99: {  	[tilespmem:$0x1FAD0] =	vst v29;
	v29 =	vld [tilespmem:s20+$0x890]  }
0x9a: {  	v10 =	vld [tilespmem:s20+$0x8D0]  }
0x9b: {  	[tilespmem:$0x1F9D0] =	vst v1;
	v1 =	vld [tilespmem:s20+$0x10920]  }
0x9c: {  	[tilespmem:$0x1FAF0] =	vst v8;
	v8 =	vld [tilespmem:s20+$0x10880]  }
0x9d: {  	[tilespmem:$0x1FA70] =	vst v4;
	v4 =	vld [tilespmem:s20+$0x8B0]  }
0x9e: {  	[tilespmem:$0x1FB10] =	vst v29;
	v29 =	vld [tilespmem:s20+$0x8890]  }
0x9f: {  	v9 =	vld [tilespmem:s20+$0x88D0]  }
0xa0: {  	[tilespmem:$0x1F9E0] =	vst v1;
	v1 =	vld [tilespmem:s20+$0x10940]  }
0xa1: {  	[tilespmem:$0x1FB00] =	vst v8;
	v8 =	vld [tilespmem:s20+$0x8A0]  }
0xa2: {  	[tilespmem:$0x1FA30] =	vst v4;
	v4 =	vld [tilespmem:s20+$0x88B0]  }
0xa3: {  	[tilespmem:$0x1FB20] =	vst v29;
	v29 =	vld [tilespmem:s20+$0x107B0]  }
0xa4: {  	v53 =	vld [tilespmem:s20+$0x830]  }
0xa5: {  	v52 =	vld [tilespmem:s20+$0x8830];
	[tilespmem:$0x1F9F0] =	vst v1  }
0xa6: {  	v1 =	vld [tilespmem:s20+$0x990];
	[tilespmem:$0x1FA50] =	vst v8  }
0xa7: {  	v8 =	vld [tilespmem:s20+$0x88C0];
	[tilespmem:$0x1FA40] =	vst v4  }
0xa8: {  	v4 =	vld [tilespmem:s20+$0x8900];
	[tilespmem:$0x1FC00] =	vst v29  }
0xa9: {  	v29 =	vld [tilespmem:s20+$0x107E0]  }
0xaa: {  	v32 =	vld [tilespmem:s20+$0x840]  }
0xab: {  	v34 =	vld [tilespmem:s20+$0x850]  }
0xac: {  	v0 =	vadd.f32 v45, v0;
	v2 =	vadd.f32 v2, v3;
	v30 =	vld [tilespmem:s20+$0x8850]  }
0xad: {  	v1 =	vadd.f32 v27, v1;
	v37 =	vld [tilespmem:s20+$0x10770]  }
0xae: {  	v0 =	vsub.f32 v0, v39;
	v12 =	vsub.f32 v2, v12;
	v62 =	vld [tilespmem:s20+$0x107A0]  }
0xaf: {  	v1 =	vsub.f32 v1, v13;
	v13 =	vadd.f32 v14, v15;
	v40 =	vld [tilespmem:s20+$0x7B0]  }
0xb0: {  	v12 =	vand.u32 $0x7FFFFFFF, v12;
	v41 =	vld [tilespmem:s20+$0x87B0]  }
0xb1: {  	v1 =	vand.u32 $0x7FFFFFFF, v1;
	v13 =	vsub.f32 v13, v48;
	[tilespmem:$0x1FCD0] =	vst v0;
	v0 =	vadd.f32 v20, v23;
	v38 =	vld [tilespmem:s20+$0x8810]  }
0xb2: {  	v1 =	vadd.f32 v1, v12;
	v45 =	vld [tilespmem:s20+$0x87C0]  }
0xb3: {  	v13 =	vand.u32 $0x7FFFFFFF, v13;
	v27 =	vld [tilespmem:s20+$0x7D0];
	v0 =	vsub.f32 v0, v46  }
0xb4: {  	v16 =	vadd.f32 v16, v17;
	v13 =	vadd.f32 v13, v1;
	v3 =	vld [tilespmem:s20+$0x87D0]  }
0xb5: {  	v2 =	vld [tilespmem:s20+$0x106F0];
	v0 =	vand.u32 $0x7FFFFFFF, v0  }
0xb6: {  	[tilespmem:$0x1FCB0] =	vst v16;
	v17 =	vld [tilespmem:s20+$0x10720];
	v16 =	vadd.f32 v0, v13;
	v0 =	vadd.f32 v4, v5  }
0xb7: {  	[tilespmem:$0x1FC10] =	vst v29;
	v29 =	vld [tilespmem:s20+$0x7F0]  }
0xb8: {  	v5 =	vadd.f32 v6, v7;
	v7 =	vsub.f32 v0, v42;
	v0 =	vld [tilespmem:$0x1F9D0]  }
0xb9: {  	v14 =	vadd.f32 v36, v31;
	v31 =	vld [tilespmem:s20+$0x730]  }
0xba: {  	v36 =	vld [tilespmem:s20+$0x8730]  }
0xbb: {  	v39 =	vld [tilespmem:s20+$0x10740];
	v4 =	vadd.f32 v28, v35  }
0xbc: {  	v12 =	vsub.f32 v14, v59;
	[tilespmem:$0x1FB70] =	vst v29;
	v29 =	vld [tilespmem:s20+$0x87F0]  }
0xbd: {  	v14 =	vadd.f32 v18, v21;
	v18 =	vsub.f32 v4, v0;
	v0 =	vld [tilespmem:$0x1F9E0]  }
0xbe: {  	v4 =	vld [tilespmem:$0x1F9F0]  }
0xbf: {  	v21 =	vld [tilespmem:s20+$0x760]  }
0xc0: {  	v48 =	vld [tilespmem:s20+$0x8760];
	v6 =	vadd.f32 v24, v26;
	v5 =	vsub.f32 v5, v47  }
0xc1: {  	v9 =	vadd.f32 v9, v10;
	v13 =	vadd.f32 v25, v33;
	[tilespmem:$0x1FB80] =	vst v29;
	v29 =	vld [tilespmem:s20+$0x10800]  }
0xc2: {  	v20 =	vld [tilespmem:s20+$0x780];
	v7 =	vand.u32 $0x7FFFFFFF, v7;
	v5 =	vand.u32 $0x7FFFFFFF, v5;
	v15 =	vsub.f32 v6, v0  }
0xc3: {  	v6 =	vsub.f32 v13, v4;
	v13 =	vadd.f32 v5, v7;
	v7 =	vld [tilespmem:$0x1FA00]  }
0xc4: {  	v8 =	vadd.f32 v8, v11;
	v10 =	vld [tilespmem:s20+$0x6F0]  }
0xc5: {  	v9 =	vsub.f32 v9, v49;
	[tilespmem:$0x1FCC0] =	vst v12;
	v12 =	vadd.f32 v19, v22;
	v19 =	vld [tilespmem:$0x1FA20]  }
0xc6: {  	v11 =	vadd.f32 v43, v44;
	v8 =	vsub.f32 v8, v50;
	[tilespmem:$0x1FB30] =	vst v29;
	v29 =	vld [tilespmem:s20+$0x10810]  }
0xc7: {  	v9 =	vand.u32 $0x7FFFFFFF, v9;
	v43 =	vld [tilespmem:s20+$0x8740];
	v15 =	vand.u32 $0x7FFFFFFF, v15  }
0xc8: {  	v44 =	vld [tilespmem:s20+$0x750];
	v13 =	vadd.f32 v15, v13;
	v15 =	vand.u32 $0x7FFFFFFF, v8;
	v11 =	vsub.f32 v11, v7  }
0xc9: {  	v49 =	vld [tilespmem:s20+$0x10630];
	v9 =	vadd.f32 v9, v15  }
0xca: {  	v22 =	vld [tilespmem:$0x1FAA0];
	v11 =	vand.u32 $0x7FFFFFFF, v11  }
0xcb: {  	v11 =	vadd.f32 v11, v9;
	[tilespmem:$0x1FB40] =	vst v29;
	v29 =	vld [tilespmem:s20+$0x820]  }
0xcc: {  	v23 =	vld [tilespmem:$0x1FAD0];
	v18 =	vand.u32 $0x7FFFFFFF, v18  }
0xcd: {  	v12 =	vsub.f32 v12, v63;
	v18 =	vadd.f32 v18, v11;
	v11 =	vld [tilespmem:$0x1FA80]  }
0xce: {  	v1 =	vadd.f32 v54, v55;
	v55 =	vld [tilespmem:s20+$0x8700]  }
0xcf: {  	v46 =	vadd.f32 v56, v51;
	v56 =	vld [tilespmem:s20+$0x10750];
	v12 =	vand.u32 $0x7FFFFFFF, v12  }
0xd0: {  	v15 =	vadd.f32 v12, v13;
	v13 =	vadd.f32 v52, v53;
	[tilespmem:$0x1FB50] =	vst v29;
	v29 =	vld [tilespmem:s20+$0x8820]  }
0xd1: {  	v51 =	vld [tilespmem:s20+$0x106C0]  }
0xd2: {  	v50 =	vsub.f32 v13, v11;
	v13 =	vld [tilespmem:$0x1FA90]  }
0xd3: {  	v7 =	vld [tilespmem:$0x1FA10]  }
0xd4: {  	v28 =	vld [tilespmem:s20+$0x8780]  }
0xd5: {  	[tilespmem:$0x1FB60] =	vst v29;
	v29 =	vld [tilespmem:s20+$0x8840]  }
0xd6: {  	v8 =	vld [tilespmem:$0x1FA30]  }
0xd7: {  	v13 =	vadd.f32 v22, v13;
	v22 =	vld [tilespmem:$0x1FAB0]  }
0xd8: {  	v7 =	vadd.f32 v19, v7;
	v19 =	vld [tilespmem:$0x1FA40]  }
0xd9: {  	[tilespmem:$0x1FC60] =	vst v62;
	v62 =	vld [tilespmem:s20+$0x107C0]  }
0xda: {  	v9 =	vld [tilespmem:$0x1FA60];
	v11 =	vadd.f32 v29, v32  }
0xdb: {  	v24 =	vld [tilespmem:s20+$0x790]  }
0xdc: {  	v22 =	vsub.f32 v11, v22;
	v11 =	vld [tilespmem:$0x1FAC0]  }
0xdd: {  	v12 =	vld [tilespmem:$0x1FA50];
	v8 =	vadd.f32 v19, v8;
	v19 =	vadd.f32 v57, v61  }
0xde: {  	[tilespmem:$0x1FC70] =	vst v62;
	v62 =	vld [tilespmem:s20+$0x10760]  }
0xdf: {  	v19 =	vsub.f32 v19, v9;
	v9 =	vld [tilespmem:$0x1FA70]  }
0xe0: {  	v25 =	vld [tilespmem:s20+$0x8790]  }
0xe1: {  	v11 =	vadd.f32 v23, v11;
	v23 =	vld [tilespmem:$0x1FAE0]  }
0xe2: {  	v26 =	vld [tilespmem:s20+$0x86F0];
	v12 =	vadd.f32 v60, v12  }
0xe3: {  	[tilespmem:$0x1FCA0] =	vst v62;
	v62 =	vld [tilespmem:s20+$0x770]  }
0xe4: {  	v33 =	vld [tilespmem:s20+$0x720];
	v9 =	vsub.f32 v12, v9;
	v12 =	vadd.f32 v30, v34  }
0xe5: {  	[tilespmem:$0x1FBA0] =	vst v40;
	v40 =	vld [tilespmem:s20+$0x7E0]  }
0xe6: {  	v12 =	vsub.f32 v12, v23;
	v23 =	vld [tilespmem:$0x1FAF0]  }
0xe7: {  	[tilespmem:$0x1FBB0] =	vst v41;
	v41 =	vld [tilespmem:s20+$0x87E0]  }
0xe8: {  	[tilespmem:$0x1FBE0] =	vst v62;
	v62 =	vld [tilespmem:s20+$0x8770]  }
0xe9: {  	[tilespmem:$0x1FC20] =	vst v37;
	v37 =	vld [tilespmem:s20+$0x8800]  }
0xea: {  	v14 =	vsub.f32 v14, v58;
	v58 =	vand.u32 $0x7FFFFFFF, v12;
	v12 =	vld [tilespmem:$0x1FB10]  }
0xeb: {  	v57 =	vsub.f32 v13, v23;
	v23 =	vld [tilespmem:$0x1FB20]  }
0xec: {  	[tilespmem:$0x1FBD0] =	vst v41;
	v41 =	vld [tilespmem:s20+$0x800]  }
0xed: {  	[tilespmem:$0x1FBF0] =	vst v62;
	v62 =	vld [tilespmem:s20+$0x10780]  }
0xee: {  	v13 =	vld [tilespmem:$0x1FB00]  }
0xef: {  	v35 =	vld [tilespmem:s20+$0x8720]  }
0xf0: {  	v12 =	vadd.f32 v23, v12;
	v23 =	vld [tilespmem:$0x1FB30]  }
0xf1: {  	v31 =	vadd.f32 v36, v31;
	v36 =	vld [tilespmem:s20+$0x10600]  }
0xf2: {  	[tilespmem:$0x1FBC0] =	vst v40;
	v40 =	vld [tilespmem:s20+$0x810]  }
0xf3: {  	[tilespmem:$0x1FC80] =	vst v62;
	v62 =	vld [tilespmem:s20+$0x10790];
	v11 =	vsub.f32 v11, v13;
	v13 =	vadd.f32 v37, v41  }
0xf4: {  	v42 =	vld [tilespmem:s20+$0x740]  }
0xf5: {  	v59 =	vsub.f32 v13, v23;
	v13 =	vld [tilespmem:$0x1FB40]  }
0xf6: {  	v47 =	vld [tilespmem:s20+$0x8750]  }
0xf7: {  	v28 =	vadd.f32 v28, v20;
	v20 =	vld [tilespmem:$0x1FC60]  }
0xf8: {  	v38 =	vadd.f32 v38, v40;
	[tilespmem:$0x1FC90] =	vst v62;
	v62 =	vld [tilespmem:s20+$0x7A0]  }
0xf9: {  	v23 =	vld [tilespmem:$0x1FB60]  }
0xfa: {  	v38 =	vsub.f32 v38, v13;
	v13 =	vld [tilespmem:$0x1FB50]  }
0xfb: {  	v10 =	vadd.f32 v26, v10;
	v26 =	vadd.f32 v35, v33;
	v33 =	vld [tilespmem:s20+$0x8620]  }
0xfc: {  	v35 =	vld [tilespmem:s20+$0x600]  }
0xfd: {  	v63 =	vld [tilespmem:$0x1FBD0]  }
0xfe: {  	[tilespmem:$0x1FC30] =	vst v62;
	v62 =	vld [tilespmem:s20+$0x87A0]  }
0xff: {  	v22 =	vand.u32 $0x7FFFFFFF, v22;
	v60 =	vadd.f32 v23, v13;
	v13 =	vld [tilespmem:$0x1FB70]  }
0x100: {  	v22 =	vadd.f32 v58, v22;
	v23 =	vld [tilespmem:$0x1FB80]  }
0x101: {  	v42 =	vadd.f32 v43, v42;
	v43 =	vld [tilespmem:s20+$0x86A0];
	v34 =	vand.u32 $0x7FFFFFFF, v57  }
0x102: {  	v44 =	vadd.f32 v47, v44;
	v47 =	vld [tilespmem:s20+$0x6C0];
	v22 =	vadd.f32 v34, v22  }
0x103: {  	v19 =	vand.u32 $0x7FFFFFFF, v19;
	[tilespmem:$0x1FC40] =	vst v62;
	v62 =	vld [tilespmem:s20+$0x7C0]  }
0x104: {  	v22 =	vadd.f32 v19, v22;
	v19 =	vld [tilespmem:$0x1FBA0]  }
0x105: {  	v13 =	vadd.f32 v23, v13;
	v23 =	vld [tilespmem:$0x1FBB0]  }
0x106: {  	v2 =	vsub.f32 v10, v2;
	v10 =	vsub.f32 v26, v17;
	v26 =	vld [tilespmem:s20+$0x8660]  }
0x107: {  	v3 =	vadd.f32 v3, v27;
	v27 =	vsub.f32 v42, v39;
	v39 =	vld [tilespmem:s20+$0x86C0]  }
0x108: {  	v42 =	vsub.f32 v44, v56;
	v56 =	vld [tilespmem:s20+$0x6D0]  }
0x109: {  	[tilespmem:$0x1FC50] =	vst v62;
	v62 =	vld [tilespmem:$0x1FB90]  }
0x10a: {  	v19 =	vadd.f32 v23, v19;
	v23 =	vld [tilespmem:$0x1FBC0]  }
0x10b: {  	v40 =	vld [tilespmem:s20+$0x86E0]  }
0x10c: {  	v0 =	vld [tilespmem:s20+$0x106B0]  }
0x10d: {  	v4 =	vld [tilespmem:s20+$0x106E0]  }
0x10e: {  	v54 =	vsub.f32 v60, v62;
	v60 =	vld [tilespmem:$0x1FBF0]  }
0x10f: {  	v58 =	vadd.f32 v63, v23;
	v23 =	vld [tilespmem:$0x1FBE0]  }
0x110: {  	v5 =	vld [tilespmem:s20+$0x10700]  }
0x111: {  	v21 =	vadd.f32 v48, v21;
	v27 =	vand.u32 $0x7FFFFFFF, v27;
	v42 =	vand.u32 $0x7FFFFFFF, v42;
	v48 =	vld [tilespmem:$0x1FCA0]  }
0x112: {  	v27 =	vadd.f32 v42, v27;
	v42 =	vld [tilespmem:s20+$0x10610]  }
0x113: {  	v63 =	vld [tilespmem:$0x1FC40]  }
0x114: {  	v61 =	vand.u32 $0x7FFFFFFF, v59;
	v38 =	vand.u32 $0x7FFFFFFF, v38;
	v59 =	vadd.f32 v60, v23;
	v23 =	vld [tilespmem:$0x1FC30]  }
0x115: {  	v30 =	vld [tilespmem:s20+$0x6B0];
	v34 =	vadd.f32 v38, v61  }
0x116: {  	v32 =	vld [tilespmem:s20+$0x86B0];
	v54 =	vand.u32 $0x7FFFFFFF, v54  }
0x117: {  	v53 =	vld [tilespmem:s20+$0x700];
	v34 =	vadd.f32 v54, v34  }
0x118: {  	v52 =	vld [tilespmem:s20+$0x710];
	v21 =	vsub.f32 v21, v48;
	v50 =	vand.u32 $0x7FFFFFFF, v50  }
0x119: {  	v34 =	vadd.f32 v50, v34;
	v50 =	vadd.f32 v63, v23;
	v23 =	vld [tilespmem:$0x1FC50]  }
0x11a: {  	v48 =	vld [tilespmem:s20+$0x620];
	v21 =	vand.u32 $0x7FFFFFFF, v21  }
0x11b: {  	v21 =	vadd.f32 v21, v27;
	v29 =	vld [tilespmem:s20+$0x106A0];
	v27 =	vadd.f32 v32, v30  }
0x11c: {  	v32 =	vld [tilespmem:s20+$0x8680]  }
0x11d: {  	v0 =	vsub.f32 v27, v0;
	v27 =	vld [tilespmem:s20+$0x8600]  }
0x11e: {  	v45 =	vadd.f32 v45, v23;
	v23 =	vld [tilespmem:$0x1FC80]  }
0x11f: {  	v61 =	vld [tilespmem:$0x1FC00]  }
0x120: {  	v57 =	vld [tilespmem:s20+$0x10620]  }
0x121: {  	v37 =	vld [tilespmem:s20+$0x106D0]  }
0x122: {  	v62 =	vld [tilespmem:$0x1FC20]  }
0x123: {  	v28 =	vsub.f32 v28, v23;
	v23 =	vld [tilespmem:$0x1FC90]  }
0x124: {  	v54 =	vsub.f32 v19, v61;
	v19 =	vld [tilespmem:$0x1FC10]  }
0x125: {  	v41 =	vld [tilespmem:s20+$0x6E0]  }
0x126: {  	v24 =	vadd.f32 v25, v24;
	v38 =	vld [tilespmem:s20+$0x8710]  }
0x127: {  	v61 =	vld [tilespmem:s20+$0x8630]  }
0x128: {  	v60 =	vld [tilespmem:s20+$0x630];
	v24 =	vsub.f32 v24, v23  }
0x129: {  	v19 =	vsub.f32 v58, v19;
	v58 =	vsub.f32 v59, v62;
	v59 =	vld [tilespmem:s20+$0x670]  }
0x12a: {  	v62 =	vld [tilespmem:s20+$0x8670];
	v28 =	vand.u32 $0x7FFFFFFF, v28;
	v24 =	vand.u32 $0x7FFFFFFF, v24  }
0x12b: {  	v24 =	vadd.f32 v24, v28;
	v28 =	vld [tilespmem:s20+$0x86D0]  }
0x12c: {  	v25 =	vsub.f32 v50, v20;
	v20 =	vld [tilespmem:$0x1FC70]  }
0x12d: {  	v30 =	vadd.f32 v39, v47;
	v27 =	vadd.f32 v27, v35;
	v17 =	vand.u32 $0x7FFFFFFF, v58;
	v58 =	vld [tilespmem:s20+$0x8690]  }
0x12e: {  	v17 =	vadd.f32 v17, v21;
	v21 =	vld [tilespmem:s20+$0x680]  }
0x12f: {  	v30 =	vsub.f32 v30, v51;
	v27 =	vsub.f32 v27, v36;
	v63 =	vld [tilespmem:s20+$0x10680]  }
0x130: {  	v38 =	vadd.f32 v38, v52;
	v50 =	vld [tilespmem:s20+$0x10690];
	v25 =	vand.u32 $0x7FFFFFFF, v25;
	v28 =	vadd.f32 v28, v56  }
0x131: {  	v20 =	vsub.f32 v45, v20;
	v45 =	vld [tilespmem:s20+$0x6A0];
	v24 =	vadd.f32 v25, v24  }
0x132: {  	v25 =	vand.u32 $0x7FFFFFFF, v54;
	v54 =	vadd.f32 v40, v41;
	v40 =	vld [tilespmem:s20+$0x690];
	v28 =	vsub.f32 v28, v37  }
0x133: {  	v30 =	vand.u32 $0x7FFFFFFF, v30;
	v21 =	vadd.f32 v32, v21;
	v24 =	vadd.f32 v25, v24;
	v25 =	vld [tilespmem:s20+$0x660]  }
0x134: {  	v4 =	vsub.f32 v54, v4;
	v56 =	vadd.f32 v55, v53;
	v53 =	vld [tilespmem:s20+$0x8610];
	v28 =	vand.u32 $0x7FFFFFFF, v28  }
0x135: {  	v47 =	vadd.f32 v61, v60;
	v28 =	vadd.f32 v28, v30;
	v30 =	vld [tilespmem:s20+$0x610]  }
0x136: {  	v21 =	vsub.f32 v21, v63;
	v54 =	vadd.f32 v62, v59;
	v59 =	vld [tilespmem:s20+$0x8650];
	v4 =	vand.u32 $0x7FFFFFFF, v4  }
0x137: {  	v51 =	vadd.f32 v43, v45;
	v55 =	vld [tilespmem:s20+$0x8640];
	v4 =	vadd.f32 v4, v28  }
0x138: {  	v2 =	vand.u32 $0x7FFFFFFF, v2;
	v5 =	vsub.f32 v56, v5;
	v56 =	vld [tilespmem:s20+$0x650];
	v58 =	vadd.f32 v58, v40  }
0x139: {  	v28 =	vld [tilespmem:s20+$0x640];
	v2 =	vadd.f32 v2, v4;
	v4 =	vadd.f32 v33, v48  }
0x13a: {  	v27 =	vand.u32 $0x7FFFFFFF, v27;
	v60 =	vld [tilespmem:s20+$0x10640];
	v33 =	vsub.f32 v58, v50;
	v30 =	vadd.f32 v53, v30  }
0x13b: {  	v61 =	vld [tilespmem:s20+$0x10650];
	v39 =	vsub.f32 v47, v49;
	v21 =	vand.u32 $0x7FFFFFFF, v21;
	v29 =	vsub.f32 v51, v29  }
0x13c: {  	v62 =	vld [tilespmem:s20+$0x10660];
	v25 =	vadd.f32 v26, v25;
	v33 =	vand.u32 $0x7FFFFFFF, v33;
	v30 =	vsub.f32 v30, v42  }
0x13d: {  	v29 =	vand.u32 $0x7FFFFFFF, v29;
	v4 =	vsub.f32 v4, v57;
	v21 =	vadd.f32 v33, v21  }
0x13e: {  	v63 =	vld [tilespmem:s20+$0x10710];
	v28 =	vadd.f32 v55, v28;
	v26 =	vand.u32 $0x7FFFFFFF, v30;
	v30 =	vadd.f32 v59, v56  }
0x13f: {  	(xrf2) =	vadd.scan.msk.f32 $0xffff, v16;
	v21 =	vadd.f32 v29, v21;
	v16 =	vadd.f32 v26, v27;
	v26 =	vld [tilespmem:s20+$0x10670]  }
0x140: {  	(xrf2) =	vadd.scan.msk.f32 $0xffff, v15;
	v0 =	vand.u32 $0x7FFFFFFF, v0;
	v15 =	vsub.f32 v28, v60;
	v27 =	vsub.f32 v30, v61  }
0x141: {  	(xrf2) =	vadd.scan.msk.f32 $0xffff, v18;
	v18 =	vsub.f32 v25, v62;
	v4 =	vand.u32 $0x7FFFFFFF, v4;
	v0 =	vadd.f32 v0, v21;
	v21 =	vld [tilespmem:s20+$0x107D0]  }
0x142: {  	(xrf2) =	vadd.scan.msk.f32 $0xffff, v22;
	v22 =	vld [tilespmem:s20+$0x10730];
	v15 =	vand.u32 $0x7FFFFFFF, v15;
	v4 =	vadd.f32 v4, v16;
	v16 =	vand.u32 $0x7FFFFFFF, v27  }
0x143: {  	(xrf2) =	vadd.scan.msk.f32 $0xffff, v34;
	v25 =	vand.u32 $0x7FFFFFFF, v39;
	v15 =	vadd.f32 v16, v15;
	v16 =	vsub.f32 v38, v63  }
0x144: {  	(xrf2) =	vadd.scan.msk.f32 $0xffff, v24;
	v18 =	vand.u32 $0x7FFFFFFF, v18;
	v4 =	vadd.f32 v25, v4;
	v25 =	vld [tilespmem:s20+$0x10890];
	v24 =	vsub.f32 v54, v26  }
0x145: {  	(xrf2) =	vadd.scan.msk.f32 $0xffff, v17;
	v5 =	vand.u32 $0x7FFFFFFF, v5;
	v15 =	vadd.f32 v18, v15;
	v16 =	vand.u32 $0x7FFFFFFF, v16  }
0x146: {  	v17 =	vld [tilespmem:s20+$0x107F0];
	(xrf2) =	vadd.scan.msk.f32 $0xffff, v2;
	v3 =	vsub.f32 v3, v21;
	v2 =	vand.u32 $0x7FFFFFFF, v24;
	v5 =	vadd.f32 v16, v5  }
0x147: {  	(xrf2) =	vadd.scan.msk.f32 $0xffff, v0;
	v0 =	vadd.f32 v2, v15;
	v2 =	vand.u32 $0x7FFFFFFF, v10;
	v10 =	vsub.f32 v31, v22;
	v15 =	vld [tilespmem:s20+$0x10950]  }
0x148: {  	(xrf2) =	vadd.scan.msk.f32 $0xffff, v4;
	v4 =	vand.u32 $0x7FFFFFFF, v20;
	v3 =	vand.u32 $0x7FFFFFFF, v3;
	v2 =	vadd.f32 v2, v5;
	v5 =	vld [tilespmem:s20+$0x108B0]  }
0x149: {  	v3 =	vadd.f32 v3, v4;
	v4 =	vsub.f32 v12, v25;
	v10 =	vand.u32 $0x7FFFFFFF, v10  }
0x14a: {  	v2 =	vadd.f32 v10, v2;
	v10 =	vand.u32 $0x7FFFFFFF, v19  }
0x14b: {  	v4 =	vand.u32 $0x7FFFFFFF, v4;
	v3 =	vadd.f32 v10, v3;
	v10 =	vand.u32 $0x7FFFFFFF, v11  }
0x14c: {  	v4 =	vadd.f32 v4, v10;
	v7 =	vsub.f32 v7, v15  }
0x14d: {  	v9 =	vand.u32 $0x7FFFFFFF, v9;
	v16, _, _ =	vpop (xrf2);
	v12 =	vsub.f32 v13, v17;
	(xrf2) =	vadd.scan.msk.f32 $0xffff, v0;
	v5 =	vsub.f32 v8, v5  }
0x14e: {  	v6 =	vand.u32 $0x7FFFFFFF, v6;
	v13 =	vld [tilespmem:s20+$0x109D0];
	v0, _, _ =	vpop (xrf2);
	v4 =	vadd.f32 v9, v4;
	v7 =	vand.u32 $0x7FFFFFFF, v7  }
0x14f: {  	v12 =	vand.u32 $0x7FFFFFFF, v12;
	v11 =	vld [tilespmem:s20+$0x10970];
	v17, _, _ =	vpop (xrf2);
	v5 =	vand.u32 $0x7FFFFFFF, v5;
	v6 =	vadd.f32 v7, v6  }
0x150: {  	v10 =	vld [tilespmem:s20+$0x109E0];
	v18, _, _ =	vpop (xrf2);
	v3 =	vadd.f32 v12, v3;
	v4 =	vadd.f32 v5, v4;
	v5 =	vand.u32 $0x7FFFFFFF, v14  }
0x151: {  	(xrf2) =	vadd.scan.msk.f32 $0xffff, v2;
	v2, _, _ =	vpop (xrf2);
	v5 =	vadd.f32 v5, v6;
	v6 =	vld [tilespmem:$0x1FCB0]  }
0x152: {  	v12 =	vld [tilespmem:$0x1FCC0];
	v8, _, _ =	vpop (xrf2)  }
0x153: {  	v9, _, _ =	vpop (xrf2)  }
0x154: {  	(xrf2) =	vadd.scan.msk.f32 $0xffff, v3;
	v1 =	vsub.f32 v1, v11;
	v3, _, _ =	vpop (xrf2)  }
0x155: {  	v7 =	vsub.f32 v46, v13;
	v11, _, _ =	vpop (xrf2)  }
0x156: {  	v1 =	vand.u32 $0x7FFFFFFF, v1;
	v6 =	vsub.f32 v6, v10;
	v10, _, _ =	vpop (xrf2)  }
0x157: {  	v7 =	vand.u32 $0x7FFFFFFF, v7;
	v12 =	vand.u32 $0x7FFFFFFF, v12;
	v1 =	vadd.f32 v1, v5;
	v5, _, _ =	vpop (xrf2)  }
0x158: {  	(xrf2) =	vadd.scan.msk.f32 $0xffff, v4;
	v4 =	vadd.f32 v7, v12;
	v7 =	vbroadcast v10, $0xF;
	v5 =	vbroadcast v5, $0xF  }
0x159: {  	v6 =	vand.u32 $0x7FFFFFFF, v6  }
0x15a: {  	(xrf2) =	vadd.scan.msk.f32 $0xffff, v1;
	v1 =	vsel vm0, v7, v5;
	v5 =	vld [tilespmem:$0x1FCD0];
	_ =	sdelay $0x1  }
0x15b: {  	v4 =	vadd.f32 v6, v4;
	v6, _, _ =	vpop (xrf2)  }
0x15c: {  	v10 =	vbroadcast v11, $0xF;
	v6 =	vbroadcast v6, $0xF  }
0x15d: {  	v3 =	vbroadcast v3, $0xF  }
0x15e: {  	v1 =	vsel vm1, v1, v10;
	v5 =	vand.u32 $0x7FFFFFFF, v5  }
0x15f: {  	v1 =	vsel vm2, v1, v3;
	v3 =	vbroadcast v9, $0xF;
	v4 =	vadd.f32 v5, v4  }
0x160: {  	v1 =	vsel vm3, v1, v6;
	v5 =	vbroadcast v8, $0xF;
	v6, _, _ =	vpop (xrf2)  }
0x161: {  	v1 =	vsel vm4, v1, v3;
	v3 =	vbroadcast v6, $0xF  }
0x162: {  	v2 =	vbroadcast v2, $0xF;
	(xrf2) =	vadd.scan.msk.f32 $0xffff, v4;
	v1 =	vsel vm5, v1, v5  }
0x163: {  	v1 =	vsel vm6, v1, v3;
	v3 =	vbroadcast v18, $0xF;
	v4, _, _ =	vpop (xrf2)  }
0x164: {  	v1 =	vsel vm7, v1, v2;
	v2 =	vbroadcast v4, $0xF  }
0x165: {  	v1 =	vsel vm8, v1, v3;
	v3 =	vbroadcast v17, $0xF  }
0x166: {  	v0 =	vbroadcast v0, $0xF;
	v1 =	vsel vm9, v1, v2  }
0x167: {  	v1 =	vsel vm10, v1, v3  }
0x168: {  	v2, _, _ =	vpop (xrf2);
	v0 =	vsel vm11, v1, v0;
	v1 =	vbroadcast v16, $0xF  }
0x169: {  	v2 =	vbroadcast v2, $0xF;
	_ =	sdelay $0x1  }
0x16a: {  	v0 =	vsel vm12, v0, v2  }
0x16b: {  	v0 =	vsel vm13, v0, v1;
	v1, _, _ =	vpop (xrf2)  }
0x16c: {  	v0 =	vsel vm14, v0, v1  }
0x16d: {  	s18 =	simm.s32 $0x400;
	[tilespmem:s16+$0x0] =	vst v0  }
0x16e: {  	v33 =	vld [tilespmem:s18+$0x109F0]  }
0x16f: {  	v30 =	vld [tilespmem:s18+$0x9F0]  }
0x170: {  	v17 =	vld [tilespmem:s18+$0x89F0]  }
0x171: {  	v42 =	vld [tilespmem:s18+$0x109B0]  }
0x172: {  	v54 =	vld [tilespmem:s18+$0x109C0]  }
0x173: {  	v18 =	vld [tilespmem:s18+$0x9E0]  }
0x174: {  	v26 =	vld [tilespmem:s18+$0x89E0]  }
0x175: {  	v45 =	vld [tilespmem:s18+$0x109A0]  }
0x176: {  	v47 =	vld [tilespmem:s18+$0x9B0]  }
0x177: {  	v51 =	vld [tilespmem:s18+$0x89B0]  }
0x178: {  	v56 =	vld [tilespmem:s18+$0x9C0]  }
0x179: {  	v57 =	vld [tilespmem:s18+$0x89C0]  }
0x17a: {  	v58 =	vld [tilespmem:s18+$0x9D0]  }
0x17b: {  	v59 =	vld [tilespmem:s18+$0x89D0]  }
0x17c: {  	v60 =	vld [tilespmem:s18+$0x10930]  }
0x17d: {  	v25 =	vld [tilespmem:s18+$0x10820]  }
0x17e: {  	v61 =	vld [tilespmem:s18+$0x10960]  }
0x17f: {  	v62 =	vld [tilespmem:s18+$0x970]  }
0x180: {  	v63 =	vld [tilespmem:s18+$0x8970]  }
0x181: {  	v11 =	vld [tilespmem:s18+$0x10980]  }
0x182: {  	[tilespmem:$0x1FEF0] =	vst v25;
	v25 =	vld [tilespmem:s18+$0x10840]  }
0x183: {  	v13 =	vld [tilespmem:s18+$0x10990]  }
0x184: {  	v14 =	vld [tilespmem:s18+$0x9A0]  }
0x185: {  	v12 =	vld [tilespmem:s18+$0x89A0]  }
0x186: {  	v0 =	vld [tilespmem:s18+$0x108F0]  }
0x187: {  	[tilespmem:$0x1FE10] =	vst v25;
	v25 =	vld [tilespmem:s18+$0x10850]  }
0x188: {  	v3 =	vld [tilespmem:s18+$0x108E0]  }
0x189: {  	v19 =	vld [tilespmem:s18+$0x930]  }
0x18a: {  	v16 =	vld [tilespmem:s18+$0x8930]  }
0x18b: {  	v20 =	vld [tilespmem:s18+$0x960]  }
0x18c: {  	[tilespmem:$0x1FE40] =	vst v25;
	v25 =	vld [tilespmem:s18+$0x860]  }
0x18d: {  	[tilespmem:$0x1FD60] =	vst v3;
	v3 =	vld [tilespmem:s18+$0x950]  }
0x18e: {  	v36 =	vld [tilespmem:s18+$0x980]  }
0x18f: {  	v2 =	vld [tilespmem:s18+$0x8980]  }
0x190: {  	v1 =	vld [tilespmem:s18+$0x990]  }
0x191: {  	[tilespmem:$0x1FDF0] =	vst v25;
	v25 =	vld [tilespmem:s18+$0x8860]  }
0x192: {  	[tilespmem:$0x1FD70] =	vst v3;
	v3 =	vld [tilespmem:s18+$0x8950]  }
0x193: {  	v32 =	vld [tilespmem:s18+$0x8F0]  }
0x194: {  	v24 =	vld [tilespmem:s18+$0x88F0]  }
0x195: {  	v39 =	vld [tilespmem:s18+$0x10900]  }
0x196: {  	[tilespmem:$0x1FE00] =	vst v25;
	v25 =	vld [tilespmem:s18+$0x880]  }
0x197: {  	[tilespmem:$0x1FD80] =	vst v3;
	v3 =	vld [tilespmem:s18+$0x10870]  }
0x198: {  	[tilespmem:$0x1FD30] =	vst v0;
	v0 =	vld [tilespmem:s18+$0x10920]  }
0x199: {  	v43 =	vld [tilespmem:s18+$0x10910]  }
0x19a: {  	v23 =	vld [tilespmem:s18+$0x920]  }
0x19b: {  	[tilespmem:$0x1FE20] =	vst v25;
	v25 =	vld [tilespmem:s18+$0x8880]  }
0x19c: {  	[tilespmem:$0x1FDC0] =	vst v3;
	v3 =	vld [tilespmem:s18+$0x108A0]  }
0x19d: {  	[tilespmem:$0x1FD40] =	vst v0;
	v0 =	vld [tilespmem:s18+$0x10940]  }
0x19e: {  	v7 =	vld [tilespmem:s18+$0x10830]  }
0x19f: {  	v40 =	vld [tilespmem:s18+$0x8E0]  }
0x1a0: {  	[tilespmem:$0x1FE30] =	vst v25;
	v25 =	vld [tilespmem:s18+$0x890]  }
0x1a1: {  	[tilespmem:$0x1FDD0] =	vst v3;
	v3 =	vld [tilespmem:s18+$0x8B0]  }
0x1a2: {  	[tilespmem:$0x1FD50] =	vst v0;
	v0 =	vld [tilespmem:s18+$0x8990]  }
0x1a3: {  	[tilespmem:$0x1FDE0] =	vst v7;
	v7 =	vld [tilespmem:s18+$0x10860]  }
0x1a4: {  	v4 =	vld [tilespmem:s18+$0x900]  }
0x1a5: {  	v17 =	vadd.f32 v17, v30;
	[tilespmem:$0x1FE70] =	vst v25;
	v25 =	vld [tilespmem:s18+$0x8890]  }
0x1a6: {  	v2 =	vadd.f32 v2, v36;
	[tilespmem:$0x1FD90] =	vst v3;
	v3 =	vld [tilespmem:s18+$0x88B0]  }
0x1a7: {  	v6 =	vld [tilespmem:s18+$0x910];
	v0 =	vadd.f32 v0, v1;
	v1 =	vsub.f32 v17, v33  }
0x1a8: {  	v5 =	vld [tilespmem:s18+$0x8910];
	v2 =	vsub.f32 v2, v11;
	[tilespmem:$0x1FE50] =	vst v7  }
0x1a9: {  	v11 =	vadd.f32 v12, v14;
	v7 =	vld [tilespmem:s18+$0x10880];
	[tilespmem:$0x1FCF0] =	vst v1;
	v0 =	vsub.f32 v0, v13  }
0x1aa: {  	v2 =	vand.u32 $0x7FFFFFFF, v2;
	v1 =	vadd.f32 v51, v47;
	[tilespmem:$0x1FE80] =	vst v25;
	v25 =	vld [tilespmem:s18+$0x107B0]  }
0x1ab: {  	v11 =	vsub.f32 v11, v45;
	v13 =	vadd.f32 v57, v56;
	v0 =	vand.u32 $0x7FFFFFFF, v0;
	[tilespmem:$0x1FDA0] =	vst v3;
	v3 =	vld [tilespmem:s18+$0x8900]  }
0x1ac: {  	v9 =	vld [tilespmem:s18+$0x8D0];
	v12 =	vsub.f32 v1, v42;
	v0 =	vadd.f32 v0, v2  }
0x1ad: {  	v8 =	vld [tilespmem:s18+$0x88D0];
	v11 =	vand.u32 $0x7FFFFFFF, v11;
	v2 =	vsub.f32 v13, v54;
	v13 =	vadd.f32 v16, v19  }
0x1ae: {  	v5 =	vadd.f32 v5, v6;
	[tilespmem:$0x1FE60] =	vst v7;
	v7 =	vld [tilespmem:s18+$0x8A0];
	v0 =	vadd.f32 v11, v0  }
0x1af: {  	v12 =	vand.u32 $0x7FFFFFFF, v12;
	v11 =	vsub.f32 v13, v60;
	v13 =	vadd.f32 v63, v62;
	[tilespmem:$0x1FF60] =	vst v25;
	v25 =	vld [tilespmem:s18+$0x107E0]  }
0x1b0: {  	v35 =	vld [tilespmem:s18+$0x88E0];
	v16 =	vadd.f32 v12, v0;
	v0 =	vadd.f32 v3, v4  }
0x1b1: {  	v10 =	vld [tilespmem:s18+$0x8C0]  }
0x1b2: {  	v5 =	vsub.f32 v5, v43;
	[tilespmem:$0x1FD20] =	vst v13;
	v13 =	vld [tilespmem:$0x1FD30];
	v12 =	vsub.f32 v0, v39  }
0x1b3: {  	[tilespmem:$0x1FDB0] =	vst v7;
	v7 =	vld [tilespmem:s18+$0x88C0]  }
0x1b4: {  	v8 =	vadd.f32 v8, v9;
	v5 =	vand.u32 $0x7FFFFFFF, v5;
	v9 =	vand.u32 $0x7FFFFFFF, v12;
	[tilespmem:$0x1FF70] =	vst v25;
	v25 =	vld [tilespmem:s18+$0x7F0]  }
0x1b5: {  	v4 =	vadd.f32 v24, v32;
	v5 =	vadd.f32 v5, v9;
	v9 =	vld [tilespmem:$0x1FD60]  }
0x1b6: {  	v21 =	vld [tilespmem:s18+$0x8920]  }
0x1b7: {  	v4 =	vsub.f32 v4, v13;
	v13 =	vld [tilespmem:$0x1FD40]  }
0x1b8: {  	v7 =	vadd.f32 v7, v10;
	v10 =	vadd.f32 v35, v40;
	v12 =	vld [tilespmem:$0x1FD80]  }
0x1b9: {  	[tilespmem:$0x1FED0] =	vst v25;
	v25 =	vld [tilespmem:s18+$0x87F0]  }
0x1ba: {  	v9 =	vsub.f32 v10, v9;
	v10 =	vld [tilespmem:$0x1FD70]  }
0x1bb: {  	v15 =	vld [tilespmem:s18+$0x8960]  }
0x1bc: {  	v44 =	vld [tilespmem:s18+$0x108C0];
	v6 =	vadd.f32 v21, v23  }
0x1bd: {  	v46 =	vld [tilespmem:s18+$0x108D0]  }
0x1be: {  	v13 =	vsub.f32 v6, v13;
	[tilespmem:$0x1FEE0] =	vst v25;
	v25 =	vld [tilespmem:s18+$0x10800]  }
0x1bf: {  	v40 =	vadd.f32 v12, v10;
	v12 =	vld [tilespmem:$0x1FD90]  }
0x1c0: {  	v10 =	vand.u32 $0x7FFFFFFF, v13;
	v13 =	vld [tilespmem:$0x1FDA0]  }
0x1c1: {  	v52 =	vld [tilespmem:s18+$0x870]  }
0x1c2: {  	v50 =	vld [tilespmem:s18+$0x8870];
	v8 =	vsub.f32 v8, v46  }
0x1c3: {  	v7 =	vsub.f32 v7, v44;
	[tilespmem:$0x1FEB0] =	vst v25;
	v25 =	vld [tilespmem:s18+$0x10810]  }
0x1c4: {  	v29 =	vld [tilespmem:s18+$0x940];
	v8 =	vand.u32 $0x7FFFFFFF, v8  }
0x1c5: {  	v7 =	vand.u32 $0x7FFFFFFF, v7;
	v5 =	vadd.f32 v10, v5;
	v45 =	vadd.f32 v13, v12;
	v12 =	vld [tilespmem:$0x1FDC0]  }
0x1c6: {  	v53 =	vld [tilespmem:s18+$0x88A0];
	v7 =	vadd.f32 v8, v7;
	v8 =	vand.u32 $0x7FFFFFFF, v11  }
0x1c7: {  	v39 =	vadd.f32 v8, v5;
	v8 =	vld [tilespmem:$0x1FDB0]  }
0x1c8: {  	v11 =	vadd.f32 v50, v52;
	[tilespmem:$0x1FEC0] =	vst v25;
	v25 =	vld [tilespmem:s18+$0x820]  }
0x1c9: {  	v22 =	vld [tilespmem:s18+$0x8940]  }
0x1ca: {  	v13 =	vsub.f32 v11, v12;
	v11 =	vld [tilespmem:$0x1FDD0]  }
0x1cb: {  	v49 =	vld [tilespmem:s18+$0x830]  }
0x1cc: {  	v48 =	vld [tilespmem:s18+$0x8830]  }
0x1cd: {  	v8 =	vadd.f32 v53, v8;
	[tilespmem:$0x1FE90] =	vst v25;
	v25 =	vld [tilespmem:s18+$0x8820]  }
0x1ce: {  	v5 =	vand.u32 $0x7FFFFFFF, v9;
	v12 =	vld [tilespmem:$0x1FE00]  }
0x1cf: {  	v5 =	vadd.f32 v5, v7;
	v60 =	vsub.f32 v8, v11;
	v8 =	vld [tilespmem:$0x1FDF0]  }
0x1d0: {  	v28 =	vld [tilespmem:s18+$0x840];
	v4 =	vand.u32 $0x7FFFFFFF, v4  }
0x1d1: {  	v21 =	vadd.f32 v4, v5;
	v5 =	vld [tilespmem:$0x1FDE0]  }
0x1d2: {  	[tilespmem:$0x1FEA0] =	vst v25;
	v25 =	vld [tilespmem:s18+$0x8840]  }
0x1d3: {  	v31 =	vld [tilespmem:s18+$0x850]  }
0x1d4: {  	v12 =	vadd.f32 v12, v8;
	v8 =	vld [tilespmem:$0x1FE10]  }
0x1d5: {  	v27 =	vld [tilespmem:s18+$0x8850];
	v7 =	vadd.f32 v48, v49  }
0x1d6: {  	v38 =	vld [tilespmem:s18+$0x10770]  }
0x1d7: {  	v41 =	vld [tilespmem:s18+$0x107A0];
	v5 =	vsub.f32 v7, v5;
	v7 =	vadd.f32 v25, v28  }
0x1d8: {  	v19 =	vld [tilespmem:$0x1FE30]  }
0x1d9: {  	v7 =	vsub.f32 v7, v8;
	v8 =	vld [tilespmem:$0x1FE20]  }
0x1da: {  	v55 =	vld [tilespmem:s18+$0x7B0]  }
0x1db: {  	v37 =	vld [tilespmem:s18+$0x87B0]  }
0x1dc: {  	v34 =	vld [tilespmem:s18+$0x8810]  }
0x1dd: {  	[tilespmem:$0x1FF80] =	vst v38;
	v38 =	vld [tilespmem:s18+$0x107C0]  }
0x1de: {  	v19 =	vadd.f32 v19, v8;
	v8 =	vld [tilespmem:$0x1FE40]  }
0x1df: {  	[tilespmem:$0x1FFB0] =	vst v41;
	v41 =	vld [tilespmem:s18+$0x7E0]  }
0x1e0: {  	[tilespmem:$0x1FF00] =	vst v55;
	v55 =	vld [tilespmem:s18+$0x87E0]  }
0x1e1: {  	[tilespmem:$0x1FF10] =	vst v37;
	v37 =	vld [tilespmem:s18+$0x8800];
	v11 =	vadd.f32 v27, v31  }
0x1e2: {  	v30 =	vld [tilespmem:s18+$0x7C0]  }
0x1e3: {  	v31 =	vsub.f32 v11, v8;
	v8 =	vld [tilespmem:$0x1FE50]  }
0x1e4: {  	v36 =	vld [tilespmem:s18+$0x87C0]  }
0x1e5: {  	[tilespmem:$0x1FF30] =	vst v55;
	v55 =	vld [tilespmem:s18+$0x10760]  }
0x1e6: {  	v18 =	vadd.f32 v26, v18;
	v26 =	vld [tilespmem:s18+$0x730]  }
0x1e7: {  	v23 =	vld [tilespmem:s18+$0x8780]  }
0x1e8: {  	v57 =	vsub.f32 v12, v8;
	v8 =	vld [tilespmem:$0x1FE60]  }
0x1e9: {  	[tilespmem:$0x1FF20] =	vst v41;
	v41 =	vld [tilespmem:s18+$0x800]  }
0x1ea: {  	[tilespmem:$0x1FFF0] =	vst v55;
	v55 =	vld [tilespmem:s18+$0x770];
	v7 =	vand.u32 $0x7FFFFFFF, v7;
	v31 =	vand.u32 $0x7FFFFFFF, v31  }
0x1eb: {  	v31 =	vadd.f32 v31, v7;
	v7 =	vld [tilespmem:$0x1FEB0]  }
0x1ec: {  	v12 =	vld [tilespmem:$0x1FE80]  }
0x1ed: {  	v11 =	vsub.f32 v19, v8;
	v8 =	vld [tilespmem:$0x1FE70]  }
0x1ee: {  	[tilespmem:$0x1FFC0] =	vst v38;
	v38 =	vld [tilespmem:s18+$0x810]  }
0x1ef: {  	[tilespmem:$0x1FF40] =	vst v55;
	v55 =	vld [tilespmem:s18+$0x8770];
	v19 =	vadd.f32 v37, v41  }
0x1f0: {  	v14 =	vadd.f32 v59, v58;
	v58 =	vld [tilespmem:$0x1FEA0]  }
0x1f1: {  	v19 =	vsub.f32 v19, v7;
	v7 =	vld [tilespmem:$0x1FEC0]  }
0x1f2: {  	v12 =	vadd.f32 v12, v8;
	v8 =	vld [tilespmem:$0x1FE90]  }
0x1f3: {  	[tilespmem:$0x1FCE0] =	vst v18;
	v18 =	vld [tilespmem:s18+$0x87D0]  }
0x1f4: {  	v43 =	vld [tilespmem:s18+$0x750];
	v34 =	vadd.f32 v34, v38  }
0x1f5: {  	[tilespmem:$0x1FF50] =	vst v55;
	v55 =	vld [tilespmem:s18+$0x10780]  }
0x1f6: {  	v34 =	vsub.f32 v34, v7;
	v7 =	vld [tilespmem:$0x1FED0]  }
0x1f7: {  	v38 =	vadd.f32 v58, v8;
	v8 =	vld [tilespmem:$0x1FEE0]  }
0x1f8: {  	[tilespmem:$0x1FD10] =	vst v14;
	v14 =	vadd.f32 v15, v20;
	v20 =	vld [tilespmem:s18+$0x760]  }
0x1f9: {  	v15 =	vld [tilespmem:s18+$0x780]  }
0x1fa: {  	[tilespmem:$0x1FFD0] =	vst v55;
	v55 =	vld [tilespmem:s18+$0x10790]  }
0x1fb: {  	v30 =	vadd.f32 v36, v30;
	v36 =	vld [tilespmem:s18+$0x8670]  }
0x1fc: {  	v8 =	vadd.f32 v8, v7;
	v7 =	vld [tilespmem:$0x1FEF0]  }
0x1fd: {  	v61 =	vsub.f32 v14, v61;
	v14 =	vld [tilespmem:s18+$0x10700];
	v44 =	vand.u32 $0x7FFFFFFF, v57  }
0x1fe: {  	v17 =	vld [tilespmem:s18+$0x7D0];
	v31 =	vadd.f32 v44, v31  }
0x1ff: {  	[tilespmem:$0x1FFE0] =	vst v55;
	v55 =	vld [tilespmem:s18+$0x7A0];
	v13 =	vand.u32 $0x7FFFFFFF, v13  }
0x200: {  	v31 =	vadd.f32 v13, v31;
	v13 =	vld [tilespmem:$0x1FF10]  }
0x201: {  	v38 =	vsub.f32 v38, v7;
	v7 =	vld [tilespmem:$0x1FF00]  }
0x202: {  	v33 =	vld [tilespmem:s18+$0x10720]  }
0x203: {  	v47 =	vld [tilespmem:s18+$0x10740]  }
0x204: {  	[tilespmem:$0x1FF90] =	vst v55;
	v55 =	vld [tilespmem:s18+$0x87A0];
	v19 =	vand.u32 $0x7FFFFFFF, v19;
	v34 =	vand.u32 $0x7FFFFFFF, v34  }
0x205: {  	v34 =	vadd.f32 v34, v19;
	v19 =	vld [tilespmem:$0x1FF30]  }
0x206: {  	v13 =	vadd.f32 v13, v7;
	v7 =	vld [tilespmem:$0x1FF20]  }
0x207: {  	v51 =	vld [tilespmem:s18+$0x10750]  }
0x208: {  	v1 =	vld [tilespmem:s18+$0x106F0]  }
0x209: {  	v42 =	vld [tilespmem:s18+$0x8740]  }
0x20a: {  	v59 =	vld [tilespmem:$0x1FF50]  }
0x20b: {  	[tilespmem:$0x1FFA0] =	vst v55;
	v55 =	vadd.f32 v19, v7;
	v7 =	vld [tilespmem:$0x1FF40]  }
0x20c: {  	v35 =	vld [tilespmem:s18+$0x8720]  }
0x20d: {  	[tilespmem:$0x1FD00] =	vst v2;
	v2 =	vld [tilespmem:s18+$0x8730]  }
0x20e: {  	v54 =	vld [tilespmem:s18+$0x8710]  }
0x20f: {  	v50 =	vld [tilespmem:s18+$0x86E0]  }
0x210: {  	v63 =	vadd.f32 v59, v7;
	v7 =	vld [tilespmem:$0x1FF60]  }
0x211: {  	v52 =	vld [tilespmem:s18+$0x700]  }
0x212: {  	v17 =	vadd.f32 v18, v17;
	v18 =	vadd.f32 v2, v26;
	v26 =	vld [tilespmem:s18+$0x86D0]  }
0x213: {  	v3 =	vld [tilespmem:s18+$0x8760]  }
0x214: {  	v24 =	vld [tilespmem:s18+$0x8790]  }
0x215: {  	v57 =	vsub.f32 v13, v7;
	v7 =	vld [tilespmem:$0x1FF70]  }
0x216: {  	v0 =	vadd.f32 v22, v29;
	v22 =	vld [tilespmem:s18+$0x790]  }
0x217: {  	v32 =	vld [tilespmem:s18+$0x86F0]  }
0x218: {  	v6 =	vld [tilespmem:$0x1FD50]  }
0x219: {  	v29 =	vld [tilespmem:s18+$0x6F0]  }
0x21a: {  	v13 =	vsub.f32 v55, v7;
	v7 =	vld [tilespmem:$0x1FF80]  }
0x21b: {  	v46 =	vadd.f32 v24, v22;
	v22 =	vld [tilespmem:s18+$0x10680];
	v38 =	vand.u32 $0x7FFFFFFF, v38  }
0x21c: {  	v24 =	vld [tilespmem:s18+$0x10690];
	v34 =	vadd.f32 v38, v34  }
0x21d: {  	v62 =	vsub.f32 v0, v6;
	v0 =	vld [tilespmem:s18+$0x106B0];
	v5 =	vand.u32 $0x7FFFFFFF, v5  }
0x21e: {  	v34 =	vadd.f32 v5, v34;
	v5 =	vld [tilespmem:$0x1FF90]  }
0x21f: {  	v56 =	vsub.f32 v63, v7;
	v7 =	vld [tilespmem:$0x1FFA0]  }
0x220: {  	v6 =	vld [tilespmem:s18+$0x106E0]  }
0x221: {  	v10 =	vld [tilespmem:s18+$0x720]  }
0x222: {  	v9 =	vld [tilespmem:s18+$0x740]  }
0x223: {  	v4 =	vld [tilespmem:s18+$0x8750]  }
0x224: {  	v5 =	vadd.f32 v7, v5;
	v7 =	vld [tilespmem:$0x1FFB0]  }
0x225: {  	v48 =	vld [tilespmem:s18+$0x86B0]  }
0x226: {  	v49 =	vld [tilespmem:s18+$0x106C0]  }
0x227: {  	v53 =	vld [tilespmem:s18+$0x710]  }
0x228: {  	v9 =	vadd.f32 v42, v9;
	v42 =	vld [tilespmem:s18+$0x86A0]  }
0x229: {  	v4 =	vadd.f32 v4, v43;
	v5 =	vsub.f32 v5, v7;
	v7 =	vld [tilespmem:$0x1FFC0]  }
0x22a: {  	v43 =	vld [tilespmem:s18+$0x6C0]  }
0x22b: {  	v4 =	vsub.f32 v4, v51;
	v51 =	vld [tilespmem:s18+$0x620]  }
0x22c: {  	v27 =	vld [tilespmem:s18+$0x6B0]  }
0x22d: {  	v25 =	vld [tilespmem:s18+$0x10630]  }
0x22e: {  	v23 =	vadd.f32 v23, v15;
	v15 =	vsub.f32 v30, v7;
	v7 =	vld [tilespmem:$0x1FFD0]  }
0x22f: {  	v28 =	vld [tilespmem:s18+$0x106A0]  }
0x230: {  	v44 =	vld [tilespmem:s18+$0x8700]  }
0x231: {  	v37 =	vld [tilespmem:s18+$0x106D0]  }
0x232: {  	v41 =	vld [tilespmem:s18+$0x6E0]  }
0x233: {  	v23 =	vsub.f32 v23, v7;
	v7 =	vld [tilespmem:$0x1FFE0]  }
0x234: {  	(xrf2) =	vadd.scan.msk.f32 $0xffff, v16;
	v59 =	vld [tilespmem:s18+$0x6A0]  }
0x235: {  	(xrf2) =	vadd.scan.msk.f32 $0xffff, v39;
	v63 =	vld [tilespmem:s18+$0x86C0]  }
0x236: {  	v3 =	vadd.f32 v3, v20;
	(xrf2) =	vadd.scan.msk.f32 $0xffff, v21;
	v20 =	vand.u32 $0x7FFFFFFF, v23;
	v23 =	vld [tilespmem:s18+$0x6D0]  }
0x237: {  	(xrf2) =	vadd.scan.msk.f32 $0xffff, v31;
	v31 =	vld [tilespmem:s18+$0x650]  }
0x238: {  	v9 =	vsub.f32 v9, v47;
	v30 =	vsub.f32 v46, v7;
	v7 =	vld [tilespmem:$0x1FFF0]  }
0x239: {  	v58 =	vld [tilespmem:s18+$0x670]  }
0x23a: {  	v10 =	vadd.f32 v35, v10;
	v9 =	vand.u32 $0x7FFFFFFF, v9;
	v38 =	vld [tilespmem:s18+$0x630];
	v16 =	vadd.f32 v63, v43  }
0x23b: {  	v19 =	vld [tilespmem:s18+$0x10620];
	v63 =	vadd.f32 v42, v59;
	v2 =	vand.u32 $0x7FFFFFFF, v30;
	v23 =	vadd.f32 v26, v23  }
0x23c: {  	v4 =	vand.u32 $0x7FFFFFFF, v4;
	v55 =	vld [tilespmem:s18+$0x8630];
	v26 =	vadd.f32 v50, v41;
	v2 =	vadd.f32 v2, v20  }
0x23d: {  	v5 =	vand.u32 $0x7FFFFFFF, v5;
	v50 =	vld [tilespmem:s18+$0x8680];
	v20 =	vadd.f32 v4, v9;
	v3 =	vsub.f32 v3, v7  }
0x23e: {  	v9 =	vld [tilespmem:s18+$0x10600];
	v2 =	vadd.f32 v5, v2;
	v5 =	vadd.f32 v32, v29  }
0x23f: {  	v16 =	vsub.f32 v16, v49;
	v4 =	vld [tilespmem:s18+$0x10610];
	v23 =	vsub.f32 v23, v37;
	v29 =	vand.u32 $0x7FFFFFFF, v57  }
0x240: {  	v57 =	vld [tilespmem:s18+$0x8620];
	v32 =	vsub.f32 v63, v28;
	v3 =	vand.u32 $0x7FFFFFFF, v3;
	v46 =	vsub.f32 v5, v1  }
0x241: {  	v28 =	vld [tilespmem:s18+$0x8640];
	v30 =	vadd.f32 v3, v20;
	v20 =	vsub.f32 v10, v33  }
0x242: {  	v1 =	vand.u32 $0x7FFFFFFF, v56;
	v56 =	vld [tilespmem:s18+$0x8690];
	v10 =	vadd.f32 v48, v27;
	v27 =	vadd.f32 v44, v52  }
0x243: {  	v26 =	vsub.f32 v26, v6;
	v6 =	vand.u32 $0x7FFFFFFF, v16;
	v2 =	vadd.f32 v29, v2;
	v29 =	vld [tilespmem:s18+$0x600]  }
0x244: {  	v48 =	vld [tilespmem:s18+$0x680];
	v10 =	vsub.f32 v10, v0;
	v0 =	vsub.f32 v27, v14;
	v14 =	vand.u32 $0x7FFFFFFF, v23  }
0x245: {  	v16 =	vadd.f32 v55, v38;
	v52 =	vld [tilespmem:s18+$0x690];
	v14 =	vadd.f32 v14, v6  }
0x246: {  	v26 =	vand.u32 $0x7FFFFFFF, v26;
	v33 =	vld [tilespmem:s18+$0x8610]  }
0x247: {  	v27 =	vld [tilespmem:s18+$0x8600];
	v23 =	vsub.f32 v16, v25;
	v16 =	vadd.f32 v26, v14  }
0x248: {  	v1 =	vadd.f32 v1, v30;
	v30 =	vld [tilespmem:s18+$0x610]  }
0x249: {  	v21 =	vadd.f32 v36, v58;
	v5 =	vld [tilespmem:s18+$0x8660];
	v6 =	vadd.f32 v54, v53  }
0x24a: {  	v3 =	vld [tilespmem:s18+$0x660];
	v25 =	vand.u32 $0x7FFFFFFF, v46;
	v35 =	vadd.f32 v50, v48;
	v36 =	vadd.f32 v56, v52;
	v14, _, _ =	vpop (xrf2)  }
0x24b: {  	s19 =	simm.s32 $0x18600;
	s20 =	simm.s32 $0x2000;
	v26 =	vld [tilespmem:s18+$0x640];
	v25 =	vadd.f32 v25, v16;
	(xrf2) =	vadd.scan.msk.f32 $0xffff, v34;
	v34 =	vadd.f32 v57, v51;
	v16, _, _ =	vpop (xrf2)  }
.LBB2_2:
0x24c: {  	v27 =	vadd.f32 v27, v29  }
0x24d: {  	v29 =	vld [tilespmem:s18+$0x8650];
	v22 =	vsub.f32 v35, v22;
	v30 =	vadd.f32 v33, v30  }
0x24e: {  	v63 =	vld [tilespmem:s18+$0x10640];
	v24 =	vsub.f32 v36, v24;
	v19 =	vsub.f32 v34, v19  }
0x24f: {  	v3 =	vadd.f32 v5, v3;
	v9 =	vsub.f32 v27, v9;
	v27 =	vld [tilespmem:s18+$0x10650]  }
0x250: {  	v4 =	vsub.f32 v30, v4;
	v30 =	vld [tilespmem:s18+$0x10660];
	v22 =	vand.u32 $0x7FFFFFFF, v22;
	v24 =	vand.u32 $0x7FFFFFFF, v24  }
0x251: {  	(xrf2) =	vadd.scan.msk.f32 $0xffff, v2;
	v32 =	vand.u32 $0x7FFFFFFF, v32;
	v5 =	vadd.f32 v24, v22;
	v22 =	vadd.f32 v28, v26  }
0x252: {  	v26 =	vld [tilespmem:s18+$0x10710];
	v9 =	vand.u32 $0x7FFFFFFF, v9;
	v4 =	vand.u32 $0x7FFFFFFF, v4;
	v24 =	vadd.f32 v29, v31  }
0x253: {  	v4 =	vadd.f32 v4, v9;
	v9 =	vld [tilespmem:s18+$0x10670];
	v5 =	vadd.f32 v32, v5  }
0x254: {  	v10 =	vand.u32 $0x7FFFFFFF, v10;
	v2, _, _ =	vpop (xrf2);
	(xrf2) =	vadd.scan.msk.f32 $0xffff, v1;
	v22 =	vsub.f32 v22, v63;
	v24 =	vsub.f32 v24, v27  }
0x255: {  	v19 =	vand.u32 $0x7FFFFFFF, v19;
	v3 =	vsub.f32 v3, v30;
	v5 =	vadd.f32 v10, v5;
	v10 =	vld [tilespmem:s18+$0x107D0]  }
0x256: {  	v4 =	vadd.f32 v19, v4;
	v19 =	vand.u32 $0x7FFFFFFF, v22;
	v22 =	vand.u32 $0x7FFFFFFF, v24;
	v24 =	vld [tilespmem:s18+$0x10730]  }
0x257: {  	v23 =	vand.u32 $0x7FFFFFFF, v23;
	v1, _, _ =	vpop (xrf2);
	(xrf2) =	vadd.scan.msk.f32 $0xffff, v25;
	v6 =	vsub.f32 v6, v26;
	v19 =	vadd.f32 v22, v19  }
0x258: {  	v0 =	vand.u32 $0x7FFFFFFF, v0;
	v25, _, _ =	vpop (xrf2);
	(xrf2) =	vadd.scan.msk.f32 $0xffff, v5;
	v3 =	vand.u32 $0x7FFFFFFF, v3;
	v5 =	vsub.f32 v21, v9;
	v9 =	vld [tilespmem:s18+$0x10890]  }
0x259: {  	v4 =	vadd.f32 v23, v4;
	v6 =	vand.u32 $0x7FFFFFFF, v6;
	v3 =	vadd.f32 v3, v19;
	v19 =	vld [tilespmem:s18+$0x107F0]  }
0x25a: {  	v0 =	vadd.f32 v6, v0;
	v5 =	vand.u32 $0x7FFFFFFF, v5;
	v6 =	vsub.f32 v17, v10  }
0x25b: {  	v21, _, _ =	vpop (xrf2);
	(xrf2) =	vadd.scan.msk.f32 $0xffff, v4;
	v4 =	vand.u32 $0x7FFFFFFF, v20;
	v10 =	vld [tilespmem:s18+$0x10950];
	v3 =	vadd.f32 v5, v3;
	v5 =	vsub.f32 v18, v24  }
0x25c: {  	v0 =	vadd.f32 v4, v0;
	v4 =	vand.u32 $0x7FFFFFFF, v15;
	v15 =	vld [tilespmem:s18+$0x108B0];
	v6 =	vand.u32 $0x7FFFFFFF, v6  }
0x25d: {  	v4 =	vadd.f32 v6, v4;
	v6 =	vsub.f32 v12, v9;
	v5 =	vand.u32 $0x7FFFFFFF, v5  }
0x25e: {  	v17, _, _ =	vpop (xrf2);
	(xrf2) =	vadd.scan.msk.f32 $0xffff, v3;
	v3 =	vand.u32 $0x7FFFFFFF, v13;
	v0 =	vadd.f32 v5, v0;
	v5 =	vsub.f32 v8, v19  }
0x25f: {  	v3 =	vadd.f32 v3, v4;
	v4 =	vand.u32 $0x7FFFFFFF, v11;
	v6 =	vand.u32 $0x7FFFFFFF, v6  }
0x260: {  	v4 =	vadd.f32 v6, v4;
	v6 =	vsub.f32 v40, v10;
	v5 =	vand.u32 $0x7FFFFFFF, v5  }
0x261: {  	v9, _, _ =	vpop (xrf2);
	(xrf2) =	vadd.scan.msk.f32 $0xffff, v0;
	v0 =	vadd.f32 v5, v3;
	v3 =	vand.u32 $0x7FFFFFFF, v60;
	v5 =	vsub.f32 v45, v15  }
0x262: {  	v6 =	vand.u32 $0x7FFFFFFF, v6;
	v3 =	vadd.f32 v3, v4;
	v4 =	vand.u32 $0x7FFFFFFF, v62  }
0x263: {  	v7 =	vld [tilespmem:s18+$0x109D0];
	v5 =	vand.u32 $0x7FFFFFFF, v5;
	v4 =	vadd.f32 v6, v4  }
0x264: {  	v10 =	vld [tilespmem:s18+$0x109E0];
	v8, _, _ =	vpop (xrf2);
	(xrf2) =	vadd.scan.msk.f32 $0xffff, v0;
	v0 =	vadd.f32 v5, v3;
	v3 =	vand.u32 $0x7FFFFFFF, v61  }
0x265: {  	v3 =	vadd.f32 v3, v4;
	v4 =	vld [tilespmem:$0x1FCE0]  }
0x266: {  	v11 =	vld [tilespmem:s18+$0x10970]  }
0x267: {  	v6 =	vld [tilespmem:$0x1FD10]  }
0x268: {  	v5 =	vld [tilespmem:$0x1FD20];
	_ =	sdelay $0x1  }
0x269: {  	v4 =	vsub.f32 v4, v10;
	v10 =	vld [tilespmem:$0x1FD00];
	_ =	sdelay $0x1  }
0x26a: {  	v6 =	vsub.f32 v6, v7  }
0x26b: {  	v7, _, _ =	vpop (xrf2);
	v12 =	vsub.f32 v5, v11  }
0x26c: {  	v5, _, _ =	vpop (xrf2);
	v6 =	vand.u32 $0x7FFFFFFF, v6  }
0x26d: {  	v5 =	vbroadcast v5, $0xF;
	v11 =	vand.u32 $0x7FFFFFFF, v12;
	v10 =	vand.u32 $0x7FFFFFFF, v10  }
0x26e: {  	(xrf2) =	vadd.scan.msk.f32 $0xffff, v0;
	v0 =	vadd.f32 v11, v3;
	v3 =	vadd.f32 v6, v10;
	v10 =	vbroadcast v7, $0xF;
	_ =	sdelay $0x1  }
0x26f: {  	(xrf2) =	vadd.scan.msk.f32 $0xffff, v0;
	v0 =	vsel vm0, v10, v5;
	v5 =	vld [tilespmem:$0x1FCF0];
	_ =	sdelay $0x2  }
0x270: {  	v4 =	vand.u32 $0x7FFFFFFF, v4  }
0x271: {  	v7 =	vbroadcast v8, $0xF;
	v3 =	vadd.f32 v4, v3  }
0x272: {  	v6, _, _ =	vpop (xrf2);
	v4 =	vbroadcast v9, $0xF;
	v5 =	vand.u32 $0x7FFFFFFF, v5  }
0x273: {  	v0 =	vsel vm1, v0, v7;
	v7 =	vbroadcast v6, $0xF;
	v3 =	vadd.f32 v5, v3  }
0x274: {  	v0 =	vsel vm2, v0, v4;
	v4 =	vbroadcast v17, $0xF  }
0x275: {  	v6, _, _ =	vpop (xrf2);
	v0 =	vsel vm3, v0, v7;
	v5 =	vbroadcast v21, $0xF;
	(xrf2) =	vadd.scan.msk.f32 $0xffff, v3  }
0x276: {  	v6 =	vbroadcast v6, $0xF;
	v0 =	vsel vm4, v0, v4  }
0x277: {  	v4 =	vbroadcast v25, $0xF;
	v0 =	vsel vm5, v0, v5  }
0x278: {  	v1 =	vbroadcast v1, $0xF;
	v0 =	vsel vm6, v0, v6;
	v3, _, _ =	vpop (xrf2)  }
0x279: {  	v0 =	vsel vm7, v0, v4;
	v4 =	vbroadcast v3, $0xF  }
0x27a: {  	v0 =	vsel vm8, v0, v1;
	v1 =	vbroadcast v2, $0xF  }
0x27b: {  	v2 =	vbroadcast v16, $0xF;
	v3, _, _ =	vpop (xrf2);
	v0 =	vsel vm9, v0, v4  }
0x27c: {  	v3 =	vbroadcast v3, $0xF;
	v0 =	vsel vm10, v0, v1  }
0x27d: {  	v0 =	vsel vm11, v0, v2;
	v2 =	vbroadcast v14, $0xF  }
0x27e: {  	v0 =	vsel vm12, v0, v3  }
0x27f: {  	v0 =	vsel vm13, v0, v2;
	v1, _, _ =	vpop (xrf2)  }
0x280: {  	s19 =	sadd.s32 $0x10, s19;
	v0 =	vsel vm14, v0, v1  }
0x281: {  	s18 =	sshra.s32 s20, $0x2;
	[tilespmem:s19+$0x0] =	vst v0  }
0x282: {  	v0 =	vld [tilespmem:s18+$0x109F0];
	_ =	sdelay $0x4  }
0x283: {  	[tilespmem:$0x1F6B0] =	vst v0;
	v0 =	vld [tilespmem:s18+$0x9F0];
	_ =	sdelay $0x4  }
0x284: {  	[tilespmem:$0x1F680] =	vst v0;
	v0 =	vld [tilespmem:s18+$0x109B0];
	_ =	sdelay $0x4  }
0x285: {  	[tilespmem:$0x1F6E0] =	vst v0;
	v0 =	vld [tilespmem:s18+$0x109C0];
	_ =	sdelay $0x4  }
0x286: {  	[tilespmem:$0x1F720] =	vst v0;
	v0 =	vld [tilespmem:s18+$0x9E0];
	_ =	sdelay $0x4  }
0x287: {  	[tilespmem:$0x1F690] =	vst v0;
	v0 =	vld [tilespmem:s18+$0x89E0];
	_ =	sdelay $0x4  }
0x288: {  	[tilespmem:$0x1F6A0] =	vst v0;
	v0 =	vld [tilespmem:s18+$0x109A0];
	_ =	sdelay $0x4  }
0x289: {  	[tilespmem:$0x1F710] =	vst v0;
	v0 =	vld [tilespmem:s18+$0x9B0];
	_ =	sdelay $0x4  }
0x28a: {  	[tilespmem:$0x1F6C0] =	vst v0;
	v0 =	vld [tilespmem:s18+$0x89B0];
	_ =	sdelay $0x4  }
0x28b: {  	[tilespmem:$0x1F6D0] =	vst v0;
	v0 =	vld [tilespmem:s18+$0x9C0];
	_ =	sdelay $0x4  }
0x28c: {  	[tilespmem:$0x1F6F0] =	vst v0;
	v0 =	vld [tilespmem:s18+$0x89C0];
	_ =	sdelay $0x4  }
0x28d: {  	[tilespmem:$0x1F700] =	vst v0;
	v0 =	vld [tilespmem:s18+$0x9D0];
	_ =	sdelay $0x4  }
0x28e: {  	[tilespmem:$0x1F740] =	vst v0;
	v0 =	vld [tilespmem:s18+$0x89D0];
	_ =	sdelay $0x4  }
0x28f: {  	[tilespmem:$0x1F750] =	vst v0;
	v0 =	vld [tilespmem:s18+$0x10930];
	_ =	sdelay $0x4  }
0x290: {  	[tilespmem:$0x1F760] =	vst v0;
	v0 =	vld [tilespmem:s18+$0x970];
	_ =	sdelay $0x4  }
0x291: {  	[tilespmem:$0x1F770] =	vst v0;
	v0 =	vld [tilespmem:s18+$0x8970];
	_ =	sdelay $0x4  }
0x292: {  	[tilespmem:$0x1F780] =	vst v0;
	v0 =	vld [tilespmem:s18+$0x108F0];
	_ =	sdelay $0x4  }
0x293: {  	[tilespmem:$0x1F7A0] =	vst v0;
	v0 =	vld [tilespmem:s18+$0x10920];
	_ =	sdelay $0x4  }
0x294: {  	[tilespmem:$0x1F7C0] =	vst v0;
	v0 =	vld [tilespmem:s18+$0x930];
	_ =	sdelay $0x4  }
0x295: {  	[tilespmem:$0x1F730] =	vst v0;
	v0 =	vld [tilespmem:s18+$0x10940];
	_ =	sdelay $0x4  }
0x296: {  	[tilespmem:$0x1F7D0] =	vst v0;
	v0 =	vld [tilespmem:s18+$0x108E0];
	_ =	sdelay $0x4  }
0x297: {  	[tilespmem:$0x1F7F0] =	vst v0;
	v0 =	vld [tilespmem:s18+$0x10900];
	_ =	sdelay $0x4  }
0x298: {  	[tilespmem:$0x1F790] =	vst v0;
	v0 =	vld [tilespmem:s18+$0x10910];
	_ =	sdelay $0x4  }
0x299: {  	[tilespmem:$0x1F7B0] =	vst v0;
	v0 =	vld [tilespmem:s18+$0x950];
	_ =	sdelay $0x4  }
0x29a: {  	[tilespmem:$0x1F800] =	vst v0;
	v0 =	vld [tilespmem:s18+$0x8950];
	_ =	sdelay $0x4  }
0x29b: {  	[tilespmem:$0x1F810] =	vst v0;
	v0 =	vld [tilespmem:s18+$0x10870];
	_ =	sdelay $0x4  }
0x29c: {  	[tilespmem:$0x1F840] =	vst v0;
	v0 =	vld [tilespmem:s18+$0x108A0];
	_ =	sdelay $0x4  }
0x29d: {  	[tilespmem:$0x1F850] =	vst v0;
	v0 =	vld [tilespmem:s18+$0x8B0];
	_ =	sdelay $0x4  }
0x29e: {  	[tilespmem:$0x1F820] =	vst v0;
	v0 =	vld [tilespmem:s18+$0x88B0];
	_ =	sdelay $0x4  }
0x29f: {  	[tilespmem:$0x1F830] =	vst v0;
	v0 =	vld [tilespmem:s18+$0x108C0];
	_ =	sdelay $0x4  }
0x2a0: {  	[tilespmem:$0x1F7E0] =	vst v0;
	v0 =	vld [tilespmem:s18+$0x10830];
	_ =	sdelay $0x4  }
0x2a1: {  	[tilespmem:$0x1F860] =	vst v0;
	v0 =	vld [tilespmem:s18+$0x10860];
	_ =	sdelay $0x4  }
0x2a2: {  	[tilespmem:$0x1F890] =	vst v0;
	v0 =	vld [tilespmem:s18+$0x10880];
	_ =	sdelay $0x4  }
0x2a3: {  	[tilespmem:$0x1F8A0] =	vst v0;
	v0 =	vld [tilespmem:s18+$0x10820];
	_ =	sdelay $0x4  }
0x2a4: {  	[tilespmem:$0x1F8F0] =	vst v0;
	v0 =	vld [tilespmem:s18+$0x10840];
	_ =	sdelay $0x4  }
0x2a5: {  	[tilespmem:$0x1F870] =	vst v0;
	v0 =	vld [tilespmem:s18+$0x10850];
	_ =	sdelay $0x4  }
0x2a6: {  	[tilespmem:$0x1F880] =	vst v0;
	v0 =	vld [tilespmem:s18+$0x890];
	_ =	sdelay $0x4  }
0x2a7: {  	[tilespmem:$0x1F8B0] =	vst v0;
	v0 =	vld [tilespmem:s18+$0x107B0];
	_ =	sdelay $0x4  }
0x2a8: {  	[tilespmem:$0x1F900] =	vst v0;
	v0 =	vld [tilespmem:s18+$0x107E0];
	_ =	sdelay $0x4  }
0x2a9: {  	[tilespmem:$0x1F910] =	vst v0;
	v0 =	vld [tilespmem:s18+$0x7F0];
	_ =	sdelay $0x4  }
0x2aa: {  	[tilespmem:$0x1F8D0] =	vst v0;
	v0 =	vld [tilespmem:s18+$0x87F0];
	_ =	sdelay $0x4  }
0x2ab: {  	[tilespmem:$0x1F8E0] =	vst v0;
	v0 =	vld [tilespmem:s18+$0x10800];
	_ =	sdelay $0x4  }
0x2ac: {  	[tilespmem:$0x1F8C0] =	vst v0;
	v0 =	vld [tilespmem:s18+$0x10770];
	_ =	sdelay $0x4  }
0x2ad: {  	[tilespmem:$0x1F920] =	vst v0;
	v0 =	vld [tilespmem:s18+$0x107A0];
	_ =	sdelay $0x4  }
0x2ae: {  	[tilespmem:$0x1F930] =	vst v0;
	v0 =	vld [tilespmem:s18+$0x107C0];
	_ =	sdelay $0x4  }
0x2af: {  	[tilespmem:$0x1F940] =	vst v0;
	v0 =	vld [tilespmem:s18+$0x10760];
	_ =	sdelay $0x4  }
0x2b0: {  	[tilespmem:$0x1F990] =	vst v0;
	v0 =	vld [tilespmem:s18+$0x10780];
	_ =	sdelay $0x3  }
0x2b1: {  	v7 =	vld [tilespmem:s18+$0x7D0]  }
0x2b2: {  	[tilespmem:$0x1F950] =	vst v0;
	v0 =	vld [tilespmem:s18+$0x10790];
	_ =	sdelay $0x2  }
0x2b3: {  	v49 =	vld [tilespmem:s18+$0x89F0]  }
0x2b4: {  	[tilespmem:$0x1F970] =	vst v7;
	v7 =	vld [tilespmem:s18+$0x87D0]  }
0x2b5: {  	[tilespmem:$0x1F960] =	vst v0;
	v0 =	vld [tilespmem:$0x1F680];
	_ =	sdelay $0x3  }
0x2b6: {  	[tilespmem:$0x1F980] =	vst v7;
	v7 =	vld [tilespmem:$0x1F6A0]  }
0x2b7: {  	v0 =	vadd.f32 v49, v0;
	v49 =	vld [tilespmem:$0x1F690];
	_ =	sdelay $0x4  }
0x2b8: {  	v49 =	vadd.f32 v7, v49  }
0x2b9: {  	v14 =	vld [tilespmem:s18+$0x990]  }
0x2ba: {  	[tilespmem:$0x1FCE0] =	vst v49;
	v49 =	vld [tilespmem:$0x1F6B0]  }
0x2bb: {  	v10 =	vld [tilespmem:s18+$0x8990];
	_ =	sdelay $0x2  }
0x2bc: {  	v19 =	vld [tilespmem:s18+$0x980]  }
0x2bd: {  	v18 =	vld [tilespmem:s18+$0x8980];
	v0 =	vsub.f32 v0, v49  }
0x2be: {  	v10 =	vadd.f32 v10, v14;
	v14 =	vld [tilespmem:s18+$0x10720]  }
0x2bf: {  	[tilespmem:$0x1FCF0] =	vst v0;
	v0 =	vld [tilespmem:s18+$0x106F0]  }
0x2c0: {  	v27 =	vld [tilespmem:s18+$0x9A0]  }
0x2c1: {  	v25 =	vld [tilespmem:s18+$0x89A0];
	_ =	sdelay $0x1  }
0x2c2: {  	[tilespmem:$0x1F9B0] =	vst v14;
	v14 =	vld [tilespmem:$0x1F6C0]  }
0x2c3: {  	[tilespmem:$0x1F9A0] =	vst v0;
	v0 =	vadd.f32 v18, v19;
	v18 =	vld [tilespmem:$0x1F6D0]  }
0x2c4: {  	v36 =	vld [tilespmem:s18+$0x10980]  }
0x2c5: {  	v19 =	vadd.f32 v25, v27;
	v27 =	vld [tilespmem:$0x1F6E0];
	_ =	sdelay $0x2  }
0x2c6: {  	v34 =	vld [tilespmem:s18+$0x10990];
	v25 =	vadd.f32 v18, v14  }
0x2c7: {  	v0 =	vsub.f32 v0, v36;
	v36 =	vld [tilespmem:$0x1F700]  }
0x2c8: {  	v25 =	vsub.f32 v25, v27;
	v27 =	vld [tilespmem:$0x1F6F0];
	_ =	sdelay $0x1  }
0x2c9: {  	v7 =	vld [tilespmem:$0x1F720];
	_ =	sdelay $0x1  }
0x2ca: {  	v10 =	vsub.f32 v10, v34  }
0x2cb: {  	v36 =	vadd.f32 v36, v27  }
0x2cc: {  	v59 =	vld [tilespmem:s18+$0x8930];
	v10 =	vand.u32 $0x7FFFFFFF, v10;
	v0 =	vand.u32 $0x7FFFFFFF, v0  }
0x2cd: {  	v0 =	vadd.f32 v10, v0;
	v10 =	vsub.f32 v36, v7;
	v7 =	vld [tilespmem:$0x1F730];
	_ =	sdelay $0x3  }
0x2ce: {  	v49 =	vld [tilespmem:$0x1F710]  }
0x2cf: {  	[tilespmem:$0x1FD00] =	vst v10;
	v10 =	vadd.f32 v59, v7;
	v7 =	vld [tilespmem:$0x1F740]  }
0x2d0: {  	v59 =	vld [tilespmem:$0x1F750];
	_ =	sdelay $0x4  }
0x2d1: {  	v19 =	vsub.f32 v19, v49;
	v49 =	vadd.f32 v59, v7;
	v7 =	vld [tilespmem:$0x1F760];
	_ =	sdelay $0x3  }
0x2d2: {  	v19 =	vand.u32 $0x7FFFFFFF, v19  }
0x2d3: {  	v0 =	vadd.f32 v19, v0;
	v19 =	vsub.f32 v10, v7;
	v7 =	vld [tilespmem:$0x1F770]  }
0x2d4: {  	v10 =	vld [tilespmem:$0x1F780];
	_ =	sdelay $0x4  }
0x2d5: {  	v7 =	vadd.f32 v10, v7;
	_ =	sdelay $0x1  }
0x2d6: {  	[tilespmem:$0x1FD20] =	vst v7;
	v7 =	vld [tilespmem:s18+$0x106B0]  }
0x2d7: {  	v54 =	vld [tilespmem:s18+$0x960]  }
0x2d8: {  	v17 =	vld [tilespmem:s18+$0x900]  }
0x2d9: {  	v11 =	vld [tilespmem:s18+$0x8900]  }
0x2da: {  	v62 =	vld [tilespmem:s18+$0x8960]  }
0x2db: {  	[tilespmem:$0x1F9C0] =	vst v7;
	v7 =	vld [tilespmem:$0x1F790]  }
0x2dc: {  	v61 =	vld [tilespmem:s18+$0x10960]  }
0x2dd: {  	v58 =	vld [tilespmem:s18+$0x8F0]  }
0x2de: {  	v48 =	vld [tilespmem:s18+$0x88F0];
	v11 =	vadd.f32 v11, v17;
	_ =	sdelay $0x1  }
0x2df: {  	v54 =	vadd.f32 v62, v54;
	v11 =	vsub.f32 v11, v7;
	v7 =	vld [tilespmem:$0x1F7A0];
	_ =	sdelay $0x1  }
0x2e0: {  	v16 =	vld [tilespmem:s18+$0x910];
	v61 =	vsub.f32 v54, v61;
	v25 =	vand.u32 $0x7FFFFFFF, v25  }
0x2e1: {  	v8 =	vld [tilespmem:s18+$0x8910];
	v54 =	vadd.f32 v25, v0;
	v25 =	vadd.f32 v48, v58;
	_ =	sdelay $0x1  }
0x2e2: {  	v25 =	vsub.f32 v25, v7;
	v7 =	vld [tilespmem:$0x1F7B0];
	_ =	sdelay $0x1  }
0x2e3: {  	v45 =	vld [tilespmem:s18+$0x920]  }
0x2e4: {  	v37 =	vld [tilespmem:s18+$0x8920];
	v8 =	vadd.f32 v8, v16;
	_ =	sdelay $0x1  }
0x2e5: {  	v8 =	vsub.f32 v8, v7;
	v7 =	vld [tilespmem:$0x1F7C0];
	_ =	sdelay $0x1  }
0x2e6: {  	v46 =	vld [tilespmem:s18+$0x940]  }
0x2e7: {  	v41 =	vld [tilespmem:s18+$0x8940];
	v16 =	vadd.f32 v37, v45;
	_ =	sdelay $0x1  }
0x2e8: {  	v48 =	vsub.f32 v16, v7;
	v7 =	vld [tilespmem:$0x1F7D0]  }
0x2e9: {  	v53 =	vld [tilespmem:s18+$0x108D0]  }
0x2ea: {  	v13 =	vld [tilespmem:s18+$0x8C0]  }
0x2eb: {  	v6 =	vld [tilespmem:s18+$0x88C0];
	v62 =	vadd.f32 v41, v46  }
0x2ec: {  	v3 =	vld [tilespmem:s18+$0x8D0]  }
0x2ed: {  	v62 =	vsub.f32 v62, v7;
	v7 =	vld [tilespmem:$0x1F7E0]  }
0x2ee: {  	v1 =	vld [tilespmem:s18+$0x88D0]  }
0x2ef: {  	v40 =	vld [tilespmem:s18+$0x8E0]  }
0x2f0: {  	v28 =	vld [tilespmem:s18+$0x88E0];
	v6 =	vadd.f32 v6, v13  }
0x2f1: {  	v51 =	vld [tilespmem:s18+$0x870]  }
0x2f2: {  	v6 =	vsub.f32 v6, v7;
	v7 =	vld [tilespmem:$0x1F7F0]  }
0x2f3: {  	v60 =	vld [tilespmem:s18+$0x8870];
	v3 =	vadd.f32 v1, v3  }
0x2f4: {  	v57 =	vld [tilespmem:s18+$0x8A0]  }
0x2f5: {  	v47 =	vld [tilespmem:s18+$0x88A0];
	v13 =	vsub.f32 v3, v53;
	v1 =	vand.u32 $0x7FFFFFFF, v8;
	v8 =	vadd.f32 v28, v40  }
0x2f6: {  	v30 =	vld [tilespmem:s18+$0x830]  }
0x2f7: {  	v29 =	vld [tilespmem:s18+$0x8830];
	v13 =	vand.u32 $0x7FFFFFFF, v13;
	v6 =	vand.u32 $0x7FFFFFFF, v6;
	v8 =	vsub.f32 v8, v7  }
0x2f8: {  	v43 =	vld [tilespmem:s18+$0x860];
	v6 =	vadd.f32 v13, v6  }
0x2f9: {  	v39 =	vld [tilespmem:s18+$0x8860];
	v11 =	vand.u32 $0x7FFFFFFF, v11;
	v8 =	vand.u32 $0x7FFFFFFF, v8  }
0x2fa: {  	v11 =	vadd.f32 v1, v11;
	v6 =	vadd.f32 v8, v6;
	v8 =	vld [tilespmem:$0x1F840]  }
0x2fb: {  	v28 =	vand.u32 $0x7FFFFFFF, v48;
	v48 =	vld [tilespmem:$0x1F830]  }
0x2fc: {  	v11 =	vadd.f32 v28, v11;
	v28 =	vld [tilespmem:$0x1F820]  }
0x2fd: {  	v44 =	vld [tilespmem:s18+$0x880];
	v13 =	vand.u32 $0x7FFFFFFF, v19;
	v19 =	vadd.f32 v60, v51  }
0x2fe: {  	v38 =	vld [tilespmem:s18+$0x8880]  }
0x2ff: {  	v19 =	vsub.f32 v19, v8;
	v8 =	vld [tilespmem:$0x1F850]  }
0x300: {  	v52 =	vld [tilespmem:s18+$0x8890]  }
0x301: {  	v56 =	vld [tilespmem:s18+$0x10810];
	v45 =	vadd.f32 v48, v28  }
0x302: {  	v35 =	vld [tilespmem:s18+$0x820];
	v48 =	vadd.f32 v13, v11;
	v11 =	vadd.f32 v47, v57  }
0x303: {  	v32 =	vld [tilespmem:s18+$0x8820]  }
0x304: {  	v60 =	vsub.f32 v11, v8;
	v8 =	vld [tilespmem:$0x1F860]  }
0x305: {  	v15 =	vld [tilespmem:s18+$0x840]  }
0x306: {  	v9 =	vld [tilespmem:s18+$0x8840]  }
0x307: {  	v12 =	vld [tilespmem:s18+$0x850];
	v13 =	vadd.f32 v29, v30  }
0x308: {  	v5 =	vld [tilespmem:s18+$0x8850]  }
0x309: {  	v47 =	vsub.f32 v13, v8;
	v8 =	vld [tilespmem:$0x1F870]  }
0x30a: {  	v55 =	vld [tilespmem:s18+$0x7B0]  }
0x30b: {  	v63 =	vld [tilespmem:s18+$0x87B0]  }
0x30c: {  	v42 =	vld [tilespmem:s18+$0x7E0];
	v9 =	vadd.f32 v9, v15  }
0x30d: {  	v33 =	vld [tilespmem:s18+$0x87E0]  }
0x30e: {  	v9 =	vsub.f32 v9, v8;
	v8 =	vld [tilespmem:$0x1F880]  }
0x30f: {  	v50 =	vld [tilespmem:s18+$0x800]  }
0x310: {  	v4 =	vld [tilespmem:s18+$0x8800]  }
0x311: {  	v2 =	vld [tilespmem:s18+$0x810];
	v5 =	vadd.f32 v5, v12  }
0x312: {  	v24 =	vld [tilespmem:s18+$0x8810]  }
0x313: {  	v5 =	vsub.f32 v5, v8;
	v8 =	vld [tilespmem:$0x1F890]  }
0x314: {  	v22 =	vld [tilespmem:s18+$0x770]  }
0x315: {  	v20 =	vld [tilespmem:s18+$0x8770]  }
0x316: {  	v31 =	vld [tilespmem:s18+$0x7A0];
	v11 =	vadd.f32 v39, v43  }
0x317: {  	v26 =	vld [tilespmem:s18+$0x87A0]  }
0x318: {  	v13 =	vsub.f32 v11, v8;
	v8 =	vld [tilespmem:$0x1F8A0]  }
0x319: {  	v23 =	vld [tilespmem:s18+$0x7C0]  }
0x31a: {  	v21 =	vld [tilespmem:s18+$0x87C0]  }
0x31b: {  	v17 =	vld [tilespmem:s18+$0x8790];
	v12 =	vadd.f32 v38, v44  }
0x31c: {  	v41 =	vld [tilespmem:s18+$0x6F0]  }
0x31d: {  	v11 =	vsub.f32 v12, v8;
	v8 =	vld [tilespmem:$0x1F8B0]  }
0x31e: {  	v37 =	vld [tilespmem:s18+$0x10700]  }
0x31f: {  	v38 =	vld [tilespmem:s18+$0x106D0]  }
0x320: {  	v44 =	vld [tilespmem:s18+$0x700]  }
0x321: {  	v15 =	vadd.f32 v32, v35;
	v32 =	vld [tilespmem:s18+$0x8700]  }
0x322: {  	v12 =	vadd.f32 v52, v8;
	v8 =	vld [tilespmem:$0x1F8C0]  }
0x323: {  	v35 =	vld [tilespmem:s18+$0x710]  }
0x324: {  	v4 =	vadd.f32 v4, v50;
	v50 =	vld [tilespmem:s18+$0x8710]  }
0x325: {  	v2 =	vadd.f32 v24, v2;
	v24 =	vld [tilespmem:s18+$0x10690];
	v9 =	vand.u32 $0x7FFFFFFF, v9;
	v5 =	vand.u32 $0x7FFFFFFF, v5  }
0x326: {  	v5 =	vadd.f32 v5, v9;
	v9 =	vand.u32 $0x7FFFFFFF, v13;
	v13 =	vld [tilespmem:$0x1F8E0]  }
0x327: {  	v4 =	vsub.f32 v4, v8;
	v8 =	vld [tilespmem:$0x1F8D0]  }
0x328: {  	v34 =	vld [tilespmem:s18+$0x10750]  }
0x329: {  	v3 =	vld [tilespmem:s18+$0x8720]  }
0x32a: {  	v53 =	vld [tilespmem:s18+$0x740]  }
0x32b: {  	v2 =	vsub.f32 v2, v56;
	v56 =	vld [tilespmem:s18+$0x630]  }
0x32c: {  	v8 =	vadd.f32 v13, v8;
	v13 =	vld [tilespmem:$0x1F8F0]  }
0x32d: {  	v46 =	vld [tilespmem:$0x1F810]  }
0x32e: {  	v18 =	vld [tilespmem:s18+$0x730]  }
0x32f: {  	v14 =	vld [tilespmem:s18+$0x8730]  }
0x330: {  	v2 =	vand.u32 $0x7FFFFFFF, v2;
	v0 =	vld [tilespmem:s18+$0x790]  }
0x331: {  	v58 =	vld [tilespmem:s18+$0x106E0];
	v5 =	vadd.f32 v9, v5;
	v4 =	vand.u32 $0x7FFFFFFF, v4;
	v13 =	vsub.f32 v15, v13  }
0x332: {  	v27 =	vld [tilespmem:s18+$0x10740];
	v9 =	vand.u32 $0x7FFFFFFF, v19;
	v2 =	vadd.f32 v2, v4  }
0x333: {  	v36 =	vld [tilespmem:s18+$0x760];
	v52 =	vadd.f32 v9, v5;
	v9 =	vand.u32 $0x7FFFFFFF, v13  }
0x334: {  	v2 =	vadd.f32 v9, v2;
	v9 =	vld [tilespmem:$0x1F900]  }
0x335: {  	v59 =	vld [tilespmem:s18+$0x8760]  }
0x336: {  	[tilespmem:$0x1FD10] =	vst v49;
	v49 =	vld [tilespmem:s18+$0x780]  }
0x337: {  	v10 =	vld [tilespmem:s18+$0x8780];
	v4 =	vadd.f32 v63, v55  }
0x338: {  	(xrf2) =	vadd.scan.msk.f32 $0xffff, v54;
	v54 =	vld [tilespmem:s18+$0x690]  }
0x339: {  	v15 =	vadd.f32 v20, v22;
	v20 =	vsub.f32 v4, v9;
	v4 =	vld [tilespmem:$0x1F910]  }
0x33a: {  	v0 =	vadd.f32 v17, v0;
	v17 =	vld [tilespmem:$0x1F970]  }
0x33b: {  	v36 =	vadd.f32 v59, v36;
	v59 =	vld [tilespmem:s18+$0x6D0]  }
0x33c: {  	v5 =	vadd.f32 v33, v42;
	v9 =	vadd.f32 v10, v49;
	v10 =	vld [tilespmem:$0x1F930]  }
0x33d: {  	v40 =	vld [tilespmem:s18+$0x8740]  }
0x33e: {  	v1 =	vld [tilespmem:s18+$0x720];
	v13 =	vsub.f32 v5, v4;
	v4 =	vand.u32 $0x7FFFFFFF, v47  }
0x33f: {  	v16 =	vld [tilespmem:s18+$0x86F0];
	v55 =	vadd.f32 v4, v2;
	v2 =	vadd.f32 v26, v31  }
0x340: {  	v5 =	vld [tilespmem:$0x1F920]  }
0x341: {  	v2 =	vsub.f32 v2, v10;
	v10 =	vld [tilespmem:$0x1F940]  }
0x342: {  	v28 =	vld [tilespmem:s18+$0x10630]  }
0x343: {  	v51 =	vld [tilespmem:s18+$0x8750]  }
0x344: {  	v7 =	vld [tilespmem:$0x1F800];
	v4 =	vadd.f32 v21, v23  }
0x345: {  	v29 =	vand.u32 $0x7FFFFFFF, v25;
	v25 =	vld [tilespmem:s18+$0x106A0]  }
0x346: {  	v5 =	vsub.f32 v15, v5;
	v15 =	vsub.f32 v4, v10;
	v4 =	vld [tilespmem:$0x1F950]  }
0x347: {  	v57 =	vld [tilespmem:s18+$0x86B0]  }
0x348: {  	v30 =	vld [tilespmem:s18+$0x106C0]  }
0x349: {  	v7 =	vadd.f32 v46, v7;
	v46 =	vld [tilespmem:s18+$0x750]  }
0x34a: {  	v6 =	vadd.f32 v29, v6;
	v29 =	vld [tilespmem:s18+$0x6B0]  }
0x34b: {  	v4 =	vsub.f32 v9, v4;
	v9 =	vld [tilespmem:$0x1F960]  }
0x34c: {  	v39 =	vld [tilespmem:s18+$0x6E0]  }
0x34d: {  	v43 =	vld [tilespmem:s18+$0x86E0]  }
0x34e: {  	v19 =	vld [tilespmem:s18+$0x10620]  }
0x34f: {  	v33 =	vld [tilespmem:s18+$0x8630]  }
0x350: {  	v42 =	vld [tilespmem:s18+$0x670];
	v0 =	vsub.f32 v0, v9  }
0x351: {  	v63 =	vld [tilespmem:s18+$0x86D0]  }
0x352: {  	v22 =	vld [tilespmem:s18+$0x10680];
	v4 =	vand.u32 $0x7FFFFFFF, v4;
	v0 =	vand.u32 $0x7FFFFFFF, v0  }
0x353: {  	v49 =	vld [tilespmem:s18+$0x620];
	v0 =	vadd.f32 v0, v4  }
0x354: {  	v47 =	vld [tilespmem:s18+$0x8670];
	v2 =	vand.u32 $0x7FFFFFFF, v2  }
0x355: {  	v21 =	vld [tilespmem:s18+$0x6A0];
	v0 =	vadd.f32 v2, v0  }
0x356: {  	v23 =	vld [tilespmem:s18+$0x86A0];
	v2 =	vand.u32 $0x7FFFFFFF, v20  }
0x357: {  	v2 =	vadd.f32 v2, v0;
	v0 =	vld [tilespmem:$0x1F9A0]  }
0x358: {  	v4 =	vld [tilespmem:$0x1F990]  }
0x359: {  	v26 =	vadd.f32 v51, v46;
	v31 =	vld [tilespmem:s18+$0x86C0];
	v9 =	vadd.f32 v40, v53  }
0x35a: {  	v16 =	vadd.f32 v16, v41;
	v51 =	vld [tilespmem:s18+$0x8620]  }
0x35b: {  	v26 =	vsub.f32 v26, v34;
	v53 =	vld [tilespmem:$0x1F980];
	v27 =	vsub.f32 v9, v27  }
0x35c: {  	v18 =	vadd.f32 v14, v18;
	v16 =	vsub.f32 v16, v0;
	v0 =	vld [tilespmem:$0x1F9B0]  }
0x35d: {  	v26 =	vand.u32 $0x7FFFFFFF, v26;
	v10 =	vld [tilespmem:s18+$0x6C0];
	v14 =	vand.u32 $0x7FFFFFFF, v27;
	v27 =	vsub.f32 v36, v4  }
0x35e: {  	v40 =	vmov v7;
	v7 =	vld [tilespmem:$0x1F9C0];
	v14 =	vadd.f32 v26, v14  }
0x35f: {  	v1 =	vadd.f32 v3, v1;
	v26 =	vadd.f32 v57, v29;
	v57 =	vld [tilespmem:s18+$0x8690];
	v3 =	vand.u32 $0x7FFFFFFF, v27  }
0x360: {  	v34 =	vadd.f32 v51, v49;
	v9 =	vld [tilespmem:s18+$0x10600];
	v14 =	vadd.f32 v3, v14  }
0x361: {  	v17 =	vadd.f32 v53, v17;
	v53 =	vld [tilespmem:s18+$0x680];
	v20 =	vsub.f32 v1, v0;
	v0 =	vand.u32 $0x7FFFFFFF, v5  }
0x362: {  	(xrf2) =	vadd.scan.msk.f32 $0xffff, v48;
	v29 =	vadd.f32 v32, v44;
	v4 =	vld [tilespmem:s18+$0x10610];
	v1 =	vadd.f32 v0, v14  }
0x363: {  	v27 =	vld [tilespmem:s18+$0x8600];
	v0 =	vadd.f32 v31, v10;
	v10 =	vadd.f32 v63, v59  }
0x364: {  	v36 =	vadd.f32 v57, v54;
	v3 =	vld [tilespmem:s18+$0x660];
	v14 =	vadd.f32 v43, v39  }
0x365: {  	v5 =	vld [tilespmem:s18+$0x8660];
	v0 =	vsub.f32 v0, v30;
	v30 =	vsub.f32 v10, v38  }
0x366: {  	v31 =	vld [tilespmem:s18+$0x8680];
	v10 =	vsub.f32 v26, v7;
	v14 =	vsub.f32 v14, v58  }
0x367: {  	p0 =	sne.s32 s20, $0x1F000;
	(xrf2) =	vadd.scan.msk.f32 $0xffff, v6;
	v58 =	vadd.f32 v33, v56;
	v33 =	vld [tilespmem:s18+$0x8610];
	v6 =	vand.u32 $0x7FFFFFFF, v0;
	v26 =	vand.u32 $0x7FFFFFFF, v30  }
.Ltmp0:
0x368: {  	v0 =	vsub.f32 v29, v37;
	v29 =	vld [tilespmem:s18+$0x600];
	v26 =	vadd.f32 v26, v6;
	(pc) =	sbr.rel @p0 .LBB2_2-.Ltmp0, $4  }
0x369: {  	v59 =	vadd.f32 v23, v21;
	v21 =	vadd.f32 v47, v42;
	v30 =	vld [tilespmem:s18+$0x610];
	v7 =	vand.u32 $0x7FFFFFFF, v14  }
0x36a: {  	v23 =	vsub.f32 v58, v28;
	v28 =	vld [tilespmem:s18+$0x8640];
	v63 =	vadd.f32 v7, v26  }
0x36b: {  	(xrf2) =	vadd.scan.msk.f32 $0xffff, v52;
	v6 =	vadd.f32 v50, v35;
	v35 =	vadd.f32 v31, v53;
	v31 =	vld [tilespmem:s18+$0x650];
	v14, _, _ =	vpop (xrf2);
	v7 =	vand.u32 $0x7FFFFFFF, v16  }
0x36c: {  	s20 =	sadd.s32 $0x1000, s20;
	v32 =	vsub.f32 v59, v25;
	(xrf2) =	vadd.scan.msk.f32 $0xffff, v55;
	v26 =	vld [tilespmem:s18+$0x640];
	v16, _, _ =	vpop (xrf2);
	v25 =	vadd.f32 v7, v63  }
0x36d: {  	v27 =	vadd.f32 v27, v29;
	v39 =	vld [tilespmem:s18+$0x8650];
	v22 =	vsub.f32 v35, v22  }
0x36e: {  	v41 =	vld [tilespmem:s18+$0x10640];
	v24 =	vsub.f32 v36, v24;
	v19 =	vsub.f32 v34, v19  }
0x36f: {  	v42 =	vld [tilespmem:s18+$0x10650];
	v3 =	vadd.f32 v5, v3;
	v30 =	vadd.f32 v33, v30  }
0x370: {  	v43 =	vld [tilespmem:s18+$0x10660];
	v9 =	vsub.f32 v27, v9;
	v22 =	vand.u32 $0x7FFFFFFF, v22;
	v24 =	vand.u32 $0x7FFFFFFF, v24  }
0x371: {  	v48 =	vld [tilespmem:s18+$0x10710];
	v10 =	vand.u32 $0x7FFFFFFF, v10;
	v4 =	vsub.f32 v30, v4;
	v44 =	vadd.f32 v24, v22  }
0x372: {  	v49 =	vld [tilespmem:s18+$0x10670];
	v32 =	vand.u32 $0x7FFFFFFF, v32;
	v46 =	vadd.f32 v28, v26;
	v47 =	vadd.f32 v39, v31  }
0x373: {  	v50 =	vld [tilespmem:s18+$0x107D0];
	v23 =	vand.u32 $0x7FFFFFFF, v23;
	v9 =	vand.u32 $0x7FFFFFFF, v9;
	v5 =	vadd.f32 v32, v44  }
0x374: {  	v4 =	vand.u32 $0x7FFFFFFF, v4;
	v22 =	vsub.f32 v46, v41;
	v24 =	vsub.f32 v47, v42  }
0x375: {  	v19 =	vand.u32 $0x7FFFFFFF, v19;
	v3 =	vsub.f32 v3, v43;
	v4 =	vadd.f32 v4, v9  }
0x376: {  	v53 =	vld [tilespmem:s18+$0x10730];
	v6 =	vsub.f32 v6, v48;
	v51 =	vand.u32 $0x7FFFFFFF, v22;
	v52 =	vand.u32 $0x7FFFFFFF, v24  }
0x377: {  	v56 =	vld [tilespmem:s18+$0x10890];
	v0 =	vand.u32 $0x7FFFFFFF, v0;
	v4 =	vadd.f32 v19, v4;
	v19 =	vadd.f32 v52, v51  }
0x378: {  	(xrf2) =	vadd.scan.msk.f32 $0xffff, v2;
	v59 =	vld [tilespmem:s18+$0x107F0];
	v55 =	vsub.f32 v21, v49;
	v63 =	vsub.f32 v17, v50;
	v3 =	vand.u32 $0x7FFFFFFF, v3  }
0x379: {  	v36 =	vld [tilespmem:$0x1FD10];
	(xrf2) =	vadd.scan.msk.f32 $0xffff, v1;
	v5 =	vadd.f32 v10, v5;
	v58 =	vand.u32 $0x7FFFFFFF, v6;
	v57 =	vadd.f32 v3, v19  }
0x37a: {  	(xrf2) =	vadd.scan.msk.f32 $0xffff, v25;
	v25 =	vld [tilespmem:s18+$0x109D0];
	v0 =	vadd.f32 v58, v0;
	v54 =	vadd.f32 v23, v4;
	v4 =	vand.u32 $0x7FFFFFFF, v55  }
0x37b: {  	v17 =	vand.u32 $0x7FFFFFFF, v20;
	v18 =	vsub.f32 v18, v53;
	(xrf2) =	vadd.scan.msk.f32 $0xffff, v5;
	v19 =	vld [tilespmem:s18+$0x10950];
	v1 =	vadd.f32 v4, v57  }
0x37c: {  	v20 =	vand.u32 $0x7FFFFFFF, v15;
	v21 =	vld [tilespmem:s18+$0x108B0];
	v0 =	vadd.f32 v17, v0;
	(xrf2) =	vadd.scan.msk.f32 $0xffff, v54;
	v3 =	vand.u32 $0x7FFFFFFF, v63  }
0x37d: {  	v27 =	vld [tilespmem:s18+$0x10970];
	v22 =	vsub.f32 v12, v56;
	v5 =	vand.u32 $0x7FFFFFFF, v18;
	v2 =	vadd.f32 v3, v20;
	(xrf2) =	vadd.scan.msk.f32 $0xffff, v1  }
0x37e: {  	v39 =	vld [tilespmem:$0x1FD20];
	v24 =	vsub.f32 v8, v59;
	v23 =	vand.u32 $0x7FFFFFFF, v13;
	v0 =	vadd.f32 v5, v0  }
0x37f: {  	v30 =	vld [tilespmem:s18+$0x109E0];
	v7, _, _ =	vpop (xrf2);
	v26 =	vand.u32 $0x7FFFFFFF, v11;
	v3 =	vand.u32 $0x7FFFFFFF, v22;
	v1 =	vadd.f32 v23, v2  }
0x380: {  	v43 =	vld [tilespmem:$0x1FD00];
	v28, _, _ =	vpop (xrf2);
	v5 =	vand.u32 $0x7FFFFFFF, v24;
	v2 =	vadd.f32 v3, v26;
	v29 =	vsub.f32 v40, v19;
	(xrf2) =	vadd.scan.msk.f32 $0xffff, v0  }
0x381: {  	v32 =	vand.u32 $0x7FFFFFFF, v60;
	v41 =	vld [tilespmem:$0x1FCE0];
	v31, _, _ =	vpop (xrf2);
	v4 =	vsub.f32 v45, v21;
	v1 =	vadd.f32 v5, v1  }
0x382: {  	v34 =	vand.u32 $0x7FFFFFFF, v62;
	v33, _, _ =	vpop (xrf2);
	v2 =	vadd.f32 v32, v2;
	v3 =	vand.u32 $0x7FFFFFFF, v29  }
0x383: {  	v6 =	vsub.f32 v39, v27;
	v35, _, _ =	vpop (xrf2);
	v4 =	vand.u32 $0x7FFFFFFF, v4;
	v3 =	vadd.f32 v3, v34;
	(xrf2) =	vadd.scan.msk.f32 $0xffff, v1  }
0x384: {  	v38 =	vand.u32 $0x7FFFFFFF, v61;
	v37, _, _ =	vpop (xrf2);
	v5 =	vsub.f32 v36, v25;
	v2 =	vadd.f32 v4, v2  }
0x385: {  	v49 =	vld [tilespmem:$0x1FCF0];
	v13 =	vand.u32 $0x7FFFFFFF, v43;
	v40, _, _ =	vpop (xrf2);
	v3 =	vadd.f32 v38, v3  }
0x386: {  	v6 =	vand.u32 $0x7FFFFFFF, v6;
	v4 =	vsub.f32 v41, v30;
	v5 =	vand.u32 $0x7FFFFFFF, v5;
	v42, _, _ =	vpop (xrf2);
	(xrf2) =	vadd.scan.msk.f32 $0xffff, v2  }
0x387: {  	v45 =	vadd.f32 v5, v13;
	v44 =	vadd.f32 v6, v3;
	v46, _, _ =	vpop (xrf2)  }
0x388: {  	v4 =	vand.u32 $0x7FFFFFFF, v4;
	v47 =	vbroadcast v42, $0xF;
	v5 =	vbroadcast v46, $0xF  }
0x389: {  	v9 =	vbroadcast v40, $0xF;
	v3 =	vadd.f32 v4, v45;
	(xrf2) =	vadd.scan.msk.f32 $0xffff, v44  }
0x38a: {  	v1 =	vbroadcast v37, $0xF;
	v4 =	vand.u32 $0x7FFFFFFF, v49;
	v50, _, _ =	vpop (xrf2);
	v48 =	vsel vm0, v47, v5  }
0x38b: {  	v3 =	vadd.f32 v4, v3;
	v5 =	vbroadcast v50, $0xF;
	v2 =	vsel vm1, v48, v9  }
0x38c: {  	v51 =	vbroadcast v35, $0xF;
	v1 =	vsel vm2, v2, v1  }
0x38d: {  	v52 =	vbroadcast v33, $0xF;
	v53, _, _ =	vpop (xrf2);
	(xrf2) =	vadd.scan.msk.f32 $0xffff, v3;
	v1 =	vsel vm3, v1, v5  }
0x38e: {  	v54 =	vbroadcast v53, $0xF;
	v1 =	vsel vm4, v1, v51  }
0x38f: {  	v0 =	vbroadcast v31, $0xF;
	v1 =	vsel vm5, v1, v52  }
0x390: {  	v55 =	vbroadcast v28, $0xF;
	v56, _, _ =	vpop (xrf2);
	v1 =	vsel vm6, v1, v54  }
0x391: {  	v57 =	vbroadcast v56, $0xF;
	v0 =	vsel vm7, v1, v0  }
0x392: {  	v58 =	vbroadcast v7, $0xF;
	v0 =	vsel vm8, v0, v55  }
0x393: {  	v59 =	vbroadcast v16, $0xF;
	v60, _, _ =	vpop (xrf2);
	v0 =	vsel vm9, v0, v57  }
0x394: {  	v61 =	vbroadcast v60, $0xF;
	v0 =	vsel vm10, v0, v58  }
0x395: {  	v62 =	vbroadcast v14, $0xF;
	v0 =	vsel vm11, v0, v59  }
0x396: {  	v0 =	vsel vm12, v0, v61  }
0x397: {  	s17 =	sadd.s32 $0x1, s17;
	v63, _, _ =	vpop (xrf2);
	v0 =	vsel vm13, v0, v62  }
0x398: {  	s20 =	sadd.s32 $0x10, s19;
	p0 =	sne.s32 s17, s9;
	v0 =	vsel vm14, v0, v63  }
.Ltmp1:
0x399: {  	[tilespmem:s20+$0x0] =	vst v0;
	(pc) =	sbr.rel @p0 .LBB2_1-.Ltmp1, $4  }
0x39a: {  	[hbm4b:s8+s1] =	stream.linear.scatter [tilespmem:s16], [sflag:$0x2], $0x200, $0x38;
	[tilespmem:$0x18800] =	vst v63  }
0x39b: {  	_ =	swait.ge [sflag:s10], $0x200  }
0x39c: {  	[sflag:s10] =	ssyncset.done $0x0  }
0x39d: {  	[sflag:s10] =	ssyncadd.s32 $0xFFFFFE00  }
0x39e: {  	_ =	sfence.sel $0x180000  }
0x39f: {  	[bflag:$0x0] =	sbarrier.arrive $0xFFFF  }
0x3a0: {  	_ =	strace $0x90000047  }
0x3a1: {  	s0 =	stileid.u32;
	[bflag:$0x2] =	sbarrier.arrive $0xFFFF  }
0x3a2: {  	p0 =	sne.s32 s0, $0x0;
	s0 =	rddreg [dreg:$0x5]  }
0x3a3: {  	s0 =	sadd.s32 @!p0 $0x100000, s0  }
0x3a4: {  	[sflag:s0] =	ssyncadd.tile.s32 @!p0 $0x1;
	_ =	shalt  }
.Lfunc_end2:
_tile_overlayer_lowered:
.L_overlay_start_2:
0x3a5: {  	(tag) =	ssettag $0x2  }
0x3a6: {  	s0 =	rddreg [dreg:$0x0];
	s2 =	stileid.u32  }
0x3a7: {  	s1 =	rddreg [dreg:$0x1];
	p0 =	sne.s32 s2, $0x0  }
0x3a8: {  	s3 =	rddreg [dreg:$0x2];
	[bflag:$0x3] =	sbarrier.arrive $0xFFFF;
	s2 =	simm.s32 @!p0 $0x1C02  }
0x3a9: {  	[timem:s3], [sflag:s2] =	dma.local @!p0 [hbm:s0], s1  }
0x3aa: {  	s0 =	simm.s32 @!p0 $0x2  }
0x3ab: {  	_ =	swait.ge @!p0 [sflag:s0], s1  }
0x3ac: {  	s1 =	ssub.s32 @!p0 $0x0, s1;
	[sflag:s0] =	ssyncset.done @!p0 $0x0  }
0x3ad: {  	[sflag:s0] =	ssyncadd.s32 @!p0 s1  }
0x3ae: {  	[bflag:$0x3] =	sbarrier.arrive $0xFFFF  }
0x3af: {  	_ =	shalt  }

</sc_bundles>
